<compile_context>
chip_gen: v7x
topology: tpu7x:2x2x1
jax: 0.10.2.dev20260603
libtpu: 0.0.44.dev20260713+nightly
codegen_flags: <defaults>
</compile_context>

<pallas_src>
import jax
import jax.numpy as jnp
from jax import lax
from jax.experimental import pallas as pl
from jax.experimental.pallas import tpu as pltpu
from jax.experimental.pallas import tpu_sc as plsc

N = 10000
E = 320000
F_IN = 128
HID = 128
CLS = 40
CPAD = 48

NC, NS = 2, 16
NW = NC * NS
NPAD = 10112
RPT = NPAD // NS
CHUNK = 80
EPT = 10240
NCHUNK = EPT // CHUNK
DEG_W = 16
RB = 1264


def _mesh():
    return plsc.VectorSubcoreMesh(
        core_axis_name="c", subcore_axis_name="s",
        num_cores=NC, num_subcores=NS)


_SC_PARAMS = pltpu.CompilerParams(use_tc_tiling_on_sc=False)



DEG_K = 8
DCHUNK = 128
DNCHUNK = EPT // DCHUNK


def _deg_body(col_hbm, ones_hbm, zeros_hbm, out_hbm, col_v, ones_v, acc,
              dsem):
    c = lax.axis_index("c")
    s = lax.axis_index("s")
    wid = s * NC + c
    pltpu.sync_copy(zeros_hbm.at[pl.ds(s * RPT, RPT)],
                    acc.at[pl.ds(s * RPT, RPT)])
    pltpu.sync_copy(col_hbm.at[wid], col_v)
    pltpu.sync_copy(ones_hbm, ones_v)
    plsc.subcore_barrier()

    def body(j2, carry):
        for b in range(DEG_K):
            pltpu.async_copy(ones_v, acc.at[col_v.at[j2 * DEG_K + b]],
                             dsem, add=True)
        for b in range(DEG_K):
            pltpu.make_async_copy(ones_v, acc.at[col_v.at[0]], dsem).wait()
        return carry

    lax.fori_loop(0, DNCHUNK // DEG_K, body, 0)
    plsc.subcore_barrier()
    pltpu.sync_copy(acc.at[pl.ds(s * RPT, RPT)],
                    out_hbm.at[c, pl.ds(s * RPT, RPT)])


def _sc_degree(col_tiles, ones, zeros16):
    return pl.kernel(
        _deg_body,
        out_type=jax.ShapeDtypeStruct((NC, NPAD, DEG_W), jnp.float32),
        mesh=_mesh(),
        scratch_types=[
            pltpu.VMEM((DNCHUNK, DCHUNK), jnp.int32),
            pltpu.VMEM((DCHUNK, DEG_W), jnp.float32),
            pltpu.VMEM_SHARED((NPAD, DEG_W), jnp.float32),
            pltpu.SemaphoreType.DMA,
        ],
        compiler_params=_SC_PARAMS,
    )(col_tiles, ones, zeros16)


NBUF = 4


def _prop_pass(y2d, col_v, out2d, bufs, acc, gsems, ssems, row_v, s, c):
    for b in range(NBUF - 1):
        pltpu.async_copy(y2d.at[row_v.at[b]], bufs[b], gsems[b])

    def body(j2, carry):
        for b in range(NBUF):
            j = j2 * NBUF + b
            nb = (b + NBUF - 1) % NBUF
            pltpu.make_async_copy(y2d.at[row_v.at[j]], bufs[b],
                                  gsems[b]).wait()
            pltpu.async_copy(bufs[b], acc.at[col_v.at[j]], ssems[b], add=True)
            def _wait_prev(j=j, nb=nb):
                pltpu.make_async_copy(bufs[nb], acc.at[col_v.at[j]],
                                      ssems[nb]).wait()
            if b == 0:
                pl.when(j2 > 0)(_wait_prev)
            else:
                _wait_prev()
            jn = jnp.minimum(j + NBUF - 1, NCHUNK - 1)
            pltpu.async_copy(y2d.at[row_v.at[jn]], bufs[nb], gsems[nb])
        return carry

    lax.fori_loop(0, NCHUNK // NBUF, body, 0)
    lb = (NCHUNK - 1) % NBUF
    pltpu.make_async_copy(bufs[lb], acc.at[col_v.at[0]], ssems[lb]).wait()
    for b in range(NBUF - 1):
        pltpu.make_async_copy(y2d.at[row_v.at[0]], bufs[b], gsems[b]).wait()
    plsc.subcore_barrier()
    pltpu.sync_copy(acc.at[pl.ds(s * RPT, RPT)],
                    out2d.at[pl.ds(s * RPT, RPT)])


def _make_prop_body(npass):
    def body(y_hbm, row_hbm, col_hbm, zeros_hbm, out_hbm,
             row_v, col_v, b0, b1, b2, b3, ystage, acc,
             g0, g1, g2, g3, s0, s1, s2, s3):
        bufs = (b0, b1, b2, b3)
        gsems = (g0, g1, g2, g3)
        ssems = (s0, s1, s2, s3)
        c = lax.axis_index("c")
        s = lax.axis_index("s")
        wid = s * NC + c
        pltpu.sync_copy(row_hbm.at[wid], row_v)
        pltpu.sync_copy(col_hbm.at[wid], col_v)
        for p in range(npass):
            pltpu.sync_copy(y_hbm.at[p, pl.ds(s * RPT, RPT)],
                            ystage.at[pl.ds(s * RPT, RPT)])

            @pl.when(c == 0)
            def _():
                pltpu.sync_copy(y_hbm.at[p, pl.ds(s * RPT, RPT)],
                                acc.at[pl.ds(s * RPT, RPT)])

            @pl.when(c != 0)
            def _():
                pltpu.sync_copy(zeros_hbm.at[pl.ds(s * RPT, RPT)],
                                acc.at[pl.ds(s * RPT, RPT)])

            plsc.subcore_barrier()
            _prop_pass(ystage, col_v, out_hbm.at[c, p], bufs, acc,
                       gsems, ssems, row_v, s, c)
    return body


def _sc_propagate(y, row_tiles, col_tiles, zeros, width, npass):
    return pl.kernel(
        _make_prop_body(npass),
        out_type=jax.ShapeDtypeStruct((NC, npass, NPAD, width), jnp.float32),
        mesh=_mesh(),
        scratch_types=[
            pltpu.VMEM((NCHUNK, CHUNK), jnp.int32),
            pltpu.VMEM((NCHUNK, CHUNK), jnp.int32),
        ] + [pltpu.VMEM((CHUNK, width), jnp.float32)] * NBUF + [
            pltpu.VMEM_SHARED((NPAD, width), jnp.float32),
            pltpu.VMEM_SHARED((NPAD, width), jnp.float32),
        ] + [pltpu.SemaphoreType.DMA] * (2 * NBUF),
        compiler_params=_SC_PARAMS,
    )(y, row_tiles, col_tiles, zeros)



def _dinv(degp_ref):
    deg = degp_ref[0, :, 0:1] + degp_ref[1, :, 0:1] + 1.0
    return lax.rsqrt(deg)


def _mm1_body(x_ref, w_ref, xw_ref):
    xw_ref[...] = jnp.dot(x_ref[...], w_ref[...],
                          preferred_element_type=jnp.float32)


def _tc_mm1(xpad, W1):
    grid = (NPAD // RB,)
    return pl.pallas_call(
        _mm1_body,
        grid=grid,
        in_specs=[
            pl.BlockSpec((RB, F_IN), lambda i: (i, 0)),
            pl.BlockSpec((F_IN, HID), lambda i: (0, 0)),
        ],
        out_specs=pl.BlockSpec((RB, HID), lambda i: (i, 0)),
        out_shape=jax.ShapeDtypeStruct((NPAD, HID), jnp.float32),
    )(xpad, W1)


def _scale1_body(xw_ref, degp_ref, y_ref):
    y = xw_ref[...] * _dinv(degp_ref)
    y_ref[0] = y[:, :HID // 2]
    y_ref[1] = y[:, HID // 2:]


def _tc_scale1(xw, degp):
    grid = (NPAD // RB,)
    return pl.pallas_call(
        _scale1_body,
        grid=grid,
        in_specs=[
            pl.BlockSpec((RB, HID), lambda i: (i, 0)),
            pl.BlockSpec((NC, RB, DEG_W), lambda i: (0, i, 0)),
        ],
        out_specs=pl.BlockSpec((2, RB, HID // 2), lambda i: (0, i, 0)),
        out_shape=jax.ShapeDtypeStruct((2, NPAD, HID // 2), jnp.float32),
    )(xw, degp)


def _lin2_body(sp_ref, degp_ref, b1_ref, w2_ref, y2_ref):
    dinv = _dinv(degp_ref)
    tot = sp_ref[0] + sp_ref[1]
    pre = dinv * jnp.concatenate([tot[0], tot[1]], axis=1) + b1_ref[...]
    h = jnp.maximum(pre, 0.0)
    y2_ref[...] = jnp.dot(h, w2_ref[...],
                          preferred_element_type=jnp.float32) * dinv


def _tc_lin2(s1, degp, b1r, W2p):
    grid = (NPAD // RB,)
    return pl.pallas_call(
        _lin2_body,
        grid=grid,
        in_specs=[
            pl.BlockSpec((NC, 2, RB, HID // 2), lambda i: (0, 0, i, 0)),
            pl.BlockSpec((NC, RB, DEG_W), lambda i: (0, i, 0)),
            pl.BlockSpec((1, HID), lambda i: (0, 0)),
            pl.BlockSpec((HID, CPAD), lambda i: (0, 0)),
        ],
        out_specs=pl.BlockSpec((RB, CPAD), lambda i: (i, 0)),
        out_shape=jax.ShapeDtypeStruct((NPAD, CPAD), jnp.float32),
    )(s1, degp, b1r, W2p)


def _out_body(tp_ref, degp_ref, b2_ref, o_ref):
    dinv = _dinv(degp_ref)
    z = dinv * (tp_ref[0] + tp_ref[1]) + b2_ref[...]
    colid = lax.broadcasted_iota(jnp.int32, z.shape, 1)
    z = jnp.where(colid < CLS, z, -1e30)
    m = jnp.max(z, axis=1, keepdims=True)
    lse = jnp.log(jnp.sum(jnp.exp(z - m), axis=1, keepdims=True)) + m
    o_ref[...] = z - lse


def _tc_out(t1, degp, b2p):
    grid = (NPAD // RB,)
    return pl.pallas_call(
        _out_body,
        grid=grid,
        in_specs=[
            pl.BlockSpec((NC, RB, CPAD), lambda i: (0, i, 0)),
            pl.BlockSpec((NC, RB, DEG_W), lambda i: (0, i, 0)),
            pl.BlockSpec((1, CPAD), lambda i: (0, 0)),
        ],
        out_specs=pl.BlockSpec((RB, CPAD), lambda i: (i, 0)),
        out_shape=jax.ShapeDtypeStruct((NPAD, CPAD), jnp.float32),
    )(t1, degp, b2p)



def kernel(x, edge_index, W1, b1, W2, b2):
    ei = edge_index.astype(jnp.int32)
    padn = NW * EPT - E
    rowp = jnp.concatenate(
        [ei[0], jnp.full((padn,), N, jnp.int32)]).reshape(NW, NCHUNK, CHUNK)
    colp = jnp.concatenate(
        [ei[1], jnp.full((padn,), N, jnp.int32)]).reshape(NW, NCHUNK, CHUNK)
    xpad = jnp.zeros((NPAD, F_IN), jnp.float32).at[:N].set(x)
    ones16 = jnp.ones((DCHUNK, DEG_W), jnp.float32)
    z16 = jnp.zeros((NPAD, DEG_W), jnp.float32)
    z64 = jnp.zeros((NPAD, HID // 2), jnp.float32)
    z48 = jnp.zeros((NPAD, CPAD), jnp.float32)
    W2p = jnp.zeros((HID, CPAD), jnp.float32).at[:, :CLS].set(W2)
    b2p = jnp.zeros((1, CPAD), jnp.float32).at[0, :CLS].set(b2)
    b1r = b1.reshape(1, HID)

    degp = _sc_degree(colp.reshape(NW, DNCHUNK, DCHUNK), ones16, z16)
    xw = _tc_mm1(xpad, W1)
    y1 = _tc_scale1(xw, degp)
    s1 = _sc_propagate(y1, rowp, colp, z64, HID // 2, 2)
    y2 = _tc_lin2(s1, degp, b1r, W2p)
    t1 = _sc_propagate(y2.reshape(1, NPAD, CPAD), rowp, colp, z48, CPAD, 1)
    out = _tc_out(t1.reshape(NC, NPAD, CPAD), degp, b2p)
    return out[:N, :CLS]

# --- scband reference (transcript-rebuilt; emitter-appended) ---
"""Pipeline reference for scband-gcn-65524021068099 (READ-ONLY COPY).

The authoritative reference and input builder live on the scoring server;
editing this copy changes nothing except your own understanding.
"""

import jax, jax.numpy as jnp
import numpy as np

N = 10000
E = 320000
F_IN = 128
HID = 128
CLS = 40


def gcn_conv(x, edge_index, W, b, num_nodes):
    # PyG GCNConv with default add_self_loops=True, normalize=True, bias=True
    row = edge_index[0]
    col = edge_index[1]
    loop = jnp.arange(num_nodes, dtype=row.dtype)
    row = jnp.concatenate([row, loop])
    col = jnp.concatenate([col, loop])
    # linear transform first (as in PyG)
    x = x @ W
    # symmetric normalization D^{-1/2} (A+I) D^{-1/2}
    deg = jnp.zeros((num_nodes,), x.dtype).at[col].add(1.0)
    dinv = jnp.where(deg > 0, deg ** -0.5, 0.0)
    norm = dinv[row] * dinv[col]
    msg = x[row] * norm[:, None]
    out = jnp.zeros((num_nodes, x.shape[1]), x.dtype).at[col].add(msg)
    return out + b


def setup_inputs(seed: int = 0) -> dict:
    key = jax.random.key(seed)
    k1, k2, k3, k4, k5, k6 = jax.random.split(key, 6)
    x = jax.random.normal(k1, (N, F_IN), dtype=jnp.float32)
    edge_index = jax.random.randint(k2, (2, E), 0, N)
    W1 = jax.random.normal(k3, (F_IN, HID), dtype=jnp.float32) * (1.0 / np.sqrt(F_IN))
    b1 = jnp.zeros((HID,), dtype=jnp.float32)
    W2 = jax.random.normal(k4, (HID, CLS), dtype=jnp.float32) * (1.0 / np.sqrt(HID))
    b2 = jnp.zeros((CLS,), dtype=jnp.float32)
    return {"x": x, "edge_index": edge_index, "W1": W1, "b1": b1, "W2": W2, "b2": b2}


def reference(x, edge_index, W1, b1, W2, b2):
    h = jax.nn.relu(gcn_conv(x, edge_index, W1, b1, N))
    # dropout p=0.5 is identity in eval mode (train=False)
    out = gcn_conv(h, edge_index, W2, b2, N)
    return jax.nn.log_softmax(out, axis=1)

if __name__ == "__main__":
    import jax
    _d = setup_inputs()
    print(jax.jit(kernel)(*tuple(_d.values())))

</pallas_src>

<mosaic_0001>
#map = affine_map<(d0, d1) -> (0, 0, 0)>
#map1 = affine_map<(d0, d1) -> (0, 0)>
module attributes {stable_mosaic.version = 14 : i64} {
  func.func @_deg_body(%arg0: i32, %arg1: i32, %arg2: memref<32x80x128xi32, #tpu.memory_space<hbm>>, %arg3: memref<128x16xf32, #tpu.memory_space<hbm>>, %arg4: memref<10112x16xf32, #tpu.memory_space<hbm>>, %arg5: memref<2x10112x16xf32, #tpu.memory_space<hbm>>, %arg6: memref<80x128xi32, #tpu.memory_space<vmem>>, %arg7: memref<128x16xf32, #tpu.memory_space<vmem>>, %arg8: memref<10112x16xf32, #tpu.memory_space<vmem_shared>>, %arg9: memref<!tpu.dma_semaphore, #tpu.memory_space<semaphore_mem>>) attributes {dimension_semantics = [#tpu.dimension_semantics<core_parallel>, #tpu.dimension_semantics<subcore_parallel>], iteration_bounds = array<i64: 2, 16>, scalar_prefetch = 0 : i64, scratch_operands = 4 : i64, tpu.core_type = #tpu.core_type<sc_vector_subcore>, window_params = [{transform_indices = #map}, {transform_indices = #map1}, {transform_indices = #map1}, {transform_indices = #map}]} {
    %mul3A = arith.constant 2 : i32
    %mul3A_0 = arith.muli %arg1, %mul3A : i32
    %add3A = arith.addi %mul3A_0, %arg0 : i32
    %mul3A_1 = arith.constant 632 : i32
    %mul3A_2 = arith.muli %arg1, %mul3A_1 : i32
    %mul3A_3 = arith.constant 632 : i32
    %mul3A_4 = arith.muli %arg1, %mul3A_3 : i32
    "tpu.region"() ({
      %run_scoped3A = tpu.sem_alloc : memref<!tpu.dma_semaphore, #tpu.memory_space<semaphore_mem>>
      %dma_start3A = arith.constant 0 : i32
      %dma_start3A_15 = tpu.memref_slice %arg8[%mul3A_4, %dma_start3A] : memref<10112x16xf32, #tpu.memory_space<vmem_shared>> -> memref<632x16xf32, #tpu.memory_space<vmem_shared>>
      %dma_start3A_16 = arith.constant 0 : i32
      %dma_start3A_17 = tpu.memref_slice %arg4[%mul3A_2, %dma_start3A_16] : memref<10112x16xf32, #tpu.memory_space<hbm>> -> memref<632x16xf32, #tpu.memory_space<hbm>>
      tpu.enqueue_dma source(%dma_start3A_17 : memref<632x16xf32, #tpu.memory_space<hbm>>) target(%dma_start3A_15 : memref<632x16xf32, #tpu.memory_space<vmem_shared>>) target_semaphore(%run_scoped3A : memref<!tpu.dma_semaphore, #tpu.memory_space<semaphore_mem>>)
      %dma_wait3A = arith.constant 0 : i32
      %dma_wait3A_18 = tpu.memref_slice %arg8[%mul3A_4, %dma_wait3A] : memref<10112x16xf32, #tpu.memory_space<vmem_shared>> -> memref<632x16xf32, #tpu.memory_space<vmem_shared>>
      %dma_wait3A_19 = arith.constant 0 : i32
      %dma_wait3A_20 = tpu.memref_slice %arg4[%mul3A_2, %dma_wait3A_19] : memref<10112x16xf32, #tpu.memory_space<hbm>> -> memref<632x16xf32, #tpu.memory_space<hbm>>
      tpu.wait_dma2 semaphore(%run_scoped3A : memref<!tpu.dma_semaphore, #tpu.memory_space<semaphore_mem>>) src(%dma_wait3A_20 : memref<632x16xf32, #tpu.memory_space<hbm>>) dst(%dma_wait3A_18 : memref<632x16xf32, #tpu.memory_space<vmem_shared>>)
      tpu.yield
    }) : () -> ()
    "tpu.region"() ({
      %run_scoped3A = tpu.sem_alloc : memref<!tpu.dma_semaphore, #tpu.memory_space<semaphore_mem>>
      %dma_start3A = arith.constant 0 : i32
      %dma_start3A_15 = arith.constant 0 : i32
      %dma_start3A_16 = tpu.memref_slice %arg2[%add3A, %dma_start3A, %dma_start3A_15] : memref<32x80x128xi32, #tpu.memory_space<hbm>> -> memref<1x80x128xi32, #tpu.memory_space<hbm>>
      %dma_start3A_17 = tpu.memref_squeeze %dma_start3A_16 : memref<1x80x128xi32, #tpu.memory_space<hbm>> -> memref<80x128xi32, #tpu.memory_space<hbm>>
      %dma_start3A_18 = arith.constant 0 : i32
      %dma_start3A_19 = arith.constant 0 : i32
      %dma_start3A_20 = tpu.memref_slice %arg2[%add3A, %dma_start3A_18, %dma_start3A_19] : memref<32x80x128xi32, #tpu.memory_space<hbm>> -> memref<1x80x128xi32, #tpu.memory_space<hbm>>
      %dma_start3A_21 = tpu.memref_squeeze %dma_start3A_20 : memref<1x80x128xi32, #tpu.memory_space<hbm>> -> memref<80x128xi32, #tpu.memory_space<hbm>>
      tpu.enqueue_dma source(%dma_start3A_21 : memref<80x128xi32, #tpu.memory_space<hbm>>) target(%arg6 : memref<80x128xi32, #tpu.memory_space<vmem>>) target_semaphore(%run_scoped3A : memref<!tpu.dma_semaphore, #tpu.memory_space<semaphore_mem>>)
      %dma_wait3A = arith.constant 0 : i32
      %dma_wait3A_22 = arith.constant 0 : i32
      %dma_wait3A_23 = tpu.memref_slice %arg2[%add3A, %dma_wait3A, %dma_wait3A_22] : memref<32x80x128xi32, #tpu.memory_space<hbm>> -> memref<1x80x128xi32, #tpu.memory_space<hbm>>
      %dma_wait3A_24 = tpu.memref_squeeze %dma_wait3A_23 : memref<1x80x128xi32, #tpu.memory_space<hbm>> -> memref<80x128xi32, #tpu.memory_space<hbm>>
      %dma_wait3A_25 = arith.constant 0 : i32
      %dma_wait3A_26 = arith.constant 0 : i32
      %dma_wait3A_27 = tpu.memref_slice %arg2[%add3A, %dma_wait3A_25, %dma_wait3A_26] : memref<32x80x128xi32, #tpu.memory_space<hbm>> -> memref<1x80x128xi32, #tpu.memory_space<hbm>>
      %dma_wait3A_28 = tpu.memref_squeeze %dma_wait3A_27 : memref<1x80x128xi32, #tpu.memory_space<hbm>> -> memref<80x128xi32, #tpu.memory_space<hbm>>
      tpu.wait_dma2 semaphore(%run_scoped3A : memref<!tpu.dma_semaphore, #tpu.memory_space<semaphore_mem>>) src(%dma_wait3A_28 : memref<80x128xi32, #tpu.memory_space<hbm>>) dst(%arg6 : memref<80x128xi32, #tpu.memory_space<vmem>>)
      tpu.yield
    }) : () -> ()
    "tpu.region"() ({
      %run_scoped3A = tpu.sem_alloc : memref<!tpu.dma_semaphore, #tpu.memory_space<semaphore_mem>>
      tpu.enqueue_dma source(%arg3 : memref<128x16xf32, #tpu.memory_space<hbm>>) target(%arg7 : memref<128x16xf32, #tpu.memory_space<vmem>>) target_semaphore(%run_scoped3A : memref<!tpu.dma_semaphore, #tpu.memory_space<semaphore_mem>>)
      tpu.wait_dma2 semaphore(%run_scoped3A : memref<!tpu.dma_semaphore, #tpu.memory_space<semaphore_mem>>) src(%arg3 : memref<128x16xf32, #tpu.memory_space<hbm>>) dst(%arg7 : memref<128x16xf32, #tpu.memory_space<vmem>>)
      tpu.yield
    }) : () -> ()
    %barrier3A = arith.constant 0 : index
    tpu.barrier barrier_id(%barrier3A)
    %scan3A = arith.constant 0 : i32
    %scan3A_5 = arith.constant 0 : i32
    %scan3A_6 = arith.constant 10 : i32
    %scan3A_7 = arith.addi %scan3A_5, %scan3A_6 : i32
    %scan3A_8 = arith.constant 1 : i32
    scf.for %scan3A_15 = %scan3A_5 to %scan3A_7 step %scan3A_8  : i32 {
      %mul3A_16 = arith.constant 8 : i32
      %mul3A_17 = arith.muli %scan3A_15, %mul3A_16 : i32
      %add3A_18 = arith.constant 0 : i32
      %add3A_19 = arith.addi %mul3A_17, %add3A_18 : i32
      %dma_start3A = arith.constant 0 : i32
      %dma_start3A_20 = tpu.memref_slice %arg6[%add3A_19, %dma_start3A] : memref<80x128xi32, #tpu.memory_space<vmem>> -> memref<1x128xi32, #tpu.memory_space<vmem>>
      %dma_start3A_21 = tpu.memref_squeeze %dma_start3A_20 : memref<1x128xi32, #tpu.memory_space<vmem>> -> memref<128xi32, #tpu.memory_space<vmem>>
      %dma_start3A_22 = arith.constant 0 : i32
      %dma_start3A_23 = arith.constant 0 : i32
      %dma_start3A_24 = tpu.memref_slice %arg8[%dma_start3A_22, %dma_start3A_23] : memref<10112x16xf32, #tpu.memory_space<vmem_shared>> -> memref<10112x16xf32, #tpu.memory_space<vmem_shared>>
      tpu.enqueue_indirect_dma source(%arg7 : memref<128x16xf32, #tpu.memory_space<vmem>>) target(%dma_start3A_24 : memref<10112x16xf32, #tpu.memory_space<vmem_shared>>) offsets(%dma_start3A_21 : memref<128xi32, #tpu.memory_space<vmem>>) semaphore(%arg9 : memref<!tpu.dma_semaphore, #tpu.memory_space<semaphore_mem>>) {add = true}
      %mul3A_25 = arith.constant 8 : i32
      %mul3A_26 = arith.muli %scan3A_15, %mul3A_25 : i32
      %add3A_27 = arith.constant 1 : i32
      %add3A_28 = arith.addi %mul3A_26, %add3A_27 : i32
      %dma_start3A_29 = arith.constant 0 : i32
      %dma_start3A_30 = tpu.memref_slice %arg6[%add3A_28, %dma_start3A_29] : memref<80x128xi32, #tpu.memory_space<vmem>> -> memref<1x128xi32, #tpu.memory_space<vmem>>
      %dma_start3A_31 = tpu.memref_squeeze %dma_start3A_30 : memref<1x128xi32, #tpu.memory_space<vmem>> -> memref<128xi32, #tpu.memory_space<vmem>>
      %dma_start3A_32 = arith.constant 0 : i32
      %dma_start3A_33 = arith.constant 0 : i32
      %dma_start3A_34 = tpu.memref_slice %arg8[%dma_start3A_32, %dma_start3A_33] : memref<10112x16xf32, #tpu.memory_space<vmem_shared>> -> memref<10112x16xf32, #tpu.memory_space<vmem_shared>>
      tpu.enqueue_indirect_dma source(%arg7 : memref<128x16xf32, #tpu.memory_space<vmem>>) target(%dma_start3A_34 : memref<10112x16xf32, #tpu.memory_space<vmem_shared>>) offsets(%dma_start3A_31 : memref<128xi32, #tpu.memory_space<vmem>>) semaphore(%arg9 : memref<!tpu.dma_semaphore, #tpu.memory_space<semaphore_mem>>) {add = true}
      %mul3A_35 = arith.constant 8 : i32
      %mul3A_36 = arith.muli %scan3A_15, %mul3A_35 : i32
      %add3A_37 = arith.constant 2 : i32
      %add3A_38 = arith.addi %mul3A_36, %add3A_37 : i32
      %dma_start3A_39 = arith.constant 0 : i32
      %dma_start3A_40 = tpu.memref_slice %arg6[%add3A_38, %dma_start3A_39] : memref<80x128xi32, #tpu.memory_space<vmem>> -> memref<1x128xi32, #tpu.memory_space<vmem>>
      %dma_start3A_41 = tpu.memref_squeeze %dma_start3A_40 : memref<1x128xi32, #tpu.memory_space<vmem>> -> memref<128xi32, #tpu.memory_space<vmem>>
      %dma_start3A_42 = arith.constant 0 : i32
      %dma_start3A_43 = arith.constant 0 : i32
      %dma_start3A_44 = tpu.memref_slice %arg8[%dma_start3A_42, %dma_start3A_43] : memref<10112x16xf32, #tpu.memory_space<vmem_shared>> -> memref<10112x16xf32, #tpu.memory_space<vmem_shared>>
      tpu.enqueue_indirect_dma source(%arg7 : memref<128x16xf32, #tpu.memory_space<vmem>>) target(%dma_start3A_44 : memref<10112x16xf32, #tpu.memory_space<vmem_shared>>) offsets(%dma_start3A_41 : memref<128xi32, #tpu.memory_space<vmem>>) semaphore(%arg9 : memref<!tpu.dma_semaphore, #tpu.memory_space<semaphore_mem>>) {add = true}
      %mul3A_45 = arith.constant 8 : i32
      %mul3A_46 = arith.muli %scan3A_15, %mul3A_45 : i32
      %add3A_47 = arith.constant 3 : i32
      %add3A_48 = arith.addi %mul3A_46, %add3A_47 : i32
      %dma_start3A_49 = arith.constant 0 : i32
      %dma_start3A_50 = tpu.memref_slice %arg6[%add3A_48, %dma_start3A_49] : memref<80x128xi32, #tpu.memory_space<vmem>> -> memref<1x128xi32, #tpu.memory_space<vmem>>
      %dma_start3A_51 = tpu.memref_squeeze %dma_start3A_50 : memref<1x128xi32, #tpu.memory_space<vmem>> -> memref<128xi32, #tpu.memory_space<vmem>>
      %dma_start3A_52 = arith.constant 0 : i32
      %dma_start3A_53 = arith.constant 0 : i32
      %dma_start3A_54 = tpu.memref_slice %arg8[%dma_start3A_52, %dma_start3A_53] : memref<10112x16xf32, #tpu.memory_space<vmem_shared>> -> memref<10112x16xf32, #tpu.memory_space<vmem_shared>>
      tpu.enqueue_indirect_dma source(%arg7 : memref<128x16xf32, #tpu.memory_space<vmem>>) target(%dma_start3A_54 : memref<10112x16xf32, #tpu.memory_space<vmem_shared>>) offsets(%dma_start3A_51 : memref<128xi32, #tpu.memory_space<vmem>>) semaphore(%arg9 : memref<!tpu.dma_semaphore, #tpu.memory_space<semaphore_mem>>) {add = true}
      %mul3A_55 = arith.constant 8 : i32
      %mul3A_56 = arith.muli %scan3A_15, %mul3A_55 : i32
      %add3A_57 = arith.constant 4 : i32
      %add3A_58 = arith.addi %mul3A_56, %add3A_57 : i32
      %dma_start3A_59 = arith.constant 0 : i32
      %dma_start3A_60 = tpu.memref_slice %arg6[%add3A_58, %dma_start3A_59] : memref<80x128xi32, #tpu.memory_space<vmem>> -> memref<1x128xi32, #tpu.memory_space<vmem>>
      %dma_start3A_61 = tpu.memref_squeeze %dma_start3A_60 : memref<1x128xi32, #tpu.memory_space<vmem>> -> memref<128xi32, #tpu.memory_space<vmem>>
      %dma_start3A_62 = arith.constant 0 : i32
      %dma_start3A_63 = arith.constant 0 : i32
      %dma_start3A_64 = tpu.memref_slice %arg8[%dma_start3A_62, %dma_start3A_63] : memref<10112x16xf32, #tpu.memory_space<vmem_shared>> -> memref<10112x16xf32, #tpu.memory_space<vmem_shared>>
      tpu.enqueue_indirect_dma source(%arg7 : memref<128x16xf32, #tpu.memory_space<vmem>>) target(%dma_start3A_64 : memref<10112x16xf32, #tpu.memory_space<vmem_shared>>) offsets(%dma_start3A_61 : memref<128xi32, #tpu.memory_space<vmem>>) semaphore(%arg9 : memref<!tpu.dma_semaphore, #tpu.memory_space<semaphore_mem>>) {add = true}
      %mul3A_65 = arith.constant 8 : i32
      %mul3A_66 = arith.muli %scan3A_15, %mul3A_65 : i32
      %add3A_67 = arith.constant 5 : i32
      %add3A_68 = arith.addi %mul3A_66, %add3A_67 : i32
      %dma_start3A_69 = arith.constant 0 : i32
      %dma_start3A_70 = tpu.memref_slice %arg6[%add3A_68, %dma_start3A_69] : memref<80x128xi32, #tpu.memory_space<vmem>> -> memref<1x128xi32, #tpu.memory_space<vmem>>
      %dma_start3A_71 = tpu.memref_squeeze %dma_start3A_70 : memref<1x128xi32, #tpu.memory_space<vmem>> -> memref<128xi32, #tpu.memory_space<vmem>>
      %dma_start3A_72 = arith.constant 0 : i32
      %dma_start3A_73 = arith.constant 0 : i32
      %dma_start3A_74 = tpu.memref_slice %arg8[%dma_start3A_72, %dma_start3A_73] : memref<10112x16xf32, #tpu.memory_space<vmem_shared>> -> memref<10112x16xf32, #tpu.memory_space<vmem_shared>>
      tpu.enqueue_indirect_dma source(%arg7 : memref<128x16xf32, #tpu.memory_space<vmem>>) target(%dma_start3A_74 : memref<10112x16xf32, #tpu.memory_space<vmem_shared>>) offsets(%dma_start3A_71 : memref<128xi32, #tpu.memory_space<vmem>>) semaphore(%arg9 : memref<!tpu.dma_semaphore, #tpu.memory_space<semaphore_mem>>) {add = true}
      %mul3A_75 = arith.constant 8 : i32
      %mul3A_76 = arith.muli %scan3A_15, %mul3A_75 : i32
      %add3A_77 = arith.constant 6 : i32
      %add3A_78 = arith.addi %mul3A_76, %add3A_77 : i32
      %dma_start3A_79 = arith.constant 0 : i32
      %dma_start3A_80 = tpu.memref_slice %arg6[%add3A_78, %dma_start3A_79] : memref<80x128xi32, #tpu.memory_space<vmem>> -> memref<1x128xi32, #tpu.memory_space<vmem>>
      %dma_start3A_81 = tpu.memref_squeeze %dma_start3A_80 : memref<1x128xi32, #tpu.memory_space<vmem>> -> memref<128xi32, #tpu.memory_space<vmem>>
      %dma_start3A_82 = arith.constant 0 : i32
      %dma_start3A_83 = arith.constant 0 : i32
      %dma_start3A_84 = tpu.memref_slice %arg8[%dma_start3A_82, %dma_start3A_83] : memref<10112x16xf32, #tpu.memory_space<vmem_shared>> -> memref<10112x16xf32, #tpu.memory_space<vmem_shared>>
      tpu.enqueue_indirect_dma source(%arg7 : memref<128x16xf32, #tpu.memory_space<vmem>>) target(%dma_start3A_84 : memref<10112x16xf32, #tpu.memory_space<vmem_shared>>) offsets(%dma_start3A_81 : memref<128xi32, #tpu.memory_space<vmem>>) semaphore(%arg9 : memref<!tpu.dma_semaphore, #tpu.memory_space<semaphore_mem>>) {add = true}
      %mul3A_85 = arith.constant 8 : i32
      %mul3A_86 = arith.muli %scan3A_15, %mul3A_85 : i32
      %add3A_87 = arith.constant 7 : i32
      %add3A_88 = arith.addi %mul3A_86, %add3A_87 : i32
      %dma_start3A_89 = arith.constant 0 : i32
      %dma_start3A_90 = tpu.memref_slice %arg6[%add3A_88, %dma_start3A_89] : memref<80x128xi32, #tpu.memory_space<vmem>> -> memref<1x128xi32, #tpu.memory_space<vmem>>
      %dma_start3A_91 = tpu.memref_squeeze %dma_start3A_90 : memref<1x128xi32, #tpu.memory_space<vmem>> -> memref<128xi32, #tpu.memory_space<vmem>>
      %dma_start3A_92 = arith.constant 0 : i32
      %dma_start3A_93 = arith.constant 0 : i32
      %dma_start3A_94 = tpu.memref_slice %arg8[%dma_start3A_92, %dma_start3A_93] : memref<10112x16xf32, #tpu.memory_space<vmem_shared>> -> memref<10112x16xf32, #tpu.memory_space<vmem_shared>>
      tpu.enqueue_indirect_dma source(%arg7 : memref<128x16xf32, #tpu.memory_space<vmem>>) target(%dma_start3A_94 : memref<10112x16xf32, #tpu.memory_space<vmem_shared>>) offsets(%dma_start3A_91 : memref<128xi32, #tpu.memory_space<vmem>>) semaphore(%arg9 : memref<!tpu.dma_semaphore, #tpu.memory_space<semaphore_mem>>) {add = true}
      %dma_wait3A = arith.constant 0 : i32
      %dma_wait3A_95 = arith.constant 0 : i32
      %dma_wait3A_96 = tpu.memref_slice %arg6[%dma_wait3A, %dma_wait3A_95] : memref<80x128xi32, #tpu.memory_space<vmem>> -> memref<1x128xi32, #tpu.memory_space<vmem>>
      %dma_wait3A_97 = tpu.memref_squeeze %dma_wait3A_96 : memref<1x128xi32, #tpu.memory_space<vmem>> -> memref<128xi32, #tpu.memory_space<vmem>>
      %dma_wait3A_98 = arith.constant 0 : i32
      %dma_wait3A_99 = arith.constant 0 : i32
      %dma_wait3A_100 = tpu.memref_slice %arg8[%dma_wait3A_98, %dma_wait3A_99] : memref<10112x16xf32, #tpu.memory_space<vmem_shared>> -> memref<10112x16xf32, #tpu.memory_space<vmem_shared>>
      tpu.wait_indirect_dma semaphore(%arg9 : memref<!tpu.dma_semaphore, #tpu.memory_space<semaphore_mem>>) src(%arg7 : memref<128x16xf32, #tpu.memory_space<vmem>>) dst(%dma_wait3A_100 : memref<10112x16xf32, #tpu.memory_space<vmem_shared>>)
      %dma_wait3A_101 = arith.constant 0 : i32
      %dma_wait3A_102 = arith.constant 0 : i32
      %dma_wait3A_103 = tpu.memref_slice %arg6[%dma_wait3A_101, %dma_wait3A_102] : memref<80x128xi32, #tpu.memory_space<vmem>> -> memref<1x128xi32, #tpu.memory_space<vmem>>
      %dma_wait3A_104 = tpu.memref_squeeze %dma_wait3A_103 : memref<1x128xi32, #tpu.memory_space<vmem>> -> memref<128xi32, #tpu.memory_space<vmem>>
      %dma_wait3A_105 = arith.constant 0 : i32
      %dma_wait3A_106 = arith.constant 0 : i32
      %dma_wait3A_107 = tpu.memref_slice %arg8[%dma_wait3A_105, %dma_wait3A_106] : memref<10112x16xf32, #tpu.memory_space<vmem_shared>> -> memref<10112x16xf32, #tpu.memory_space<vmem_shared>>
      tpu.wait_indirect_dma semaphore(%arg9 : memref<!tpu.dma_semaphore, #tpu.memory_space<semaphore_mem>>) src(%arg7 : memref<128x16xf32, #tpu.memory_space<vmem>>) dst(%dma_wait3A_107 : memref<10112x16xf32, #tpu.memory_space<vmem_shared>>)
      %dma_wait3A_108 = arith.constant 0 : i32
      %dma_wait3A_109 = arith.constant 0 : i32
      %dma_wait3A_110 = tpu.memref_slice %arg6[%dma_wait3A_108, %dma_wait3A_109] : memref<80x128xi32, #tpu.memory_space<vmem>> -> memref<1x128xi32, #tpu.memory_space<vmem>>
      %dma_wait3A_111 = tpu.memref_squeeze %dma_wait3A_110 : memref<1x128xi32, #tpu.memory_space<vmem>> -> memref<128xi32, #tpu.memory_space<vmem>>
      %dma_wait3A_112 = arith.constant 0 : i32
      %dma_wait3A_113 = arith.constant 0 : i32
      %dma_wait3A_114 = tpu.memref_slice %arg8[%dma_wait3A_112, %dma_wait3A_113] : memref<10112x16xf32, #tpu.memory_space<vmem_shared>> -> memref<10112x16xf32, #tpu.memory_space<vmem_shared>>
      tpu.wait_indirect_dma semaphore(%arg9 : memref<!tpu.dma_semaphore, #tpu.memory_space<semaphore_mem>>) src(%arg7 : memref<128x16xf32, #tpu.memory_space<vmem>>) dst(%dma_wait3A_114 : memref<10112x16xf32, #tpu.memory_space<vmem_shared>>)
      %dma_wait3A_115 = arith.constant 0 : i32
      %dma_wait3A_116 = arith.constant 0 : i32
      %dma_wait3A_117 = tpu.memref_slice %arg6[%dma_wait3A_115, %dma_wait3A_116] : memref<80x128xi32, #tpu.memory_space<vmem>> -> memref<1x128xi32, #tpu.memory_space<vmem>>
      %dma_wait3A_118 = tpu.memref_squeeze %dma_wait3A_117 : memref<1x128xi32, #tpu.memory_space<vmem>> -> memref<128xi32, #tpu.memory_space<vmem>>
      %dma_wait3A_119 = arith.constant 0 : i32
      %dma_wait3A_120 = arith.constant 0 : i32
      %dma_wait3A_121 = tpu.memref_slice %arg8[%dma_wait3A_119, %dma_wait3A_120] : memref<10112x16xf32, #tpu.memory_space<vmem_shared>> -> memref<10112x16xf32, #tpu.memory_space<vmem_shared>>
      tpu.wait_indirect_dma semaphore(%arg9 : memref<!tpu.dma_semaphore, #tpu.memory_space<semaphore_mem>>) src(%arg7 : memref<128x16xf32, #tpu.memory_space<vmem>>) dst(%dma_wait3A_121 : memref<10112x16xf32, #tpu.memory_space<vmem_shared>>)
      %dma_wait3A_122 = arith.constant 0 : i32
      %dma_wait3A_123 = arith.constant 0 : i32
      %dma_wait3A_124 = tpu.memref_slice %arg6[%dma_wait3A_122, %dma_wait3A_123] : memref<80x128xi32, #tpu.memory_space<vmem>> -> memref<1x128xi32, #tpu.memory_space<vmem>>
      %dma_wait3A_125 = tpu.memref_squeeze %dma_wait3A_124 : memref<1x128xi32, #tpu.memory_space<vmem>> -> memref<128xi32, #tpu.memory_space<vmem>>
      %dma_wait3A_126 = arith.constant 0 : i32
      %dma_wait3A_127 = arith.constant 0 : i32
      %dma_wait3A_128 = tpu.memref_slice %arg8[%dma_wait3A_126, %dma_wait3A_127] : memref<10112x16xf32, #tpu.memory_space<vmem_shared>> -> memref<10112x16xf32, #tpu.memory_space<vmem_shared>>
      tpu.wait_indirect_dma semaphore(%arg9 : memref<!tpu.dma_semaphore, #tpu.memory_space<semaphore_mem>>) src(%arg7 : memref<128x16xf32, #tpu.memory_space<vmem>>) dst(%dma_wait3A_128 : memref<10112x16xf32, #tpu.memory_space<vmem_shared>>)
      %dma_wait3A_129 = arith.constant 0 : i32
      %dma_wait3A_130 = arith.constant 0 : i32
      %dma_wait3A_131 = tpu.memref_slice %arg6[%dma_wait3A_129, %dma_wait3A_130] : memref<80x128xi32, #tpu.memory_space<vmem>> -> memref<1x128xi32, #tpu.memory_space<vmem>>
      %dma_wait3A_132 = tpu.memref_squeeze %dma_wait3A_131 : memref<1x128xi32, #tpu.memory_space<vmem>> -> memref<128xi32, #tpu.memory_space<vmem>>
      %dma_wait3A_133 = arith.constant 0 : i32
      %dma_wait3A_134 = arith.constant 0 : i32
      %dma_wait3A_135 = tpu.memref_slice %arg8[%dma_wait3A_133, %dma_wait3A_134] : memref<10112x16xf32, #tpu.memory_space<vmem_shared>> -> memref<10112x16xf32, #tpu.memory_space<vmem_shared>>
      tpu.wait_indirect_dma semaphore(%arg9 : memref<!tpu.dma_semaphore, #tpu.memory_space<semaphore_mem>>) src(%arg7 : memref<128x16xf32, #tpu.memory_space<vmem>>) dst(%dma_wait3A_135 : memref<10112x16xf32, #tpu.memory_space<vmem_shared>>)
      %dma_wait3A_136 = arith.constant 0 : i32
      %dma_wait3A_137 = arith.constant 0 : i32
      %dma_wait3A_138 = tpu.memref_slice %arg6[%dma_wait3A_136, %dma_wait3A_137] : memref<80x128xi32, #tpu.memory_space<vmem>> -> memref<1x128xi32, #tpu.memory_space<vmem>>
      %dma_wait3A_139 = tpu.memref_squeeze %dma_wait3A_138 : memref<1x128xi32, #tpu.memory_space<vmem>> -> memref<128xi32, #tpu.memory_space<vmem>>
      %dma_wait3A_140 = arith.constant 0 : i32
      %dma_wait3A_141 = arith.constant 0 : i32
      %dma_wait3A_142 = tpu.memref_slice %arg8[%dma_wait3A_140, %dma_wait3A_141] : memref<10112x16xf32, #tpu.memory_space<vmem_shared>> -> memref<10112x16xf32, #tpu.memory_space<vmem_shared>>
      tpu.wait_indirect_dma semaphore(%arg9 : memref<!tpu.dma_semaphore, #tpu.memory_space<semaphore_mem>>) src(%arg7 : memref<128x16xf32, #tpu.memory_space<vmem>>) dst(%dma_wait3A_142 : memref<10112x16xf32, #tpu.memory_space<vmem_shared>>)
      %dma_wait3A_143 = arith.constant 0 : i32
      %dma_wait3A_144 = arith.constant 0 : i32
      %dma_wait3A_145 = tpu.memref_slice %arg6[%dma_wait3A_143, %dma_wait3A_144] : memref<80x128xi32, #tpu.memory_space<vmem>> -> memref<1x128xi32, #tpu.memory_space<vmem>>
      %dma_wait3A_146 = tpu.memref_squeeze %dma_wait3A_145 : memref<1x128xi32, #tpu.memory_space<vmem>> -> memref<128xi32, #tpu.memory_space<vmem>>
      %dma_wait3A_147 = arith.constant 0 : i32
      %dma_wait3A_148 = arith.constant 0 : i32
      %dma_wait3A_149 = tpu.memref_slice %arg8[%dma_wait3A_147, %dma_wait3A_148] : memref<10112x16xf32, #tpu.memory_space<vmem_shared>> -> memref<10112x16xf32, #tpu.memory_space<vmem_shared>>
      tpu.wait_indirect_dma semaphore(%arg9 : memref<!tpu.dma_semaphore, #tpu.memory_space<semaphore_mem>>) src(%arg7 : memref<128x16xf32, #tpu.memory_space<vmem>>) dst(%dma_wait3A_149 : memref<10112x16xf32, #tpu.memory_space<vmem_shared>>)
    }
    %scan3A_9 = arith.constant 10 : i32
    %barrier3A_10 = arith.constant 0 : index
    tpu.barrier barrier_id(%barrier3A_10)
    %mul3A_11 = arith.constant 632 : i32
    %mul3A_12 = arith.muli %arg1, %mul3A_11 : i32
    %mul3A_13 = arith.constant 632 : i32
    %mul3A_14 = arith.muli %arg1, %mul3A_13 : i32
    "tpu.region"() ({
      %run_scoped3A = tpu.sem_alloc : memref<!tpu.dma_semaphore, #tpu.memory_space<semaphore_mem>>
      %dma_start3A = arith.constant 0 : i32
      %dma_start3A_15 = tpu.memref_slice %arg5[%arg0, %mul3A_14, %dma_start3A] : memref<2x10112x16xf32, #tpu.memory_space<hbm>> -> memref<1x632x16xf32, #tpu.memory_space<hbm>>
      %dma_start3A_16 = tpu.memref_squeeze %dma_start3A_15 : memref<1x632x16xf32, #tpu.memory_space<hbm>> -> memref<632x16xf32, #tpu.memory_space<hbm>>
      %dma_start3A_17 = arith.constant 0 : i32
      %dma_start3A_18 = tpu.memref_slice %arg8[%mul3A_12, %dma_start3A_17] : memref<10112x16xf32, #tpu.memory_space<vmem_shared>> -> memref<632x16xf32, #tpu.memory_space<vmem_shared>>
      tpu.enqueue_dma source(%dma_start3A_18 : memref<632x16xf32, #tpu.memory_space<vmem_shared>>) target(%dma_start3A_16 : memref<632x16xf32, #tpu.memory_space<hbm>>) target_semaphore(%run_scoped3A : memref<!tpu.dma_semaphore, #tpu.memory_space<semaphore_mem>>)
      %dma_wait3A = arith.constant 0 : i32
      %dma_wait3A_19 = tpu.memref_slice %arg5[%arg0, %mul3A_14, %dma_wait3A] : memref<2x10112x16xf32, #tpu.memory_space<hbm>> -> memref<1x632x16xf32, #tpu.memory_space<hbm>>
      %dma_wait3A_20 = tpu.memref_squeeze %dma_wait3A_19 : memref<1x632x16xf32, #tpu.memory_space<hbm>> -> memref<632x16xf32, #tpu.memory_space<hbm>>
      %dma_wait3A_21 = arith.constant 0 : i32
      %dma_wait3A_22 = tpu.memref_slice %arg8[%mul3A_12, %dma_wait3A_21] : memref<10112x16xf32, #tpu.memory_space<vmem_shared>> -> memref<632x16xf32, #tpu.memory_space<vmem_shared>>
      tpu.wait_dma2 semaphore(%run_scoped3A : memref<!tpu.dma_semaphore, #tpu.memory_space<semaphore_mem>>) src(%dma_wait3A_22 : memref<632x16xf32, #tpu.memory_space<vmem_shared>>) dst(%dma_wait3A_20 : memref<632x16xf32, #tpu.memory_space<hbm>>)
      tpu.yield
    }) : () -> ()
    return
  }
}

#map = affine_map<(d0, d1) -> (0, 0, 0)>
#map1 = affine_map<(d0, d1) -> (0, 0)>
#map2 = affine_map<(d0, d1) -> (0, 0, 0, 0)>
module attributes {stable_mosaic.version = 14 : i64} {
  func.func @body(%arg0: i32, %arg1: i32, %arg2: memref<2x10112x64xf32, #tpu.memory_space<hbm>>, %arg3: memref<32x128x80xi32, #tpu.memory_space<hbm>>, %arg4: memref<32x128x80xi32, #tpu.memory_space<hbm>>, %arg5: memref<10112x64xf32, #tpu.memory_space<hbm>>, %arg6: memref<2x2x10112x64xf32, #tpu.memory_space<hbm>>, %arg7: memref<128x80xi32, #tpu.memory_space<vmem>>, %arg8: memref<128x80xi32, #tpu.memory_space<vmem>>, %arg9: memref<80x64xf32, #tpu.memory_space<vmem>>, %arg10: memref<80x64xf32, #tpu.memory_space<vmem>>, %arg11: memref<80x64xf32, #tpu.memory_space<vmem>>, %arg12: memref<80x64xf32, #tpu.memory_space<vmem>>, %arg13: memref<10112x64xf32, #tpu.memory_space<vmem_shared>>, %arg14: memref<10112x64xf32, #tpu.memory_space<vmem_shared>>, %arg15: memref<!tpu.dma_semaphore, #tpu.memory_space<semaphore_mem>>, %arg16: memref<!tpu.dma_semaphore, #tpu.memory_space<semaphore_mem>>, %arg17: memref<!tpu.dma_semaphore, #tpu.memory_space<semaphore_mem>>, %arg18: memref<!tpu.dma_semaphore, #tpu.memory_space<semaphore_mem>>, %arg19: memref<!tpu.dma_semaphore, #tpu.memory_space<semaphore_mem>>, %arg20: memref<!tpu.dma_semaphore, #tpu.memory_space<semaphore_mem>>, %arg21: memref<!tpu.dma_semaphore, #tpu.memory_space<semaphore_mem>>, %arg22: memref<!tpu.dma_semaphore, #tpu.memory_space<semaphore_mem>>) attributes {dimension_semantics = [#tpu.dimension_semantics<core_parallel>, #tpu.dimension_semantics<subcore_parallel>], iteration_bounds = array<i64: 2, 16>, scalar_prefetch = 0 : i64, scratch_operands = 16 : i64, tpu.core_type = #tpu.core_type<sc_vector_subcore>, window_params = [{transform_indices = #map}, {transform_indices = #map}, {transform_indices = #map}, {transform_indices = #map1}, {transform_indices = #map2}]} {
    %mul3A = arith.constant 2 : i32
    %mul3A_0 = arith.muli %arg1, %mul3A : i32
    %add3A = arith.addi %mul3A_0, %arg0 : i32
    "tpu.region"() ({
      %run_scoped3A_146 = tpu.sem_alloc : memref<!tpu.dma_semaphore, #tpu.memory_space<semaphore_mem>>
      %dma_start3A_147 = arith.constant 0 : i32
      %dma_start3A_148 = arith.constant 0 : i32
      %dma_start3A_149 = tpu.memref_slice %arg3[%add3A, %dma_start3A_147, %dma_start3A_148] : memref<32x128x80xi32, #tpu.memory_space<hbm>> -> memref<1x128x80xi32, #tpu.memory_space<hbm>>
      %dma_start3A_150 = tpu.memref_squeeze %dma_start3A_149 : memref<1x128x80xi32, #tpu.memory_space<hbm>> -> memref<128x80xi32, #tpu.memory_space<hbm>>
      %dma_start3A_151 = arith.constant 0 : i32
      %dma_start3A_152 = arith.constant 0 : i32
      %dma_start3A_153 = tpu.memref_slice %arg3[%add3A, %dma_start3A_151, %dma_start3A_152] : memref<32x128x80xi32, #tpu.memory_space<hbm>> -> memref<1x128x80xi32, #tpu.memory_space<hbm>>
      %dma_start3A_154 = tpu.memref_squeeze %dma_start3A_153 : memref<1x128x80xi32, #tpu.memory_space<hbm>> -> memref<128x80xi32, #tpu.memory_space<hbm>>
      tpu.enqueue_dma source(%dma_start3A_154 : memref<128x80xi32, #tpu.memory_space<hbm>>) target(%arg7 : memref<128x80xi32, #tpu.memory_space<vmem>>) target_semaphore(%run_scoped3A_146 : memref<!tpu.dma_semaphore, #tpu.memory_space<semaphore_mem>>)
      %dma_wait3A_155 = arith.constant 0 : i32
      %dma_wait3A_156 = arith.constant 0 : i32
      %dma_wait3A_157 = tpu.memref_slice %arg3[%add3A, %dma_wait3A_155, %dma_wait3A_156] : memref<32x128x80xi32, #tpu.memory_space<hbm>> -> memref<1x128x80xi32, #tpu.memory_space<hbm>>
      %dma_wait3A_158 = tpu.memref_squeeze %dma_wait3A_157 : memref<1x128x80xi32, #tpu.memory_space<hbm>> -> memref<128x80xi32, #tpu.memory_space<hbm>>
      %dma_wait3A_159 = arith.constant 0 : i32
      %dma_wait3A_160 = arith.constant 0 : i32
      %dma_wait3A_161 = tpu.memref_slice %arg3[%add3A, %dma_wait3A_159, %dma_wait3A_160] : memref<32x128x80xi32, #tpu.memory_space<hbm>> -> memref<1x128x80xi32, #tpu.memory_space<hbm>>
      %dma_wait3A_162 = tpu.memref_squeeze %dma_wait3A_161 : memref<1x128x80xi32, #tpu.memory_space<hbm>> -> memref<128x80xi32, #tpu.memory_space<hbm>>
      tpu.wait_dma2 semaphore(%run_scoped3A_146 : memref<!tpu.dma_semaphore, #tpu.memory_space<semaphore_mem>>) src(%dma_wait3A_162 : memref<128x80xi32, #tpu.memory_space<hbm>>) dst(%arg7 : memref<128x80xi32, #tpu.memory_space<vmem>>)
      tpu.yield
    }) : () -> ()
    "tpu.region"() ({
      %run_scoped3A_146 = tpu.sem_alloc : memref<!tpu.dma_semaphore, #tpu.memory_space<semaphore_mem>>
      %dma_start3A_147 = arith.constant 0 : i32
      %dma_start3A_148 = arith.constant 0 : i32
      %dma_start3A_149 = tpu.memref_slice %arg4[%add3A, %dma_start3A_147, %dma_start3A_148] : memref<32x128x80xi32, #tpu.memory_space<hbm>> -> memref<1x128x80xi32, #tpu.memory_space<hbm>>
      %dma_start3A_150 = tpu.memref_squeeze %dma_start3A_149 : memref<1x128x80xi32, #tpu.memory_space<hbm>> -> memref<128x80xi32, #tpu.memory_space<hbm>>
      %dma_start3A_151 = arith.constant 0 : i32
      %dma_start3A_152 = arith.constant 0 : i32
      %dma_start3A_153 = tpu.memref_slice %arg4[%add3A, %dma_start3A_151, %dma_start3A_152] : memref<32x128x80xi32, #tpu.memory_space<hbm>> -> memref<1x128x80xi32, #tpu.memory_space<hbm>>
      %dma_start3A_154 = tpu.memref_squeeze %dma_start3A_153 : memref<1x128x80xi32, #tpu.memory_space<hbm>> -> memref<128x80xi32, #tpu.memory_space<hbm>>
      tpu.enqueue_dma source(%dma_start3A_154 : memref<128x80xi32, #tpu.memory_space<hbm>>) target(%arg8 : memref<128x80xi32, #tpu.memory_space<vmem>>) target_semaphore(%run_scoped3A_146 : memref<!tpu.dma_semaphore, #tpu.memory_space<semaphore_mem>>)
      %dma_wait3A_155 = arith.constant 0 : i32
      %dma_wait3A_156 = arith.constant 0 : i32
      %dma_wait3A_157 = tpu.memref_slice %arg4[%add3A, %dma_wait3A_155, %dma_wait3A_156] : memref<32x128x80xi32, #tpu.memory_space<hbm>> -> memref<1x128x80xi32, #tpu.memory_space<hbm>>
      %dma_wait3A_158 = tpu.memref_squeeze %dma_wait3A_157 : memref<1x128x80xi32, #tpu.memory_space<hbm>> -> memref<128x80xi32, #tpu.memory_space<hbm>>
      %dma_wait3A_159 = arith.constant 0 : i32
      %dma_wait3A_160 = arith.constant 0 : i32
      %dma_wait3A_161 = tpu.memref_slice %arg4[%add3A, %dma_wait3A_159, %dma_wait3A_160] : memref<32x128x80xi32, #tpu.memory_space<hbm>> -> memref<1x128x80xi32, #tpu.memory_space<hbm>>
      %dma_wait3A_162 = tpu.memref_squeeze %dma_wait3A_161 : memref<1x128x80xi32, #tpu.memory_space<hbm>> -> memref<128x80xi32, #tpu.memory_space<hbm>>
      tpu.wait_dma2 semaphore(%run_scoped3A_146 : memref<!tpu.dma_semaphore, #tpu.memory_space<semaphore_mem>>) src(%dma_wait3A_162 : memref<128x80xi32, #tpu.memory_space<hbm>>) dst(%arg8 : memref<128x80xi32, #tpu.memory_space<vmem>>)
      tpu.yield
    }) : () -> ()
    %mul3A_1 = arith.constant 632 : i32
    %mul3A_2 = arith.muli %arg1, %mul3A_1 : i32
    %mul3A_3 = arith.constant 632 : i32
    %mul3A_4 = arith.muli %arg1, %mul3A_3 : i32
    %run_scoped3A = arith.constant 0 : i32
    "tpu.region"() ({
      %run_scoped3A_146 = tpu.sem_alloc : memref<!tpu.dma_semaphore, #tpu.memory_space<semaphore_mem>>
      %dma_start3A_147 = arith.constant 0 : i32
      %dma_start3A_148 = tpu.memref_slice %arg13[%mul3A_4, %dma_start3A_147] : memref<10112x64xf32, #tpu.memory_space<vmem_shared>> -> memref<632x64xf32, #tpu.memory_space<vmem_shared>>
      %dma_start3A_149 = arith.constant 0 : i32
      %dma_start3A_150 = tpu.memref_slice %arg2[%run_scoped3A, %mul3A_2, %dma_start3A_149] : memref<2x10112x64xf32, #tpu.memory_space<hbm>> -> memref<1x632x64xf32, #tpu.memory_space<hbm>>
      %dma_start3A_151 = tpu.memref_squeeze %dma_start3A_150 : memref<1x632x64xf32, #tpu.memory_space<hbm>> -> memref<632x64xf32, #tpu.memory_space<hbm>>
      tpu.enqueue_dma source(%dma_start3A_151 : memref<632x64xf32, #tpu.memory_space<hbm>>) target(%dma_start3A_148 : memref<632x64xf32, #tpu.memory_space<vmem_shared>>) target_semaphore(%run_scoped3A_146 : memref<!tpu.dma_semaphore, #tpu.memory_space<semaphore_mem>>)
      %dma_wait3A_152 = arith.constant 0 : i32
      %dma_wait3A_153 = tpu.memref_slice %arg13[%mul3A_4, %dma_wait3A_152] : memref<10112x64xf32, #tpu.memory_space<vmem_shared>> -> memref<632x64xf32, #tpu.memory_space<vmem_shared>>
      %dma_wait3A_154 = arith.constant 0 : i32
      %dma_wait3A_155 = tpu.memref_slice %arg2[%run_scoped3A, %mul3A_2, %dma_wait3A_154] : memref<2x10112x64xf32, #tpu.memory_space<hbm>> -> memref<1x632x64xf32, #tpu.memory_space<hbm>>
      %dma_wait3A_156 = tpu.memref_squeeze %dma_wait3A_155 : memref<1x632x64xf32, #tpu.memory_space<hbm>> -> memref<632x64xf32, #tpu.memory_space<hbm>>
      tpu.wait_dma2 semaphore(%run_scoped3A_146 : memref<!tpu.dma_semaphore, #tpu.memory_space<semaphore_mem>>) src(%dma_wait3A_156 : memref<632x64xf32, #tpu.memory_space<hbm>>) dst(%dma_wait3A_153 : memref<632x64xf32, #tpu.memory_space<vmem_shared>>)
      tpu.yield
    }) : () -> ()
    %eq3A = arith.constant 0 : i32
    %eq3A_5 = arith.cmpi eq, %arg0, %eq3A : i32
    %convert_element_type3A = arith.extui %eq3A_5 : i1 to i32
    %cond3A = arith.constant 0 : i32
    %cond3A_6 = arith.cmpi ne, %convert_element_type3A, %cond3A : i32
    scf.if %cond3A_6 {
      %mul3A_146 = arith.constant 632 : i32
      %mul3A_147 = arith.muli %arg1, %mul3A_146 : i32
      %mul3A_148 = arith.constant 632 : i32
      %mul3A_149 = arith.muli %arg1, %mul3A_148 : i32
      %run_scoped3A_150 = arith.constant 0 : i32
      "tpu.region"() ({
        %run_scoped3A_151 = tpu.sem_alloc : memref<!tpu.dma_semaphore, #tpu.memory_space<semaphore_mem>>
        %dma_start3A_152 = arith.constant 0 : i32
        %dma_start3A_153 = tpu.memref_slice %arg14[%mul3A_149, %dma_start3A_152] : memref<10112x64xf32, #tpu.memory_space<vmem_shared>> -> memref<632x64xf32, #tpu.memory_space<vmem_shared>>
        %dma_start3A_154 = arith.constant 0 : i32
        %dma_start3A_155 = tpu.memref_slice %arg2[%run_scoped3A_150, %mul3A_147, %dma_start3A_154] : memref<2x10112x64xf32, #tpu.memory_space<hbm>> -> memref<1x632x64xf32, #tpu.memory_space<hbm>>
        %dma_start3A_156 = tpu.memref_squeeze %dma_start3A_155 : memref<1x632x64xf32, #tpu.memory_space<hbm>> -> memref<632x64xf32, #tpu.memory_space<hbm>>
        tpu.enqueue_dma source(%dma_start3A_156 : memref<632x64xf32, #tpu.memory_space<hbm>>) target(%dma_start3A_153 : memref<632x64xf32, #tpu.memory_space<vmem_shared>>) target_semaphore(%run_scoped3A_151 : memref<!tpu.dma_semaphore, #tpu.memory_space<semaphore_mem>>)
        %dma_wait3A_157 = arith.constant 0 : i32
        %dma_wait3A_158 = tpu.memref_slice %arg14[%mul3A_149, %dma_wait3A_157] : memref<10112x64xf32, #tpu.memory_space<vmem_shared>> -> memref<632x64xf32, #tpu.memory_space<vmem_shared>>
        %dma_wait3A_159 = arith.constant 0 : i32
        %dma_wait3A_160 = tpu.memref_slice %arg2[%run_scoped3A_150, %mul3A_147, %dma_wait3A_159] : memref<2x10112x64xf32, #tpu.memory_space<hbm>> -> memref<1x632x64xf32, #tpu.memory_space<hbm>>
        %dma_wait3A_161 = tpu.memref_squeeze %dma_wait3A_160 : memref<1x632x64xf32, #tpu.memory_space<hbm>> -> memref<632x64xf32, #tpu.memory_space<hbm>>
        tpu.wait_dma2 semaphore(%run_scoped3A_151 : memref<!tpu.dma_semaphore, #tpu.memory_space<semaphore_mem>>) src(%dma_wait3A_161 : memref<632x64xf32, #tpu.memory_space<hbm>>) dst(%dma_wait3A_158 : memref<632x64xf32, #tpu.memory_space<vmem_shared>>)
        tpu.yield
      }) : () -> ()
    } else {
    }
    %ne3A = arith.constant 0 : i32
    %ne3A_7 = arith.cmpi ne, %arg0, %ne3A : i32
    %convert_element_type3A_8 = arith.extui %ne3A_7 : i1 to i32
    %cond3A_9 = arith.constant 0 : i32
    %cond3A_10 = arith.cmpi ne, %convert_element_type3A_8, %cond3A_9 : i32
    scf.if %cond3A_10 {
      %mul3A_146 = arith.constant 632 : i32
      %mul3A_147 = arith.muli %arg1, %mul3A_146 : i32
      %mul3A_148 = arith.constant 632 : i32
      %mul3A_149 = arith.muli %arg1, %mul3A_148 : i32
      "tpu.region"() ({
        %run_scoped3A_150 = tpu.sem_alloc : memref<!tpu.dma_semaphore, #tpu.memory_space<semaphore_mem>>
        %dma_start3A_151 = arith.constant 0 : i32
        %dma_start3A_152 = tpu.memref_slice %arg14[%mul3A_149, %dma_start3A_151] : memref<10112x64xf32, #tpu.memory_space<vmem_shared>> -> memref<632x64xf32, #tpu.memory_space<vmem_shared>>
        %dma_start3A_153 = arith.constant 0 : i32
        %dma_start3A_154 = tpu.memref_slice %arg5[%mul3A_147, %dma_start3A_153] : memref<10112x64xf32, #tpu.memory_space<hbm>> -> memref<632x64xf32, #tpu.memory_space<hbm>>
        tpu.enqueue_dma source(%dma_start3A_154 : memref<632x64xf32, #tpu.memory_space<hbm>>) target(%dma_start3A_152 : memref<632x64xf32, #tpu.memory_space<vmem_shared>>) target_semaphore(%run_scoped3A_150 : memref<!tpu.dma_semaphore, #tpu.memory_space<semaphore_mem>>)
        %dma_wait3A_155 = arith.constant 0 : i32
        %dma_wait3A_156 = tpu.memref_slice %arg14[%mul3A_149, %dma_wait3A_155] : memref<10112x64xf32, #tpu.memory_space<vmem_shared>> -> memref<632x64xf32, #tpu.memory_space<vmem_shared>>
        %dma_wait3A_157 = arith.constant 0 : i32
        %dma_wait3A_158 = tpu.memref_slice %arg5[%mul3A_147, %dma_wait3A_157] : memref<10112x64xf32, #tpu.memory_space<hbm>> -> memref<632x64xf32, #tpu.memory_space<hbm>>
        tpu.wait_dma2 semaphore(%run_scoped3A_150 : memref<!tpu.dma_semaphore, #tpu.memory_space<semaphore_mem>>) src(%dma_wait3A_158 : memref<632x64xf32, #tpu.memory_space<hbm>>) dst(%dma_wait3A_156 : memref<632x64xf32, #tpu.memory_space<vmem_shared>>)
        tpu.yield
      }) : () -> ()
    } else {
    }
    %barrier3A = arith.constant 0 : index
    tpu.barrier barrier_id(%barrier3A)
    %dma_start3A = arith.constant 0 : i32
    %dma_start3A_11 = arith.constant 0 : i32
    %dma_start3A_12 = tpu.memref_slice %arg7[%dma_start3A, %dma_start3A_11] : memref<128x80xi32, #tpu.memory_space<vmem>> -> memref<1x80xi32, #tpu.memory_space<vmem>>
    %dma_start3A_13 = tpu.memref_squeeze %dma_start3A_12 : memref<1x80xi32, #tpu.memory_space<vmem>> -> memref<80xi32, #tpu.memory_space<vmem>>
    %dma_start3A_14 = arith.constant 0 : i32
    %dma_start3A_15 = arith.constant 0 : i32
    %dma_start3A_16 = tpu.memref_slice %arg13[%dma_start3A_14, %dma_start3A_15] : memref<10112x64xf32, #tpu.memory_space<vmem_shared>> -> memref<10112x64xf32, #tpu.memory_space<vmem_shared>>
    tpu.enqueue_indirect_dma source(%dma_start3A_16 : memref<10112x64xf32, #tpu.memory_space<vmem_shared>>) target(%arg9 : memref<80x64xf32, #tpu.memory_space<vmem>>) offsets(%dma_start3A_13 : memref<80xi32, #tpu.memory_space<vmem>>) semaphore(%arg15 : memref<!tpu.dma_semaphore, #tpu.memory_space<semaphore_mem>>)
    %dma_start3A_17 = arith.constant 1 : i32
    %dma_start3A_18 = arith.constant 0 : i32
    %dma_start3A_19 = tpu.memref_slice %arg7[%dma_start3A_17, %dma_start3A_18] : memref<128x80xi32, #tpu.memory_space<vmem>> -> memref<1x80xi32, #tpu.memory_space<vmem>>
    %dma_start3A_20 = tpu.memref_squeeze %dma_start3A_19 : memref<1x80xi32, #tpu.memory_space<vmem>> -> memref<80xi32, #tpu.memory_space<vmem>>
    %dma_start3A_21 = arith.constant 0 : i32
    %dma_start3A_22 = arith.constant 0 : i32
    %dma_start3A_23 = tpu.memref_slice %arg13[%dma_start3A_21, %dma_start3A_22] : memref<10112x64xf32, #tpu.memory_space<vmem_shared>> -> memref<10112x64xf32, #tpu.memory_space<vmem_shared>>
    tpu.enqueue_indirect_dma source(%dma_start3A_23 : memref<10112x64xf32, #tpu.memory_space<vmem_shared>>) target(%arg10 : memref<80x64xf32, #tpu.memory_space<vmem>>) offsets(%dma_start3A_20 : memref<80xi32, #tpu.memory_space<vmem>>) semaphore(%arg16 : memref<!tpu.dma_semaphore, #tpu.memory_space<semaphore_mem>>)
    %dma_start3A_24 = arith.constant 2 : i32
    %dma_start3A_25 = arith.constant 0 : i32
    %dma_start3A_26 = tpu.memref_slice %arg7[%dma_start3A_24, %dma_start3A_25] : memref<128x80xi32, #tpu.memory_space<vmem>> -> memref<1x80xi32, #tpu.memory_space<vmem>>
    %dma_start3A_27 = tpu.memref_squeeze %dma_start3A_26 : memref<1x80xi32, #tpu.memory_space<vmem>> -> memref<80xi32, #tpu.memory_space<vmem>>
    %dma_start3A_28 = arith.constant 0 : i32
    %dma_start3A_29 = arith.constant 0 : i32
    %dma_start3A_30 = tpu.memref_slice %arg13[%dma_start3A_28, %dma_start3A_29] : memref<10112x64xf32, #tpu.memory_space<vmem_shared>> -> memref<10112x64xf32, #tpu.memory_space<vmem_shared>>
    tpu.enqueue_indirect_dma source(%dma_start3A_30 : memref<10112x64xf32, #tpu.memory_space<vmem_shared>>) target(%arg11 : memref<80x64xf32, #tpu.memory_space<vmem>>) offsets(%dma_start3A_27 : memref<80xi32, #tpu.memory_space<vmem>>) semaphore(%arg17 : memref<!tpu.dma_semaphore, #tpu.memory_space<semaphore_mem>>)
    %scan3A = arith.constant 0 : i32
    %scan3A_31 = arith.constant 0 : i32
    %scan3A_32 = arith.constant 32 : i32
    %scan3A_33 = arith.addi %scan3A_31, %scan3A_32 : i32
    %scan3A_34 = arith.constant 1 : i32
    scf.for %scan3A_146 = %scan3A_31 to %scan3A_33 step %scan3A_34  : i32 {
      %mul3A_147 = arith.constant 4 : i32
      %mul3A_148 = arith.muli %scan3A_146, %mul3A_147 : i32
      %add3A_149 = arith.constant 0 : i32
      %add3A_150 = arith.addi %mul3A_148, %add3A_149 : i32
      %dma_wait3A_151 = arith.constant 0 : i32
      %dma_wait3A_152 = tpu.memref_slice %arg7[%add3A_150, %dma_wait3A_151] : memref<128x80xi32, #tpu.memory_space<vmem>> -> memref<1x80xi32, #tpu.memory_space<vmem>>
      %dma_wait3A_153 = tpu.memref_squeeze %dma_wait3A_152 : memref<1x80xi32, #tpu.memory_space<vmem>> -> memref<80xi32, #tpu.memory_space<vmem>>
      %dma_wait3A_154 = arith.constant 0 : i32
      %dma_wait3A_155 = arith.constant 0 : i32
      %dma_wait3A_156 = tpu.memref_slice %arg13[%dma_wait3A_154, %dma_wait3A_155] : memref<10112x64xf32, #tpu.memory_space<vmem_shared>> -> memref<10112x64xf32, #tpu.memory_space<vmem_shared>>
      tpu.wait_indirect_dma semaphore(%arg15 : memref<!tpu.dma_semaphore, #tpu.memory_space<semaphore_mem>>) src(%dma_wait3A_156 : memref<10112x64xf32, #tpu.memory_space<vmem_shared>>) dst(%arg9 : memref<80x64xf32, #tpu.memory_space<vmem>>)
      %dma_start3A_157 = arith.constant 0 : i32
      %dma_start3A_158 = tpu.memref_slice %arg8[%add3A_150, %dma_start3A_157] : memref<128x80xi32, #tpu.memory_space<vmem>> -> memref<1x80xi32, #tpu.memory_space<vmem>>
      %dma_start3A_159 = tpu.memref_squeeze %dma_start3A_158 : memref<1x80xi32, #tpu.memory_space<vmem>> -> memref<80xi32, #tpu.memory_space<vmem>>
      %dma_start3A_160 = arith.constant 0 : i32
      %dma_start3A_161 = arith.constant 0 : i32
      %dma_start3A_162 = tpu.memref_slice %arg14[%dma_start3A_160, %dma_start3A_161] : memref<10112x64xf32, #tpu.memory_space<vmem_shared>> -> memref<10112x64xf32, #tpu.memory_space<vmem_shared>>
      tpu.enqueue_indirect_dma source(%arg9 : memref<80x64xf32, #tpu.memory_space<vmem>>) target(%dma_start3A_162 : memref<10112x64xf32, #tpu.memory_space<vmem_shared>>) offsets(%dma_start3A_159 : memref<80xi32, #tpu.memory_space<vmem>>) semaphore(%arg19 : memref<!tpu.dma_semaphore, #tpu.memory_space<semaphore_mem>>) {add = true}
      %gt3A = arith.constant 0 : i32
      %gt3A_163 = arith.cmpi sgt, %scan3A_146, %gt3A : i32
      %convert_element_type3A_164 = arith.extui %gt3A_163 : i1 to i32
      %cond3A_165 = arith.constant 0 : i32
      %cond3A_166 = arith.cmpi ne, %convert_element_type3A_164, %cond3A_165 : i32
      scf.if %cond3A_166 {
        %dma_wait3A_279 = arith.constant 0 : i32
        %dma_wait3A_280 = tpu.memref_slice %arg8[%add3A_150, %dma_wait3A_279] : memref<128x80xi32, #tpu.memory_space<vmem>> -> memref<1x80xi32, #tpu.memory_space<vmem>>
        %dma_wait3A_281 = tpu.memref_squeeze %dma_wait3A_280 : memref<1x80xi32, #tpu.memory_space<vmem>> -> memref<80xi32, #tpu.memory_space<vmem>>
        %dma_wait3A_282 = arith.constant 0 : i32
        %dma_wait3A_283 = arith.constant 0 : i32
        %dma_wait3A_284 = tpu.memref_slice %arg14[%dma_wait3A_282, %dma_wait3A_283] : memref<10112x64xf32, #tpu.memory_space<vmem_shared>> -> memref<10112x64xf32, #tpu.memory_space<vmem_shared>>
        tpu.wait_indirect_dma semaphore(%arg22 : memref<!tpu.dma_semaphore, #tpu.memory_space<semaphore_mem>>) src(%arg12 : memref<80x64xf32, #tpu.memory_space<vmem>>) dst(%dma_wait3A_284 : memref<10112x64xf32, #tpu.memory_space<vmem_shared>>)
      } else {
      }
      %add3A_167 = arith.constant 4 : i32
      %add3A_168 = arith.addi %add3A_150, %add3A_167 : i32
      %sub3A = arith.constant 1 : i32
      %sub3A_169 = arith.subi %add3A_168, %sub3A : i32
      %min3A = arith.constant 127 : i32
      %min3A_170 = arith.minsi %sub3A_169, %min3A : i32
      %dma_start3A_171 = arith.constant 0 : i32
      %dma_start3A_172 = tpu.memref_slice %arg7[%min3A_170, %dma_start3A_171] : memref<128x80xi32, #tpu.memory_space<vmem>> -> memref<1x80xi32, #tpu.memory_space<vmem>>
      %dma_start3A_173 = tpu.memref_squeeze %dma_start3A_172 : memref<1x80xi32, #tpu.memory_space<vmem>> -> memref<80xi32, #tpu.memory_space<vmem>>
      %dma_start3A_174 = arith.constant 0 : i32
      %dma_start3A_175 = arith.constant 0 : i32
      %dma_start3A_176 = tpu.memref_slice %arg13[%dma_start3A_174, %dma_start3A_175] : memref<10112x64xf32, #tpu.memory_space<vmem_shared>> -> memref<10112x64xf32, #tpu.memory_space<vmem_shared>>
      tpu.enqueue_indirect_dma source(%dma_start3A_176 : memref<10112x64xf32, #tpu.memory_space<vmem_shared>>) target(%arg12 : memref<80x64xf32, #tpu.memory_space<vmem>>) offsets(%dma_start3A_173 : memref<80xi32, #tpu.memory_space<vmem>>) semaphore(%arg18 : memref<!tpu.dma_semaphore, #tpu.memory_space<semaphore_mem>>)
      %mul3A_177 = arith.constant 4 : i32
      %mul3A_178 = arith.muli %scan3A_146, %mul3A_177 : i32
      %add3A_179 = arith.constant 1 : i32
      %add3A_180 = arith.addi %mul3A_178, %add3A_179 : i32
      %dma_wait3A_181 = arith.constant 0 : i32
      %dma_wait3A_182 = tpu.memref_slice %arg7[%add3A_180, %dma_wait3A_181] : memref<128x80xi32, #tpu.memory_space<vmem>> -> memref<1x80xi32, #tpu.memory_space<vmem>>
      %dma_wait3A_183 = tpu.memref_squeeze %dma_wait3A_182 : memref<1x80xi32, #tpu.memory_space<vmem>> -> memref<80xi32, #tpu.memory_space<vmem>>
      %dma_wait3A_184 = arith.constant 0 : i32
      %dma_wait3A_185 = arith.constant 0 : i32
      %dma_wait3A_186 = tpu.memref_slice %arg13[%dma_wait3A_184, %dma_wait3A_185] : memref<10112x64xf32, #tpu.memory_space<vmem_shared>> -> memref<10112x64xf32, #tpu.memory_space<vmem_shared>>
      tpu.wait_indirect_dma semaphore(%arg16 : memref<!tpu.dma_semaphore, #tpu.memory_space<semaphore_mem>>) src(%dma_wait3A_186 : memref<10112x64xf32, #tpu.memory_space<vmem_shared>>) dst(%arg10 : memref<80x64xf32, #tpu.memory_space<vmem>>)
      %dma_start3A_187 = arith.constant 0 : i32
      %dma_start3A_188 = tpu.memref_slice %arg8[%add3A_180, %dma_start3A_187] : memref<128x80xi32, #tpu.memory_space<vmem>> -> memref<1x80xi32, #tpu.memory_space<vmem>>
      %dma_start3A_189 = tpu.memref_squeeze %dma_start3A_188 : memref<1x80xi32, #tpu.memory_space<vmem>> -> memref<80xi32, #tpu.memory_space<vmem>>
      %dma_start3A_190 = arith.constant 0 : i32
      %dma_start3A_191 = arith.constant 0 : i32
      %dma_start3A_192 = tpu.memref_slice %arg14[%dma_start3A_190, %dma_start3A_191] : memref<10112x64xf32, #tpu.memory_space<vmem_shared>> -> memref<10112x64xf32, #tpu.memory_space<vmem_shared>>
      tpu.enqueue_indirect_dma source(%arg10 : memref<80x64xf32, #tpu.memory_space<vmem>>) target(%dma_start3A_192 : memref<10112x64xf32, #tpu.memory_space<vmem_shared>>) offsets(%dma_start3A_189 : memref<80xi32, #tpu.memory_space<vmem>>) semaphore(%arg20 : memref<!tpu.dma_semaphore, #tpu.memory_space<semaphore_mem>>) {add = true}
      %dma_wait3A_193 = arith.constant 0 : i32
      %dma_wait3A_194 = tpu.memref_slice %arg8[%add3A_180, %dma_wait3A_193] : memref<128x80xi32, #tpu.memory_space<vmem>> -> memref<1x80xi32, #tpu.memory_space<vmem>>
      %dma_wait3A_195 = tpu.memref_squeeze %dma_wait3A_194 : memref<1x80xi32, #tpu.memory_space<vmem>> -> memref<80xi32, #tpu.memory_space<vmem>>
      %dma_wait3A_196 = arith.constant 0 : i32
      %dma_wait3A_197 = arith.constant 0 : i32
      %dma_wait3A_198 = tpu.memref_slice %arg14[%dma_wait3A_196, %dma_wait3A_197] : memref<10112x64xf32, #tpu.memory_space<vmem_shared>> -> memref<10112x64xf32, #tpu.memory_space<vmem_shared>>
      tpu.wait_indirect_dma semaphore(%arg19 : memref<!tpu.dma_semaphore, #tpu.memory_space<semaphore_mem>>) src(%arg9 : memref<80x64xf32, #tpu.memory_space<vmem>>) dst(%dma_wait3A_198 : memref<10112x64xf32, #tpu.memory_space<vmem_shared>>)
      %add3A_199 = arith.constant 4 : i32
      %add3A_200 = arith.addi %add3A_180, %add3A_199 : i32
      %sub3A_201 = arith.constant 1 : i32
      %sub3A_202 = arith.subi %add3A_200, %sub3A_201 : i32
      %min3A_203 = arith.constant 127 : i32
      %min3A_204 = arith.minsi %sub3A_202, %min3A_203 : i32
      %dma_start3A_205 = arith.constant 0 : i32
      %dma_start3A_206 = tpu.memref_slice %arg7[%min3A_204, %dma_start3A_205] : memref<128x80xi32, #tpu.memory_space<vmem>> -> memref<1x80xi32, #tpu.memory_space<vmem>>
      %dma_start3A_207 = tpu.memref_squeeze %dma_start3A_206 : memref<1x80xi32, #tpu.memory_space<vmem>> -> memref<80xi32, #tpu.memory_space<vmem>>
      %dma_start3A_208 = arith.constant 0 : i32
      %dma_start3A_209 = arith.constant 0 : i32
      %dma_start3A_210 = tpu.memref_slice %arg13[%dma_start3A_208, %dma_start3A_209] : memref<10112x64xf32, #tpu.memory_space<vmem_shared>> -> memref<10112x64xf32, #tpu.memory_space<vmem_shared>>
      tpu.enqueue_indirect_dma source(%dma_start3A_210 : memref<10112x64xf32, #tpu.memory_space<vmem_shared>>) target(%arg9 : memref<80x64xf32, #tpu.memory_space<vmem>>) offsets(%dma_start3A_207 : memref<80xi32, #tpu.memory_space<vmem>>) semaphore(%arg15 : memref<!tpu.dma_semaphore, #tpu.memory_space<semaphore_mem>>)
      %mul3A_211 = arith.constant 4 : i32
      %mul3A_212 = arith.muli %scan3A_146, %mul3A_211 : i32
      %add3A_213 = arith.constant 2 : i32
      %add3A_214 = arith.addi %mul3A_212, %add3A_213 : i32
      %dma_wait3A_215 = arith.constant 0 : i32
      %dma_wait3A_216 = tpu.memref_slice %arg7[%add3A_214, %dma_wait3A_215] : memref<128x80xi32, #tpu.memory_space<vmem>> -> memref<1x80xi32, #tpu.memory_space<vmem>>
      %dma_wait3A_217 = tpu.memref_squeeze %dma_wait3A_216 : memref<1x80xi32, #tpu.memory_space<vmem>> -> memref<80xi32, #tpu.memory_space<vmem>>
      %dma_wait3A_218 = arith.constant 0 : i32
      %dma_wait3A_219 = arith.constant 0 : i32
      %dma_wait3A_220 = tpu.memref_slice %arg13[%dma_wait3A_218, %dma_wait3A_219] : memref<10112x64xf32, #tpu.memory_space<vmem_shared>> -> memref<10112x64xf32, #tpu.memory_space<vmem_shared>>
      tpu.wait_indirect_dma semaphore(%arg17 : memref<!tpu.dma_semaphore, #tpu.memory_space<semaphore_mem>>) src(%dma_wait3A_220 : memref<10112x64xf32, #tpu.memory_space<vmem_shared>>) dst(%arg11 : memref<80x64xf32, #tpu.memory_space<vmem>>)
      %dma_start3A_221 = arith.constant 0 : i32
      %dma_start3A_222 = tpu.memref_slice %arg8[%add3A_214, %dma_start3A_221] : memref<128x80xi32, #tpu.memory_space<vmem>> -> memref<1x80xi32, #tpu.memory_space<vmem>>
      %dma_start3A_223 = tpu.memref_squeeze %dma_start3A_222 : memref<1x80xi32, #tpu.memory_space<vmem>> -> memref<80xi32, #tpu.memory_space<vmem>>
      %dma_start3A_224 = arith.constant 0 : i32
      %dma_start3A_225 = arith.constant 0 : i32
      %dma_start3A_226 = tpu.memref_slice %arg14[%dma_start3A_224, %dma_start3A_225] : memref<10112x64xf32, #tpu.memory_space<vmem_shared>> -> memref<10112x64xf32, #tpu.memory_space<vmem_shared>>
      tpu.enqueue_indirect_dma source(%arg11 : memref<80x64xf32, #tpu.memory_space<vmem>>) target(%dma_start3A_226 : memref<10112x64xf32, #tpu.memory_space<vmem_shared>>) offsets(%dma_start3A_223 : memref<80xi32, #tpu.memory_space<vmem>>) semaphore(%arg21 : memref<!tpu.dma_semaphore, #tpu.memory_space<semaphore_mem>>) {add = true}
      %dma_wait3A_227 = arith.constant 0 : i32
      %dma_wait3A_228 = tpu.memref_slice %arg8[%add3A_214, %dma_wait3A_227] : memref<128x80xi32, #tpu.memory_space<vmem>> -> memref<1x80xi32, #tpu.memory_space<vmem>>
      %dma_wait3A_229 = tpu.memref_squeeze %dma_wait3A_228 : memref<1x80xi32, #tpu.memory_space<vmem>> -> memref<80xi32, #tpu.memory_space<vmem>>
      %dma_wait3A_230 = arith.constant 0 : i32
      %dma_wait3A_231 = arith.constant 0 : i32
      %dma_wait3A_232 = tpu.memref_slice %arg14[%dma_wait3A_230, %dma_wait3A_231] : memref<10112x64xf32, #tpu.memory_space<vmem_shared>> -> memref<10112x64xf32, #tpu.memory_space<vmem_shared>>
      tpu.wait_indirect_dma semaphore(%arg20 : memref<!tpu.dma_semaphore, #tpu.memory_space<semaphore_mem>>) src(%arg10 : memref<80x64xf32, #tpu.memory_space<vmem>>) dst(%dma_wait3A_232 : memref<10112x64xf32, #tpu.memory_space<vmem_shared>>)
      %add3A_233 = arith.constant 4 : i32
      %add3A_234 = arith.addi %add3A_214, %add3A_233 : i32
      %sub3A_235 = arith.constant 1 : i32
      %sub3A_236 = arith.subi %add3A_234, %sub3A_235 : i32
      %min3A_237 = arith.constant 127 : i32
      %min3A_238 = arith.minsi %sub3A_236, %min3A_237 : i32
      %dma_start3A_239 = arith.constant 0 : i32
      %dma_start3A_240 = tpu.memref_slice %arg7[%min3A_238, %dma_start3A_239] : memref<128x80xi32, #tpu.memory_space<vmem>> -> memref<1x80xi32, #tpu.memory_space<vmem>>
      %dma_start3A_241 = tpu.memref_squeeze %dma_start3A_240 : memref<1x80xi32, #tpu.memory_space<vmem>> -> memref<80xi32, #tpu.memory_space<vmem>>
      %dma_start3A_242 = arith.constant 0 : i32
      %dma_start3A_243 = arith.constant 0 : i32
      %dma_start3A_244 = tpu.memref_slice %arg13[%dma_start3A_242, %dma_start3A_243] : memref<10112x64xf32, #tpu.memory_space<vmem_shared>> -> memref<10112x64xf32, #tpu.memory_space<vmem_shared>>
      tpu.enqueue_indirect_dma source(%dma_start3A_244 : memref<10112x64xf32, #tpu.memory_space<vmem_shared>>) target(%arg10 : memref<80x64xf32, #tpu.memory_space<vmem>>) offsets(%dma_start3A_241 : memref<80xi32, #tpu.memory_space<vmem>>) semaphore(%arg16 : memref<!tpu.dma_semaphore, #tpu.memory_space<semaphore_mem>>)
      %mul3A_245 = arith.constant 4 : i32
      %mul3A_246 = arith.muli %scan3A_146, %mul3A_245 : i32
      %add3A_247 = arith.constant 3 : i32
      %add3A_248 = arith.addi %mul3A_246, %add3A_247 : i32
      %dma_wait3A_249 = arith.constant 0 : i32
      %dma_wait3A_250 = tpu.memref_slice %arg7[%add3A_248, %dma_wait3A_249] : memref<128x80xi32, #tpu.memory_space<vmem>> -> memref<1x80xi32, #tpu.memory_space<vmem>>
      %dma_wait3A_251 = tpu.memref_squeeze %dma_wait3A_250 : memref<1x80xi32, #tpu.memory_space<vmem>> -> memref<80xi32, #tpu.memory_space<vmem>>
      %dma_wait3A_252 = arith.constant 0 : i32
      %dma_wait3A_253 = arith.constant 0 : i32
      %dma_wait3A_254 = tpu.memref_slice %arg13[%dma_wait3A_252, %dma_wait3A_253] : memref<10112x64xf32, #tpu.memory_space<vmem_shared>> -> memref<10112x64xf32, #tpu.memory_space<vmem_shared>>
      tpu.wait_indirect_dma semaphore(%arg18 : memref<!tpu.dma_semaphore, #tpu.memory_space<semaphore_mem>>) src(%dma_wait3A_254 : memref<10112x64xf32, #tpu.memory_space<vmem_shared>>) dst(%arg12 : memref<80x64xf32, #tpu.memory_space<vmem>>)
      %dma_start3A_255 = arith.constant 0 : i32
      %dma_start3A_256 = tpu.memref_slice %arg8[%add3A_248, %dma_start3A_255] : memref<128x80xi32, #tpu.memory_space<vmem>> -> memref<1x80xi32, #tpu.memory_space<vmem>>
      %dma_start3A_257 = tpu.memref_squeeze %dma_start3A_256 : memref<1x80xi32, #tpu.memory_space<vmem>> -> memref<80xi32, #tpu.memory_space<vmem>>
      %dma_start3A_258 = arith.constant 0 : i32
      %dma_start3A_259 = arith.constant 0 : i32
      %dma_start3A_260 = tpu.memref_slice %arg14[%dma_start3A_258, %dma_start3A_259] : memref<10112x64xf32, #tpu.memory_space<vmem_shared>> -> memref<10112x64xf32, #tpu.memory_space<vmem_shared>>
      tpu.enqueue_indirect_dma source(%arg12 : memref<80x64xf32, #tpu.memory_space<vmem>>) target(%dma_start3A_260 : memref<10112x64xf32, #tpu.memory_space<vmem_shared>>) offsets(%dma_start3A_257 : memref<80xi32, #tpu.memory_space<vmem>>) semaphore(%arg22 : memref<!tpu.dma_semaphore, #tpu.memory_space<semaphore_mem>>) {add = true}
      %dma_wait3A_261 = arith.constant 0 : i32
      %dma_wait3A_262 = tpu.memref_slice %arg8[%add3A_248, %dma_wait3A_261] : memref<128x80xi32, #tpu.memory_space<vmem>> -> memref<1x80xi32, #tpu.memory_space<vmem>>
      %dma_wait3A_263 = tpu.memref_squeeze %dma_wait3A_262 : memref<1x80xi32, #tpu.memory_space<vmem>> -> memref<80xi32, #tpu.memory_space<vmem>>
      %dma_wait3A_264 = arith.constant 0 : i32
      %dma_wait3A_265 = arith.constant 0 : i32
      %dma_wait3A_266 = tpu.memref_slice %arg14[%dma_wait3A_264, %dma_wait3A_265] : memref<10112x64xf32, #tpu.memory_space<vmem_shared>> -> memref<10112x64xf32, #tpu.memory_space<vmem_shared>>
      tpu.wait_indirect_dma semaphore(%arg21 : memref<!tpu.dma_semaphore, #tpu.memory_space<semaphore_mem>>) src(%arg11 : memref<80x64xf32, #tpu.memory_space<vmem>>) dst(%dma_wait3A_266 : memref<10112x64xf32, #tpu.memory_space<vmem_shared>>)
      %add3A_267 = arith.constant 4 : i32
      %add3A_268 = arith.addi %add3A_248, %add3A_267 : i32
      %sub3A_269 = arith.constant 1 : i32
      %sub3A_270 = arith.subi %add3A_268, %sub3A_269 : i32
      %min3A_271 = arith.constant 127 : i32
      %min3A_272 = arith.minsi %sub3A_270, %min3A_271 : i32
      %dma_start3A_273 = arith.constant 0 : i32
      %dma_start3A_274 = tpu.memref_slice %arg7[%min3A_272, %dma_start3A_273] : memref<128x80xi32, #tpu.memory_space<vmem>> -> memref<1x80xi32, #tpu.memory_space<vmem>>
      %dma_start3A_275 = tpu.memref_squeeze %dma_start3A_274 : memref<1x80xi32, #tpu.memory_space<vmem>> -> memref<80xi32, #tpu.memory_space<vmem>>
      %dma_start3A_276 = arith.constant 0 : i32
      %dma_start3A_277 = arith.constant 0 : i32
      %dma_start3A_278 = tpu.memref_slice %arg13[%dma_start3A_276, %dma_start3A_277] : memref<10112x64xf32, #tpu.memory_space<vmem_shared>> -> memref<10112x64xf32, #tpu.memory_space<vmem_shared>>
      tpu.enqueue_indirect_dma source(%dma_start3A_278 : memref<10112x64xf32, #tpu.memory_space<vmem_shared>>) target(%arg11 : memref<80x64xf32, #tpu.memory_space<vmem>>) offsets(%dma_start3A_275 : memref<80xi32, #tpu.memory_space<vmem>>) semaphore(%arg17 : memref<!tpu.dma_semaphore, #tpu.memory_space<semaphore_mem>>)
    }
    %scan3A_35 = arith.constant 32 : i32
    %dma_wait3A = arith.constant 0 : i32
    %dma_wait3A_36 = arith.constant 0 : i32
    %dma_wait3A_37 = tpu.memref_slice %arg8[%dma_wait3A, %dma_wait3A_36] : memref<128x80xi32, #tpu.memory_space<vmem>> -> memref<1x80xi32, #tpu.memory_space<vmem>>
    %dma_wait3A_38 = tpu.memref_squeeze %dma_wait3A_37 : memref<1x80xi32, #tpu.memory_space<vmem>> -> memref<80xi32, #tpu.memory_space<vmem>>
    %dma_wait3A_39 = arith.constant 0 : i32
    %dma_wait3A_40 = arith.constant 0 : i32
    %dma_wait3A_41 = tpu.memref_slice %arg14[%dma_wait3A_39, %dma_wait3A_40] : memref<10112x64xf32, #tpu.memory_space<vmem_shared>> -> memref<10112x64xf32, #tpu.memory_space<vmem_shared>>
    tpu.wait_indirect_dma semaphore(%arg22 : memref<!tpu.dma_semaphore, #tpu.memory_space<semaphore_mem>>) src(%arg12 : memref<80x64xf32, #tpu.memory_space<vmem>>) dst(%dma_wait3A_41 : memref<10112x64xf32, #tpu.memory_space<vmem_shared>>)
    %dma_wait3A_42 = arith.constant 0 : i32
    %dma_wait3A_43 = arith.constant 0 : i32
    %dma_wait3A_44 = tpu.memref_slice %arg7[%dma_wait3A_42, %dma_wait3A_43] : memref<128x80xi32, #tpu.memory_space<vmem>> -> memref<1x80xi32, #tpu.memory_space<vmem>>
    %dma_wait3A_45 = tpu.memref_squeeze %dma_wait3A_44 : memref<1x80xi32, #tpu.memory_space<vmem>> -> memref<80xi32, #tpu.memory_space<vmem>>
    %dma_wait3A_46 = arith.constant 0 : i32
    %dma_wait3A_47 = arith.constant 0 : i32
    %dma_wait3A_48 = tpu.memref_slice %arg13[%dma_wait3A_46, %dma_wait3A_47] : memref<10112x64xf32, #tpu.memory_space<vmem_shared>> -> memref<10112x64xf32, #tpu.memory_space<vmem_shared>>
    tpu.wait_indirect_dma semaphore(%arg15 : memref<!tpu.dma_semaphore, #tpu.memory_space<semaphore_mem>>) src(%dma_wait3A_48 : memref<10112x64xf32, #tpu.memory_space<vmem_shared>>) dst(%arg9 : memref<80x64xf32, #tpu.memory_space<vmem>>)
    %dma_wait3A_49 = arith.constant 0 : i32
    %dma_wait3A_50 = arith.constant 0 : i32
    %dma_wait3A_51 = tpu.memref_slice %arg7[%dma_wait3A_49, %dma_wait3A_50] : memref<128x80xi32, #tpu.memory_space<vmem>> -> memref<1x80xi32, #tpu.memory_space<vmem>>
    %dma_wait3A_52 = tpu.memref_squeeze %dma_wait3A_51 : memref<1x80xi32, #tpu.memory_space<vmem>> -> memref<80xi32, #tpu.memory_space<vmem>>
    %dma_wait3A_53 = arith.constant 0 : i32
    %dma_wait3A_54 = arith.constant 0 : i32
    %dma_wait3A_55 = tpu.memref_slice %arg13[%dma_wait3A_53, %dma_wait3A_54] : memref<10112x64xf32, #tpu.memory_space<vmem_shared>> -> memref<10112x64xf32, #tpu.memory_space<vmem_shared>>
    tpu.wait_indirect_dma semaphore(%arg16 : memref<!tpu.dma_semaphore, #tpu.memory_space<semaphore_mem>>) src(%dma_wait3A_55 : memref<10112x64xf32, #tpu.memory_space<vmem_shared>>) dst(%arg10 : memref<80x64xf32, #tpu.memory_space<vmem>>)
    %dma_wait3A_56 = arith.constant 0 : i32
    %dma_wait3A_57 = arith.constant 0 : i32
    %dma_wait3A_58 = tpu.memref_slice %arg7[%dma_wait3A_56, %dma_wait3A_57] : memref<128x80xi32, #tpu.memory_space<vmem>> -> memref<1x80xi32, #tpu.memory_space<vmem>>
    %dma_wait3A_59 = tpu.memref_squeeze %dma_wait3A_58 : memref<1x80xi32, #tpu.memory_space<vmem>> -> memref<80xi32, #tpu.memory_space<vmem>>
    %dma_wait3A_60 = arith.constant 0 : i32
    %dma_wait3A_61 = arith.constant 0 : i32
    %dma_wait3A_62 = tpu.memref_slice %arg13[%dma_wait3A_60, %dma_wait3A_61] : memref<10112x64xf32, #tpu.memory_space<vmem_shared>> -> memref<10112x64xf32, #tpu.memory_space<vmem_shared>>
    tpu.wait_indirect_dma semaphore(%arg17 : memref<!tpu.dma_semaphore, #tpu.memory_space<semaphore_mem>>) src(%dma_wait3A_62 : memref<10112x64xf32, #tpu.memory_space<vmem_shared>>) dst(%arg11 : memref<80x64xf32, #tpu.memory_space<vmem>>)
    %barrier3A_63 = arith.constant 0 : index
    tpu.barrier barrier_id(%barrier3A_63)
    %mul3A_64 = arith.constant 632 : i32
    %mul3A_65 = arith.muli %arg1, %mul3A_64 : i32
    %mul3A_66 = arith.constant 632 : i32
    %mul3A_67 = arith.muli %arg1, %mul3A_66 : i32
    %run_scoped3A_68 = arith.constant 0 : i32
    "tpu.region"() ({
      %run_scoped3A_146 = tpu.sem_alloc : memref<!tpu.dma_semaphore, #tpu.memory_space<semaphore_mem>>
      %dma_start3A_147 = arith.constant 0 : i32
      %dma_start3A_148 = arith.constant 0 : i32
      %dma_start3A_149 = tpu.memref_slice %arg6[%arg0, %run_scoped3A_68, %dma_start3A_147, %dma_start3A_148] : memref<2x2x10112x64xf32, #tpu.memory_space<hbm>> -> memref<1x1x10112x64xf32, #tpu.memory_space<hbm>>
      %dma_start3A_150 = tpu.memref_squeeze %dma_start3A_149 : memref<1x1x10112x64xf32, #tpu.memory_space<hbm>> -> memref<10112x64xf32, #tpu.memory_space<hbm>>
      %dma_start3A_151 = arith.constant 0 : i32
      %dma_start3A_152 = tpu.memref_slice %dma_start3A_150[%mul3A_67, %dma_start3A_151] : memref<10112x64xf32, #tpu.memory_space<hbm>> -> memref<632x64xf32, #tpu.memory_space<hbm>>
      %dma_start3A_153 = arith.constant 0 : i32
      %dma_start3A_154 = tpu.memref_slice %arg14[%mul3A_65, %dma_start3A_153] : memref<10112x64xf32, #tpu.memory_space<vmem_shared>> -> memref<632x64xf32, #tpu.memory_space<vmem_shared>>
      tpu.enqueue_dma source(%dma_start3A_154 : memref<632x64xf32, #tpu.memory_space<vmem_shared>>) target(%dma_start3A_152 : memref<632x64xf32, #tpu.memory_space<hbm>>) target_semaphore(%run_scoped3A_146 : memref<!tpu.dma_semaphore, #tpu.memory_space<semaphore_mem>>)
      %dma_wait3A_155 = arith.constant 0 : i32
      %dma_wait3A_156 = arith.constant 0 : i32
      %dma_wait3A_157 = tpu.memref_slice %arg6[%arg0, %run_scoped3A_68, %dma_wait3A_155, %dma_wait3A_156] : memref<2x2x10112x64xf32, #tpu.memory_space<hbm>> -> memref<1x1x10112x64xf32, #tpu.memory_space<hbm>>
      %dma_wait3A_158 = tpu.memref_squeeze %dma_wait3A_157 : memref<1x1x10112x64xf32, #tpu.memory_space<hbm>> -> memref<10112x64xf32, #tpu.memory_space<hbm>>
      %dma_wait3A_159 = arith.constant 0 : i32
      %dma_wait3A_160 = tpu.memref_slice %dma_wait3A_158[%mul3A_67, %dma_wait3A_159] : memref<10112x64xf32, #tpu.memory_space<hbm>> -> memref<632x64xf32, #tpu.memory_space<hbm>>
      %dma_wait3A_161 = arith.constant 0 : i32
      %dma_wait3A_162 = tpu.memref_slice %arg14[%mul3A_65, %dma_wait3A_161] : memref<10112x64xf32, #tpu.memory_space<vmem_shared>> -> memref<632x64xf32, #tpu.memory_space<vmem_shared>>
      tpu.wait_dma2 semaphore(%run_scoped3A_146 : memref<!tpu.dma_semaphore, #tpu.memory_space<semaphore_mem>>) src(%dma_wait3A_162 : memref<632x64xf32, #tpu.memory_space<vmem_shared>>) dst(%dma_wait3A_160 : memref<632x64xf32, #tpu.memory_space<hbm>>)
      tpu.yield
    }) : () -> ()
    %mul3A_69 = arith.constant 632 : i32
    %mul3A_70 = arith.muli %arg1, %mul3A_69 : i32
    %mul3A_71 = arith.constant 632 : i32
    %mul3A_72 = arith.muli %arg1, %mul3A_71 : i32
    %run_scoped3A_73 = arith.constant 1 : i32
    "tpu.region"() ({
      %run_scoped3A_146 = tpu.sem_alloc : memref<!tpu.dma_semaphore, #tpu.memory_space<semaphore_mem>>
      %dma_start3A_147 = arith.constant 0 : i32
      %dma_start3A_148 = tpu.memref_slice %arg13[%mul3A_72, %dma_start3A_147] : memref<10112x64xf32, #tpu.memory_space<vmem_shared>> -> memref<632x64xf32, #tpu.memory_space<vmem_shared>>
      %dma_start3A_149 = arith.constant 0 : i32
      %dma_start3A_150 = tpu.memref_slice %arg2[%run_scoped3A_73, %mul3A_70, %dma_start3A_149] : memref<2x10112x64xf32, #tpu.memory_space<hbm>> -> memref<1x632x64xf32, #tpu.memory_space<hbm>>
      %dma_start3A_151 = tpu.memref_squeeze %dma_start3A_150 : memref<1x632x64xf32, #tpu.memory_space<hbm>> -> memref<632x64xf32, #tpu.memory_space<hbm>>
      tpu.enqueue_dma source(%dma_start3A_151 : memref<632x64xf32, #tpu.memory_space<hbm>>) target(%dma_start3A_148 : memref<632x64xf32, #tpu.memory_space<vmem_shared>>) target_semaphore(%run_scoped3A_146 : memref<!tpu.dma_semaphore, #tpu.memory_space<semaphore_mem>>)
      %dma_wait3A_152 = arith.constant 0 : i32
      %dma_wait3A_153 = tpu.memref_slice %arg13[%mul3A_72, %dma_wait3A_152] : memref<10112x64xf32, #tpu.memory_space<vmem_shared>> -> memref<632x64xf32, #tpu.memory_space<vmem_shared>>
      %dma_wait3A_154 = arith.constant 0 : i32
      %dma_wait3A_155 = tpu.memref_slice %arg2[%run_scoped3A_73, %mul3A_70, %dma_wait3A_154] : memref<2x10112x64xf32, #tpu.memory_space<hbm>> -> memref<1x632x64xf32, #tpu.memory_space<hbm>>
      %dma_wait3A_156 = tpu.memref_squeeze %dma_wait3A_155 : memref<1x632x64xf32, #tpu.memory_space<hbm>> -> memref<632x64xf32, #tpu.memory_space<hbm>>
      tpu.wait_dma2 semaphore(%run_scoped3A_146 : memref<!tpu.dma_semaphore, #tpu.memory_space<semaphore_mem>>) src(%dma_wait3A_156 : memref<632x64xf32, #tpu.memory_space<hbm>>) dst(%dma_wait3A_153 : memref<632x64xf32, #tpu.memory_space<vmem_shared>>)
      tpu.yield
    }) : () -> ()
    %eq3A_74 = arith.constant 0 : i32
    %eq3A_75 = arith.cmpi eq, %arg0, %eq3A_74 : i32
    %convert_element_type3A_76 = arith.extui %eq3A_75 : i1 to i32
    %cond3A_77 = arith.constant 0 : i32
    %cond3A_78 = arith.cmpi ne, %convert_element_type3A_76, %cond3A_77 : i32
    scf.if %cond3A_78 {
      %mul3A_146 = arith.constant 632 : i32
      %mul3A_147 = arith.muli %arg1, %mul3A_146 : i32
      %mul3A_148 = arith.constant 632 : i32
      %mul3A_149 = arith.muli %arg1, %mul3A_148 : i32
      %run_scoped3A_150 = arith.constant 1 : i32
      "tpu.region"() ({
        %run_scoped3A_151 = tpu.sem_alloc : memref<!tpu.dma_semaphore, #tpu.memory_space<semaphore_mem>>
        %dma_start3A_152 = arith.constant 0 : i32
        %dma_start3A_153 = tpu.memref_slice %arg14[%mul3A_149, %dma_start3A_152] : memref<10112x64xf32, #tpu.memory_space<vmem_shared>> -> memref<632x64xf32, #tpu.memory_space<vmem_shared>>
        %dma_start3A_154 = arith.constant 0 : i32
        %dma_start3A_155 = tpu.memref_slice %arg2[%run_scoped3A_150, %mul3A_147, %dma_start3A_154] : memref<2x10112x64xf32, #tpu.memory_space<hbm>> -> memref<1x632x64xf32, #tpu.memory_space<hbm>>
        %dma_start3A_156 = tpu.memref_squeeze %dma_start3A_155 : memref<1x632x64xf32, #tpu.memory_space<hbm>> -> memref<632x64xf32, #tpu.memory_space<hbm>>
        tpu.enqueue_dma source(%dma_start3A_156 : memref<632x64xf32, #tpu.memory_space<hbm>>) target(%dma_start3A_153 : memref<632x64xf32, #tpu.memory_space<vmem_shared>>) target_semaphore(%run_scoped3A_151 : memref<!tpu.dma_semaphore, #tpu.memory_space<semaphore_mem>>)
        %dma_wait3A_157 = arith.constant 0 : i32
        %dma_wait3A_158 = tpu.memref_slice %arg14[%mul3A_149, %dma_wait3A_157] : memref<10112x64xf32, #tpu.memory_space<vmem_shared>> -> memref<632x64xf32, #tpu.memory_space<vmem_shared>>
        %dma_wait3A_159 = arith.constant 0 : i32
        %dma_wait3A_160 = tpu.memref_slice %arg2[%run_scoped3A_150, %mul3A_147, %dma_wait3A_159] : memref<2x10112x64xf32, #tpu.memory_space<hbm>> -> memref<1x632x64xf32, #tpu.memory_space<hbm>>
        %dma_wait3A_161 = tpu.memref_squeeze %dma_wait3A_160 : memref<1x632x64xf32, #tpu.memory_space<hbm>> -> memref<632x64xf32, #tpu.memory_space<hbm>>
        tpu.wait_dma2 semaphore(%run_scoped3A_151 : memref<!tpu.dma_semaphore, #tpu.memory_space<semaphore_mem>>) src(%dma_wait3A_161 : memref<632x64xf32, #tpu.memory_space<hbm>>) dst(%dma_wait3A_158 : memref<632x64xf32, #tpu.memory_space<vmem_shared>>)
        tpu.yield
      }) : () -> ()
    } else {
    }
    %ne3A_79 = arith.constant 0 : i32
    %ne3A_80 = arith.cmpi ne, %arg0, %ne3A_79 : i32
    %convert_element_type3A_81 = arith.extui %ne3A_80 : i1 to i32
    %cond3A_82 = arith.constant 0 : i32
    %cond3A_83 = arith.cmpi ne, %convert_element_type3A_81, %cond3A_82 : i32
    scf.if %cond3A_83 {
      %mul3A_146 = arith.constant 632 : i32
      %mul3A_147 = arith.muli %arg1, %mul3A_146 : i32
      %mul3A_148 = arith.constant 632 : i32
      %mul3A_149 = arith.muli %arg1, %mul3A_148 : i32
      "tpu.region"() ({
        %run_scoped3A_150 = tpu.sem_alloc : memref<!tpu.dma_semaphore, #tpu.memory_space<semaphore_mem>>
        %dma_start3A_151 = arith.constant 0 : i32
        %dma_start3A_152 = tpu.memref_slice %arg14[%mul3A_149, %dma_start3A_151] : memref<10112x64xf32, #tpu.memory_space<vmem_shared>> -> memref<632x64xf32, #tpu.memory_space<vmem_shared>>
        %dma_start3A_153 = arith.constant 0 : i32
        %dma_start3A_154 = tpu.memref_slice %arg5[%mul3A_147, %dma_start3A_153] : memref<10112x64xf32, #tpu.memory_space<hbm>> -> memref<632x64xf32, #tpu.memory_space<hbm>>
        tpu.enqueue_dma source(%dma_start3A_154 : memref<632x64xf32, #tpu.memory_space<hbm>>) target(%dma_start3A_152 : memref<632x64xf32, #tpu.memory_space<vmem_shared>>) target_semaphore(%run_scoped3A_150 : memref<!tpu.dma_semaphore, #tpu.memory_space<semaphore_mem>>)
        %dma_wait3A_155 = arith.constant 0 : i32
        %dma_wait3A_156 = tpu.memref_slice %arg14[%mul3A_149, %dma_wait3A_155] : memref<10112x64xf32, #tpu.memory_space<vmem_shared>> -> memref<632x64xf32, #tpu.memory_space<vmem_shared>>
        %dma_wait3A_157 = arith.constant 0 : i32
        %dma_wait3A_158 = tpu.memref_slice %arg5[%mul3A_147, %dma_wait3A_157] : memref<10112x64xf32, #tpu.memory_space<hbm>> -> memref<632x64xf32, #tpu.memory_space<hbm>>
        tpu.wait_dma2 semaphore(%run_scoped3A_150 : memref<!tpu.dma_semaphore, #tpu.memory_space<semaphore_mem>>) src(%dma_wait3A_158 : memref<632x64xf32, #tpu.memory_space<hbm>>) dst(%dma_wait3A_156 : memref<632x64xf32, #tpu.memory_space<vmem_shared>>)
        tpu.yield
      }) : () -> ()
    } else {
    }
    %barrier3A_84 = arith.constant 0 : index
    tpu.barrier barrier_id(%barrier3A_84)
    %dma_start3A_85 = arith.constant 0 : i32
    %dma_start3A_86 = arith.constant 0 : i32
    %dma_start3A_87 = tpu.memref_slice %arg7[%dma_start3A_85, %dma_start3A_86] : memref<128x80xi32, #tpu.memory_space<vmem>> -> memref<1x80xi32, #tpu.memory_space<vmem>>
    %dma_start3A_88 = tpu.memref_squeeze %dma_start3A_87 : memref<1x80xi32, #tpu.memory_space<vmem>> -> memref<80xi32, #tpu.memory_space<vmem>>
    %dma_start3A_89 = arith.constant 0 : i32
    %dma_start3A_90 = arith.constant 0 : i32
    %dma_start3A_91 = tpu.memref_slice %arg13[%dma_start3A_89, %dma_start3A_90] : memref<10112x64xf32, #tpu.memory_space<vmem_shared>> -> memref<10112x64xf32, #tpu.memory_space<vmem_shared>>
    tpu.enqueue_indirect_dma source(%dma_start3A_91 : memref<10112x64xf32, #tpu.memory_space<vmem_shared>>) target(%arg9 : memref<80x64xf32, #tpu.memory_space<vmem>>) offsets(%dma_start3A_88 : memref<80xi32, #tpu.memory_space<vmem>>) semaphore(%arg15 : memref<!tpu.dma_semaphore, #tpu.memory_space<semaphore_mem>>)
    %dma_start3A_92 = arith.constant 1 : i32
    %dma_start3A_93 = arith.constant 0 : i32
    %dma_start3A_94 = tpu.memref_slice %arg7[%dma_start3A_92, %dma_start3A_93] : memref<128x80xi32, #tpu.memory_space<vmem>> -> memref<1x80xi32, #tpu.memory_space<vmem>>
    %dma_start3A_95 = tpu.memref_squeeze %dma_start3A_94 : memref<1x80xi32, #tpu.memory_space<vmem>> -> memref<80xi32, #tpu.memory_space<vmem>>
    %dma_start3A_96 = arith.constant 0 : i32
    %dma_start3A_97 = arith.constant 0 : i32
    %dma_start3A_98 = tpu.memref_slice %arg13[%dma_start3A_96, %dma_start3A_97] : memref<10112x64xf32, #tpu.memory_space<vmem_shared>> -> memref<10112x64xf32, #tpu.memory_space<vmem_shared>>
    tpu.enqueue_indirect_dma source(%dma_start3A_98 : memref<10112x64xf32, #tpu.memory_space<vmem_shared>>) target(%arg10 : memref<80x64xf32, #tpu.memory_space<vmem>>) offsets(%dma_start3A_95 : memref<80xi32, #tpu.memory_space<vmem>>) semaphore(%arg16 : memref<!tpu.dma_semaphore, #tpu.memory_space<semaphore_mem>>)
    %dma_start3A_99 = arith.constant 2 : i32
    %dma_start3A_100 = arith.constant 0 : i32
    %dma_start3A_101 = tpu.memref_slice %arg7[%dma_start3A_99, %dma_start3A_100] : memref<128x80xi32, #tpu.memory_space<vmem>> -> memref<1x80xi32, #tpu.memory_space<vmem>>
    %dma_start3A_102 = tpu.memref_squeeze %dma_start3A_101 : memref<1x80xi32, #tpu.memory_space<vmem>> -> memref<80xi32, #tpu.memory_space<vmem>>
    %dma_start3A_103 = arith.constant 0 : i32
    %dma_start3A_104 = arith.constant 0 : i32
    %dma_start3A_105 = tpu.memref_slice %arg13[%dma_start3A_103, %dma_start3A_104] : memref<10112x64xf32, #tpu.memory_space<vmem_shared>> -> memref<10112x64xf32, #tpu.memory_space<vmem_shared>>
    tpu.enqueue_indirect_dma source(%dma_start3A_105 : memref<10112x64xf32, #tpu.memory_space<vmem_shared>>) target(%arg11 : memref<80x64xf32, #tpu.memory_space<vmem>>) offsets(%dma_start3A_102 : memref<80xi32, #tpu.memory_space<vmem>>) semaphore(%arg17 : memref<!tpu.dma_semaphore, #tpu.memory_space<semaphore_mem>>)
    %scan3A_106 = arith.constant 0 : i32
    %scan3A_107 = arith.constant 0 : i32
    %scan3A_108 = arith.constant 32 : i32
    %scan3A_109 = arith.addi %scan3A_107, %scan3A_108 : i32
    %scan3A_110 = arith.constant 1 : i32
    scf.for %scan3A_146 = %scan3A_107 to %scan3A_109 step %scan3A_110  : i32 {
      %mul3A_147 = arith.constant 4 : i32
      %mul3A_148 = arith.muli %scan3A_146, %mul3A_147 : i32
      %add3A_149 = arith.constant 0 : i32
      %add3A_150 = arith.addi %mul3A_148, %add3A_149 : i32
      %dma_wait3A_151 = arith.constant 0 : i32
      %dma_wait3A_152 = tpu.memref_slice %arg7[%add3A_150, %dma_wait3A_151] : memref<128x80xi32, #tpu.memory_space<vmem>> -> memref<1x80xi32, #tpu.memory_space<vmem>>
      %dma_wait3A_153 = tpu.memref_squeeze %dma_wait3A_152 : memref<1x80xi32, #tpu.memory_space<vmem>> -> memref<80xi32, #tpu.memory_space<vmem>>
      %dma_wait3A_154 = arith.constant 0 : i32
      %dma_wait3A_155 = arith.constant 0 : i32
      %dma_wait3A_156 = tpu.memref_slice %arg13[%dma_wait3A_154, %dma_wait3A_155] : memref<10112x64xf32, #tpu.memory_space<vmem_shared>> -> memref<10112x64xf32, #tpu.memory_space<vmem_shared>>
      tpu.wait_indirect_dma semaphore(%arg15 : memref<!tpu.dma_semaphore, #tpu.memory_space<semaphore_mem>>) src(%dma_wait3A_156 : memref<10112x64xf32, #tpu.memory_space<vmem_shared>>) dst(%arg9 : memref<80x64xf32, #tpu.memory_space<vmem>>)
      %dma_start3A_157 = arith.constant 0 : i32
      %dma_start3A_158 = tpu.memref_slice %arg8[%add3A_150, %dma_start3A_157] : memref<128x80xi32, #tpu.memory_space<vmem>> -> memref<1x80xi32, #tpu.memory_space<vmem>>
      %dma_start3A_159 = tpu.memref_squeeze %dma_start3A_158 : memref<1x80xi32, #tpu.memory_space<vmem>> -> memref<80xi32, #tpu.memory_space<vmem>>
      %dma_start3A_160 = arith.constant 0 : i32
      %dma_start3A_161 = arith.constant 0 : i32
      %dma_start3A_162 = tpu.memref_slice %arg14[%dma_start3A_160, %dma_start3A_161] : memref<10112x64xf32, #tpu.memory_space<vmem_shared>> -> memref<10112x64xf32, #tpu.memory_space<vmem_shared>>
      tpu.enqueue_indirect_dma source(%arg9 : memref<80x64xf32, #tpu.memory_space<vmem>>) target(%dma_start3A_162 : memref<10112x64xf32, #tpu.memory_space<vmem_shared>>) offsets(%dma_start3A_159 : memref<80xi32, #tpu.memory_space<vmem>>) semaphore(%arg19 : memref<!tpu.dma_semaphore, #tpu.memory_space<semaphore_mem>>) {add = true}
      %gt3A = arith.constant 0 : i32
      %gt3A_163 = arith.cmpi sgt, %scan3A_146, %gt3A : i32
      %convert_element_type3A_164 = arith.extui %gt3A_163 : i1 to i32
      %cond3A_165 = arith.constant 0 : i32
      %cond3A_166 = arith.cmpi ne, %convert_element_type3A_164, %cond3A_165 : i32
      scf.if %cond3A_166 {
        %dma_wait3A_279 = arith.constant 0 : i32
        %dma_wait3A_280 = tpu.memref_slice %arg8[%add3A_150, %dma_wait3A_279] : memref<128x80xi32, #tpu.memory_space<vmem>> -> memref<1x80xi32, #tpu.memory_space<vmem>>
        %dma_wait3A_281 = tpu.memref_squeeze %dma_wait3A_280 : memref<1x80xi32, #tpu.memory_space<vmem>> -> memref<80xi32, #tpu.memory_space<vmem>>
        %dma_wait3A_282 = arith.constant 0 : i32
        %dma_wait3A_283 = arith.constant 0 : i32
        %dma_wait3A_284 = tpu.memref_slice %arg14[%dma_wait3A_282, %dma_wait3A_283] : memref<10112x64xf32, #tpu.memory_space<vmem_shared>> -> memref<10112x64xf32, #tpu.memory_space<vmem_shared>>
        tpu.wait_indirect_dma semaphore(%arg22 : memref<!tpu.dma_semaphore, #tpu.memory_space<semaphore_mem>>) src(%arg12 : memref<80x64xf32, #tpu.memory_space<vmem>>) dst(%dma_wait3A_284 : memref<10112x64xf32, #tpu.memory_space<vmem_shared>>)
      } else {
      }
      %add3A_167 = arith.constant 4 : i32
      %add3A_168 = arith.addi %add3A_150, %add3A_167 : i32
      %sub3A = arith.constant 1 : i32
      %sub3A_169 = arith.subi %add3A_168, %sub3A : i32
      %min3A = arith.constant 127 : i32
      %min3A_170 = arith.minsi %sub3A_169, %min3A : i32
      %dma_start3A_171 = arith.constant 0 : i32
      %dma_start3A_172 = tpu.memref_slice %arg7[%min3A_170, %dma_start3A_171] : memref<128x80xi32, #tpu.memory_space<vmem>> -> memref<1x80xi32, #tpu.memory_space<vmem>>
      %dma_start3A_173 = tpu.memref_squeeze %dma_start3A_172 : memref<1x80xi32, #tpu.memory_space<vmem>> -> memref<80xi32, #tpu.memory_space<vmem>>
      %dma_start3A_174 = arith.constant 0 : i32
      %dma_start3A_175 = arith.constant 0 : i32
      %dma_start3A_176 = tpu.memref_slice %arg13[%dma_start3A_174, %dma_start3A_175] : memref<10112x64xf32, #tpu.memory_space<vmem_shared>> -> memref<10112x64xf32, #tpu.memory_space<vmem_shared>>
      tpu.enqueue_indirect_dma source(%dma_start3A_176 : memref<10112x64xf32, #tpu.memory_space<vmem_shared>>) target(%arg12 : memref<80x64xf32, #tpu.memory_space<vmem>>) offsets(%dma_start3A_173 : memref<80xi32, #tpu.memory_space<vmem>>) semaphore(%arg18 : memref<!tpu.dma_semaphore, #tpu.memory_space<semaphore_mem>>)
      %mul3A_177 = arith.constant 4 : i32
      %mul3A_178 = arith.muli %scan3A_146, %mul3A_177 : i32
      %add3A_179 = arith.constant 1 : i32
      %add3A_180 = arith.addi %mul3A_178, %add3A_179 : i32
      %dma_wait3A_181 = arith.constant 0 : i32
      %dma_wait3A_182 = tpu.memref_slice %arg7[%add3A_180, %dma_wait3A_181] : memref<128x80xi32, #tpu.memory_space<vmem>> -> memref<1x80xi32, #tpu.memory_space<vmem>>
      %dma_wait3A_183 = tpu.memref_squeeze %dma_wait3A_182 : memref<1x80xi32, #tpu.memory_space<vmem>> -> memref<80xi32, #tpu.memory_space<vmem>>
      %dma_wait3A_184 = arith.constant 0 : i32
      %dma_wait3A_185 = arith.constant 0 : i32
      %dma_wait3A_186 = tpu.memref_slice %arg13[%dma_wait3A_184, %dma_wait3A_185] : memref<10112x64xf32, #tpu.memory_space<vmem_shared>> -> memref<10112x64xf32, #tpu.memory_space<vmem_shared>>
      tpu.wait_indirect_dma semaphore(%arg16 : memref<!tpu.dma_semaphore, #tpu.memory_space<semaphore_mem>>) src(%dma_wait3A_186 : memref<10112x64xf32, #tpu.memory_space<vmem_shared>>) dst(%arg10 : memref<80x64xf32, #tpu.memory_space<vmem>>)
      %dma_start3A_187 = arith.constant 0 : i32
      %dma_start3A_188 = tpu.memref_slice %arg8[%add3A_180, %dma_start3A_187] : memref<128x80xi32, #tpu.memory_space<vmem>> -> memref<1x80xi32, #tpu.memory_space<vmem>>
      %dma_start3A_189 = tpu.memref_squeeze %dma_start3A_188 : memref<1x80xi32, #tpu.memory_space<vmem>> -> memref<80xi32, #tpu.memory_space<vmem>>
      %dma_start3A_190 = arith.constant 0 : i32
      %dma_start3A_191 = arith.constant 0 : i32
      %dma_start3A_192 = tpu.memref_slice %arg14[%dma_start3A_190, %dma_start3A_191] : memref<10112x64xf32, #tpu.memory_space<vmem_shared>> -> memref<10112x64xf32, #tpu.memory_space<vmem_shared>>
      tpu.enqueue_indirect_dma source(%arg10 : memref<80x64xf32, #tpu.memory_space<vmem>>) target(%dma_start3A_192 : memref<10112x64xf32, #tpu.memory_space<vmem_shared>>) offsets(%dma_start3A_189 : memref<80xi32, #tpu.memory_space<vmem>>) semaphore(%arg20 : memref<!tpu.dma_semaphore, #tpu.memory_space<semaphore_mem>>) {add = true}
      %dma_wait3A_193 = arith.constant 0 : i32
      %dma_wait3A_194 = tpu.memref_slice %arg8[%add3A_180, %dma_wait3A_193] : memref<128x80xi32, #tpu.memory_space<vmem>> -> memref<1x80xi32, #tpu.memory_space<vmem>>
      %dma_wait3A_195 = tpu.memref_squeeze %dma_wait3A_194 : memref<1x80xi32, #tpu.memory_space<vmem>> -> memref<80xi32, #tpu.memory_space<vmem>>
      %dma_wait3A_196 = arith.constant 0 : i32
      %dma_wait3A_197 = arith.constant 0 : i32
      %dma_wait3A_198 = tpu.memref_slice %arg14[%dma_wait3A_196, %dma_wait3A_197] : memref<10112x64xf32, #tpu.memory_space<vmem_shared>> -> memref<10112x64xf32, #tpu.memory_space<vmem_shared>>
      tpu.wait_indirect_dma semaphore(%arg19 : memref<!tpu.dma_semaphore, #tpu.memory_space<semaphore_mem>>) src(%arg9 : memref<80x64xf32, #tpu.memory_space<vmem>>) dst(%dma_wait3A_198 : memref<10112x64xf32, #tpu.memory_space<vmem_shared>>)
      %add3A_199 = arith.constant 4 : i32
      %add3A_200 = arith.addi %add3A_180, %add3A_199 : i32
      %sub3A_201 = arith.constant 1 : i32
      %sub3A_202 = arith.subi %add3A_200, %sub3A_201 : i32
      %min3A_203 = arith.constant 127 : i32
      %min3A_204 = arith.minsi %sub3A_202, %min3A_203 : i32
      %dma_start3A_205 = arith.constant 0 : i32
      %dma_start3A_206 = tpu.memref_slice %arg7[%min3A_204, %dma_start3A_205] : memref<128x80xi32, #tpu.memory_space<vmem>> -> memref<1x80xi32, #tpu.memory_space<vmem>>
      %dma_start3A_207 = tpu.memref_squeeze %dma_start3A_206 : memref<1x80xi32, #tpu.memory_space<vmem>> -> memref<80xi32, #tpu.memory_space<vmem>>
      %dma_start3A_208 = arith.constant 0 : i32
      %dma_start3A_209 = arith.constant 0 : i32
      %dma_start3A_210 = tpu.memref_slice %arg13[%dma_start3A_208, %dma_start3A_209] : memref<10112x64xf32, #tpu.memory_space<vmem_shared>> -> memref<10112x64xf32, #tpu.memory_space<vmem_shared>>
      tpu.enqueue_indirect_dma source(%dma_start3A_210 : memref<10112x64xf32, #tpu.memory_space<vmem_shared>>) target(%arg9 : memref<80x64xf32, #tpu.memory_space<vmem>>) offsets(%dma_start3A_207 : memref<80xi32, #tpu.memory_space<vmem>>) semaphore(%arg15 : memref<!tpu.dma_semaphore, #tpu.memory_space<semaphore_mem>>)
      %mul3A_211 = arith.constant 4 : i32
      %mul3A_212 = arith.muli %scan3A_146, %mul3A_211 : i32
      %add3A_213 = arith.constant 2 : i32
      %add3A_214 = arith.addi %mul3A_212, %add3A_213 : i32
      %dma_wait3A_215 = arith.constant 0 : i32
      %dma_wait3A_216 = tpu.memref_slice %arg7[%add3A_214, %dma_wait3A_215] : memref<128x80xi32, #tpu.memory_space<vmem>> -> memref<1x80xi32, #tpu.memory_space<vmem>>
      %dma_wait3A_217 = tpu.memref_squeeze %dma_wait3A_216 : memref<1x80xi32, #tpu.memory_space<vmem>> -> memref<80xi32, #tpu.memory_space<vmem>>
      %dma_wait3A_218 = arith.constant 0 : i32
      %dma_wait3A_219 = arith.constant 0 : i32
      %dma_wait3A_220 = tpu.memref_slice %arg13[%dma_wait3A_218, %dma_wait3A_219] : memref<10112x64xf32, #tpu.memory_space<vmem_shared>> -> memref<10112x64xf32, #tpu.memory_space<vmem_shared>>
      tpu.wait_indirect_dma semaphore(%arg17 : memref<!tpu.dma_semaphore, #tpu.memory_space<semaphore_mem>>) src(%dma_wait3A_220 : memref<10112x64xf32, #tpu.memory_space<vmem_shared>>) dst(%arg11 : memref<80x64xf32, #tpu.memory_space<vmem>>)
      %dma_start3A_221 = arith.constant 0 : i32
      %dma_start3A_222 = tpu.memref_slice %arg8[%add3A_214, %dma_start3A_221] : memref<128x80xi32, #tpu.memory_space<vmem>> -> memref<1x80xi32, #tpu.memory_space<vmem>>
      %dma_start3A_223 = tpu.memref_squeeze %dma_start3A_222 : memref<1x80xi32, #tpu.memory_space<vmem>> -> memref<80xi32, #tpu.memory_space<vmem>>
      %dma_start3A_224 = arith.constant 0 : i32
      %dma_start3A_225 = arith.constant 0 : i32
      %dma_start3A_226 = tpu.memref_slice %arg14[%dma_start3A_224, %dma_start3A_225] : memref<10112x64xf32, #tpu.memory_space<vmem_shared>> -> memref<10112x64xf32, #tpu.memory_space<vmem_shared>>
      tpu.enqueue_indirect_dma source(%arg11 : memref<80x64xf32, #tpu.memory_space<vmem>>) target(%dma_start3A_226 : memref<10112x64xf32, #tpu.memory_space<vmem_shared>>) offsets(%dma_start3A_223 : memref<80xi32, #tpu.memory_space<vmem>>) semaphore(%arg21 : memref<!tpu.dma_semaphore, #tpu.memory_space<semaphore_mem>>) {add = true}
      %dma_wait3A_227 = arith.constant 0 : i32
      %dma_wait3A_228 = tpu.memref_slice %arg8[%add3A_214, %dma_wait3A_227] : memref<128x80xi32, #tpu.memory_space<vmem>> -> memref<1x80xi32, #tpu.memory_space<vmem>>
      %dma_wait3A_229 = tpu.memref_squeeze %dma_wait3A_228 : memref<1x80xi32, #tpu.memory_space<vmem>> -> memref<80xi32, #tpu.memory_space<vmem>>
      %dma_wait3A_230 = arith.constant 0 : i32
      %dma_wait3A_231 = arith.constant 0 : i32
      %dma_wait3A_232 = tpu.memref_slice %arg14[%dma_wait3A_230, %dma_wait3A_231] : memref<10112x64xf32, #tpu.memory_space<vmem_shared>> -> memref<10112x64xf32, #tpu.memory_space<vmem_shared>>
      tpu.wait_indirect_dma semaphore(%arg20 : memref<!tpu.dma_semaphore, #tpu.memory_space<semaphore_mem>>) src(%arg10 : memref<80x64xf32, #tpu.memory_space<vmem>>) dst(%dma_wait3A_232 : memref<10112x64xf32, #tpu.memory_space<vmem_shared>>)
      %add3A_233 = arith.constant 4 : i32
      %add3A_234 = arith.addi %add3A_214, %add3A_233 : i32
      %sub3A_235 = arith.constant 1 : i32
      %sub3A_236 = arith.subi %add3A_234, %sub3A_235 : i32
      %min3A_237 = arith.constant 127 : i32
      %min3A_238 = arith.minsi %sub3A_236, %min3A_237 : i32
      %dma_start3A_239 = arith.constant 0 : i32
      %dma_start3A_240 = tpu.memref_slice %arg7[%min3A_238, %dma_start3A_239] : memref<128x80xi32, #tpu.memory_space<vmem>> -> memref<1x80xi32, #tpu.memory_space<vmem>>
      %dma_start3A_241 = tpu.memref_squeeze %dma_start3A_240 : memref<1x80xi32, #tpu.memory_space<vmem>> -> memref<80xi32, #tpu.memory_space<vmem>>
      %dma_start3A_242 = arith.constant 0 : i32
      %dma_start3A_243 = arith.constant 0 : i32
      %dma_start3A_244 = tpu.memref_slice %arg13[%dma_start3A_242, %dma_start3A_243] : memref<10112x64xf32, #tpu.memory_space<vmem_shared>> -> memref<10112x64xf32, #tpu.memory_space<vmem_shared>>
      tpu.enqueue_indirect_dma source(%dma_start3A_244 : memref<10112x64xf32, #tpu.memory_space<vmem_shared>>) target(%arg10 : memref<80x64xf32, #tpu.memory_space<vmem>>) offsets(%dma_start3A_241 : memref<80xi32, #tpu.memory_space<vmem>>) semaphore(%arg16 : memref<!tpu.dma_semaphore, #tpu.memory_space<semaphore_mem>>)
      %mul3A_245 = arith.constant 4 : i32
      %mul3A_246 = arith.muli %scan3A_146, %mul3A_245 : i32
      %add3A_247 = arith.constant 3 : i32
      %add3A_248 = arith.addi %mul3A_246, %add3A_247 : i32
      %dma_wait3A_249 = arith.constant 0 : i32
      %dma_wait3A_250 = tpu.memref_slice %arg7[%add3A_248, %dma_wait3A_249] : memref<128x80xi32, #tpu.memory_space<vmem>> -> memref<1x80xi32, #tpu.memory_space<vmem>>
      %dma_wait3A_251 = tpu.memref_squeeze %dma_wait3A_250 : memref<1x80xi32, #tpu.memory_space<vmem>> -> memref<80xi32, #tpu.memory_space<vmem>>
      %dma_wait3A_252 = arith.constant 0 : i32
      %dma_wait3A_253 = arith.constant 0 : i32
      %dma_wait3A_254 = tpu.memref_slice %arg13[%dma_wait3A_252, %dma_wait3A_253] : memref<10112x64xf32, #tpu.memory_space<vmem_shared>> -> memref<10112x64xf32, #tpu.memory_space<vmem_shared>>
      tpu.wait_indirect_dma semaphore(%arg18 : memref<!tpu.dma_semaphore, #tpu.memory_space<semaphore_mem>>) src(%dma_wait3A_254 : memref<10112x64xf32, #tpu.memory_space<vmem_shared>>) dst(%arg12 : memref<80x64xf32, #tpu.memory_space<vmem>>)
      %dma_start3A_255 = arith.constant 0 : i32
      %dma_start3A_256 = tpu.memref_slice %arg8[%add3A_248, %dma_start3A_255] : memref<128x80xi32, #tpu.memory_space<vmem>> -> memref<1x80xi32, #tpu.memory_space<vmem>>
      %dma_start3A_257 = tpu.memref_squeeze %dma_start3A_256 : memref<1x80xi32, #tpu.memory_space<vmem>> -> memref<80xi32, #tpu.memory_space<vmem>>
      %dma_start3A_258 = arith.constant 0 : i32
      %dma_start3A_259 = arith.constant 0 : i32
      %dma_start3A_260 = tpu.memref_slice %arg14[%dma_start3A_258, %dma_start3A_259] : memref<10112x64xf32, #tpu.memory_space<vmem_shared>> -> memref<10112x64xf32, #tpu.memory_space<vmem_shared>>
      tpu.enqueue_indirect_dma source(%arg12 : memref<80x64xf32, #tpu.memory_space<vmem>>) target(%dma_start3A_260 : memref<10112x64xf32, #tpu.memory_space<vmem_shared>>) offsets(%dma_start3A_257 : memref<80xi32, #tpu.memory_space<vmem>>) semaphore(%arg22 : memref<!tpu.dma_semaphore, #tpu.memory_space<semaphore_mem>>) {add = true}
      %dma_wait3A_261 = arith.constant 0 : i32
      %dma_wait3A_262 = tpu.memref_slice %arg8[%add3A_248, %dma_wait3A_261] : memref<128x80xi32, #tpu.memory_space<vmem>> -> memref<1x80xi32, #tpu.memory_space<vmem>>
      %dma_wait3A_263 = tpu.memref_squeeze %dma_wait3A_262 : memref<1x80xi32, #tpu.memory_space<vmem>> -> memref<80xi32, #tpu.memory_space<vmem>>
      %dma_wait3A_264 = arith.constant 0 : i32
      %dma_wait3A_265 = arith.constant 0 : i32
      %dma_wait3A_266 = tpu.memref_slice %arg14[%dma_wait3A_264, %dma_wait3A_265] : memref<10112x64xf32, #tpu.memory_space<vmem_shared>> -> memref<10112x64xf32, #tpu.memory_space<vmem_shared>>
      tpu.wait_indirect_dma semaphore(%arg21 : memref<!tpu.dma_semaphore, #tpu.memory_space<semaphore_mem>>) src(%arg11 : memref<80x64xf32, #tpu.memory_space<vmem>>) dst(%dma_wait3A_266 : memref<10112x64xf32, #tpu.memory_space<vmem_shared>>)
      %add3A_267 = arith.constant 4 : i32
      %add3A_268 = arith.addi %add3A_248, %add3A_267 : i32
      %sub3A_269 = arith.constant 1 : i32
      %sub3A_270 = arith.subi %add3A_268, %sub3A_269 : i32
      %min3A_271 = arith.constant 127 : i32
      %min3A_272 = arith.minsi %sub3A_270, %min3A_271 : i32
      %dma_start3A_273 = arith.constant 0 : i32
      %dma_start3A_274 = tpu.memref_slice %arg7[%min3A_272, %dma_start3A_273] : memref<128x80xi32, #tpu.memory_space<vmem>> -> memref<1x80xi32, #tpu.memory_space<vmem>>
      %dma_start3A_275 = tpu.memref_squeeze %dma_start3A_274 : memref<1x80xi32, #tpu.memory_space<vmem>> -> memref<80xi32, #tpu.memory_space<vmem>>
      %dma_start3A_276 = arith.constant 0 : i32
      %dma_start3A_277 = arith.constant 0 : i32
      %dma_start3A_278 = tpu.memref_slice %arg13[%dma_start3A_276, %dma_start3A_277] : memref<10112x64xf32, #tpu.memory_space<vmem_shared>> -> memref<10112x64xf32, #tpu.memory_space<vmem_shared>>
      tpu.enqueue_indirect_dma source(%dma_start3A_278 : memref<10112x64xf32, #tpu.memory_space<vmem_shared>>) target(%arg11 : memref<80x64xf32, #tpu.memory_space<vmem>>) offsets(%dma_start3A_275 : memref<80xi32, #tpu.memory_space<vmem>>) semaphore(%arg17 : memref<!tpu.dma_semaphore, #tpu.memory_space<semaphore_mem>>)
    }
    %scan3A_111 = arith.constant 32 : i32
    %dma_wait3A_112 = arith.constant 0 : i32
    %dma_wait3A_113 = arith.constant 0 : i32
    %dma_wait3A_114 = tpu.memref_slice %arg8[%dma_wait3A_112, %dma_wait3A_113] : memref<128x80xi32, #tpu.memory_space<vmem>> -> memref<1x80xi32, #tpu.memory_space<vmem>>
    %dma_wait3A_115 = tpu.memref_squeeze %dma_wait3A_114 : memref<1x80xi32, #tpu.memory_space<vmem>> -> memref<80xi32, #tpu.memory_space<vmem>>
    %dma_wait3A_116 = arith.constant 0 : i32
    %dma_wait3A_117 = arith.constant 0 : i32
    %dma_wait3A_118 = tpu.memref_slice %arg14[%dma_wait3A_116, %dma_wait3A_117] : memref<10112x64xf32, #tpu.memory_space<vmem_shared>> -> memref<10112x64xf32, #tpu.memory_space<vmem_shared>>
    tpu.wait_indirect_dma semaphore(%arg22 : memref<!tpu.dma_semaphore, #tpu.memory_space<semaphore_mem>>) src(%arg12 : memref<80x64xf32, #tpu.memory_space<vmem>>) dst(%dma_wait3A_118 : memref<10112x64xf32, #tpu.memory_space<vmem_shared>>)
    %dma_wait3A_119 = arith.constant 0 : i32
    %dma_wait3A_120 = arith.constant 0 : i32
    %dma_wait3A_121 = tpu.memref_slice %arg7[%dma_wait3A_119, %dma_wait3A_120] : memref<128x80xi32, #tpu.memory_space<vmem>> -> memref<1x80xi32, #tpu.memory_space<vmem>>
    %dma_wait3A_122 = tpu.memref_squeeze %dma_wait3A_121 : memref<1x80xi32, #tpu.memory_space<vmem>> -> memref<80xi32, #tpu.memory_space<vmem>>
    %dma_wait3A_123 = arith.constant 0 : i32
    %dma_wait3A_124 = arith.constant 0 : i32
    %dma_wait3A_125 = tpu.memref_slice %arg13[%dma_wait3A_123, %dma_wait3A_124] : memref<10112x64xf32, #tpu.memory_space<vmem_shared>> -> memref<10112x64xf32, #tpu.memory_space<vmem_shared>>
    tpu.wait_indirect_dma semaphore(%arg15 : memref<!tpu.dma_semaphore, #tpu.memory_space<semaphore_mem>>) src(%dma_wait3A_125 : memref<10112x64xf32, #tpu.memory_space<vmem_shared>>) dst(%arg9 : memref<80x64xf32, #tpu.memory_space<vmem>>)
    %dma_wait3A_126 = arith.constant 0 : i32
    %dma_wait3A_127 = arith.constant 0 : i32
    %dma_wait3A_128 = tpu.memref_slice %arg7[%dma_wait3A_126, %dma_wait3A_127] : memref<128x80xi32, #tpu.memory_space<vmem>> -> memref<1x80xi32, #tpu.memory_space<vmem>>
    %dma_wait3A_129 = tpu.memref_squeeze %dma_wait3A_128 : memref<1x80xi32, #tpu.memory_space<vmem>> -> memref<80xi32, #tpu.memory_space<vmem>>
    %dma_wait3A_130 = arith.constant 0 : i32
    %dma_wait3A_131 = arith.constant 0 : i32
    %dma_wait3A_132 = tpu.memref_slice %arg13[%dma_wait3A_130, %dma_wait3A_131] : memref<10112x64xf32, #tpu.memory_space<vmem_shared>> -> memref<10112x64xf32, #tpu.memory_space<vmem_shared>>
    tpu.wait_indirect_dma semaphore(%arg16 : memref<!tpu.dma_semaphore, #tpu.memory_space<semaphore_mem>>) src(%dma_wait3A_132 : memref<10112x64xf32, #tpu.memory_space<vmem_shared>>) dst(%arg10 : memref<80x64xf32, #tpu.memory_space<vmem>>)
    %dma_wait3A_133 = arith.constant 0 : i32
    %dma_wait3A_134 = arith.constant 0 : i32
    %dma_wait3A_135 = tpu.memref_slice %arg7[%dma_wait3A_133, %dma_wait3A_134] : memref<128x80xi32, #tpu.memory_space<vmem>> -> memref<1x80xi32, #tpu.memory_space<vmem>>
    %dma_wait3A_136 = tpu.memref_squeeze %dma_wait3A_135 : memref<1x80xi32, #tpu.memory_space<vmem>> -> memref<80xi32, #tpu.memory_space<vmem>>
    %dma_wait3A_137 = arith.constant 0 : i32
    %dma_wait3A_138 = arith.constant 0 : i32
    %dma_wait3A_139 = tpu.memref_slice %arg13[%dma_wait3A_137, %dma_wait3A_138] : memref<10112x64xf32, #tpu.memory_space<vmem_shared>> -> memref<10112x64xf32, #tpu.memory_space<vmem_shared>>
    tpu.wait_indirect_dma semaphore(%arg17 : memref<!tpu.dma_semaphore, #tpu.memory_space<semaphore_mem>>) src(%dma_wait3A_139 : memref<10112x64xf32, #tpu.memory_space<vmem_shared>>) dst(%arg11 : memref<80x64xf32, #tpu.memory_space<vmem>>)
    %barrier3A_140 = arith.constant 0 : index
    tpu.barrier barrier_id(%barrier3A_140)
    %mul3A_141 = arith.constant 632 : i32
    %mul3A_142 = arith.muli %arg1, %mul3A_141 : i32
    %mul3A_143 = arith.constant 632 : i32
    %mul3A_144 = arith.muli %arg1, %mul3A_143 : i32
    %run_scoped3A_145 = arith.constant 1 : i32
    "tpu.region"() ({
      %run_scoped3A_146 = tpu.sem_alloc : memref<!tpu.dma_semaphore, #tpu.memory_space<semaphore_mem>>
      %dma_start3A_147 = arith.constant 0 : i32
      %dma_start3A_148 = arith.constant 0 : i32
      %dma_start3A_149 = tpu.memref_slice %arg6[%arg0, %run_scoped3A_145, %dma_start3A_147, %dma_start3A_148] : memref<2x2x10112x64xf32, #tpu.memory_space<hbm>> -> memref<1x1x10112x64xf32, #tpu.memory_space<hbm>>
      %dma_start3A_150 = tpu.memref_squeeze %dma_start3A_149 : memref<1x1x10112x64xf32, #tpu.memory_space<hbm>> -> memref<10112x64xf32, #tpu.memory_space<hbm>>
      %dma_start3A_151 = arith.constant 0 : i32
      %dma_start3A_152 = tpu.memref_slice %dma_start3A_150[%mul3A_144, %dma_start3A_151] : memref<10112x64xf32, #tpu.memory_space<hbm>> -> memref<632x64xf32, #tpu.memory_space<hbm>>
      %dma_start3A_153 = arith.constant 0 : i32
      %dma_start3A_154 = tpu.memref_slice %arg14[%mul3A_142, %dma_start3A_153] : memref<10112x64xf32, #tpu.memory_space<vmem_shared>> -> memref<632x64xf32, #tpu.memory_space<vmem_shared>>
      tpu.enqueue_dma source(%dma_start3A_154 : memref<632x64xf32, #tpu.memory_space<vmem_shared>>) target(%dma_start3A_152 : memref<632x64xf32, #tpu.memory_space<hbm>>) target_semaphore(%run_scoped3A_146 : memref<!tpu.dma_semaphore, #tpu.memory_space<semaphore_mem>>)
      %dma_wait3A_155 = arith.constant 0 : i32
      %dma_wait3A_156 = arith.constant 0 : i32
      %dma_wait3A_157 = tpu.memref_slice %arg6[%arg0, %run_scoped3A_145, %dma_wait3A_155, %dma_wait3A_156] : memref<2x2x10112x64xf32, #tpu.memory_space<hbm>> -> memref<1x1x10112x64xf32, #tpu.memory_space<hbm>>
      %dma_wait3A_158 = tpu.memref_squeeze %dma_wait3A_157 : memref<1x1x10112x64xf32, #tpu.memory_space<hbm>> -> memref<10112x64xf32, #tpu.memory_space<hbm>>
      %dma_wait3A_159 = arith.constant 0 : i32
      %dma_wait3A_160 = tpu.memref_slice %dma_wait3A_158[%mul3A_144, %dma_wait3A_159] : memref<10112x64xf32, #tpu.memory_space<hbm>> -> memref<632x64xf32, #tpu.memory_space<hbm>>
      %dma_wait3A_161 = arith.constant 0 : i32
      %dma_wait3A_162 = tpu.memref_slice %arg14[%mul3A_142, %dma_wait3A_161] : memref<10112x64xf32, #tpu.memory_space<vmem_shared>> -> memref<632x64xf32, #tpu.memory_space<vmem_shared>>
      tpu.wait_dma2 semaphore(%run_scoped3A_146 : memref<!tpu.dma_semaphore, #tpu.memory_space<semaphore_mem>>) src(%dma_wait3A_162 : memref<632x64xf32, #tpu.memory_space<vmem_shared>>) dst(%dma_wait3A_160 : memref<632x64xf32, #tpu.memory_space<hbm>>)
      tpu.yield
    }) : () -> ()
    return
  }
}

#map = affine_map<(d0, d1) -> (0, 0, 0)>
#map1 = affine_map<(d0, d1) -> (0, 0)>
#map2 = affine_map<(d0, d1) -> (0, 0, 0, 0)>
module attributes {stable_mosaic.version = 14 : i64} {
  func.func @body(%arg0: i32, %arg1: i32, %arg2: memref<1x10112x48xf32, #tpu.memory_space<hbm>>, %arg3: memref<32x128x80xi32, #tpu.memory_space<hbm>>, %arg4: memref<32x128x80xi32, #tpu.memory_space<hbm>>, %arg5: memref<10112x48xf32, #tpu.memory_space<hbm>>, %arg6: memref<2x1x10112x48xf32, #tpu.memory_space<hbm>>, %arg7: memref<128x80xi32, #tpu.memory_space<vmem>>, %arg8: memref<128x80xi32, #tpu.memory_space<vmem>>, %arg9: memref<80x48xf32, #tpu.memory_space<vmem>>, %arg10: memref<80x48xf32, #tpu.memory_space<vmem>>, %arg11: memref<80x48xf32, #tpu.memory_space<vmem>>, %arg12: memref<80x48xf32, #tpu.memory_space<vmem>>, %arg13: memref<10112x48xf32, #tpu.memory_space<vmem_shared>>, %arg14: memref<10112x48xf32, #tpu.memory_space<vmem_shared>>, %arg15: memref<!tpu.dma_semaphore, #tpu.memory_space<semaphore_mem>>, %arg16: memref<!tpu.dma_semaphore, #tpu.memory_space<semaphore_mem>>, %arg17: memref<!tpu.dma_semaphore, #tpu.memory_space<semaphore_mem>>, %arg18: memref<!tpu.dma_semaphore, #tpu.memory_space<semaphore_mem>>, %arg19: memref<!tpu.dma_semaphore, #tpu.memory_space<semaphore_mem>>, %arg20: memref<!tpu.dma_semaphore, #tpu.memory_space<semaphore_mem>>, %arg21: memref<!tpu.dma_semaphore, #tpu.memory_space<semaphore_mem>>, %arg22: memref<!tpu.dma_semaphore, #tpu.memory_space<semaphore_mem>>) attributes {dimension_semantics = [#tpu.dimension_semantics<core_parallel>, #tpu.dimension_semantics<subcore_parallel>], iteration_bounds = array<i64: 2, 16>, scalar_prefetch = 0 : i64, scratch_operands = 16 : i64, tpu.core_type = #tpu.core_type<sc_vector_subcore>, window_params = [{transform_indices = #map}, {transform_indices = #map}, {transform_indices = #map}, {transform_indices = #map1}, {transform_indices = #map2}]} {
    %mul3A = arith.constant 2 : i32
    %mul3A_0 = arith.muli %arg1, %mul3A : i32
    %add3A = arith.addi %mul3A_0, %arg0 : i32
    "tpu.region"() ({
      %run_scoped3A_69 = tpu.sem_alloc : memref<!tpu.dma_semaphore, #tpu.memory_space<semaphore_mem>>
      %dma_start3A_70 = arith.constant 0 : i32
      %dma_start3A_71 = arith.constant 0 : i32
      %dma_start3A_72 = tpu.memref_slice %arg3[%add3A, %dma_start3A_70, %dma_start3A_71] : memref<32x128x80xi32, #tpu.memory_space<hbm>> -> memref<1x128x80xi32, #tpu.memory_space<hbm>>
      %dma_start3A_73 = tpu.memref_squeeze %dma_start3A_72 : memref<1x128x80xi32, #tpu.memory_space<hbm>> -> memref<128x80xi32, #tpu.memory_space<hbm>>
      %dma_start3A_74 = arith.constant 0 : i32
      %dma_start3A_75 = arith.constant 0 : i32
      %dma_start3A_76 = tpu.memref_slice %arg3[%add3A, %dma_start3A_74, %dma_start3A_75] : memref<32x128x80xi32, #tpu.memory_space<hbm>> -> memref<1x128x80xi32, #tpu.memory_space<hbm>>
      %dma_start3A_77 = tpu.memref_squeeze %dma_start3A_76 : memref<1x128x80xi32, #tpu.memory_space<hbm>> -> memref<128x80xi32, #tpu.memory_space<hbm>>
      tpu.enqueue_dma source(%dma_start3A_77 : memref<128x80xi32, #tpu.memory_space<hbm>>) target(%arg7 : memref<128x80xi32, #tpu.memory_space<vmem>>) target_semaphore(%run_scoped3A_69 : memref<!tpu.dma_semaphore, #tpu.memory_space<semaphore_mem>>)
      %dma_wait3A_78 = arith.constant 0 : i32
      %dma_wait3A_79 = arith.constant 0 : i32
      %dma_wait3A_80 = tpu.memref_slice %arg3[%add3A, %dma_wait3A_78, %dma_wait3A_79] : memref<32x128x80xi32, #tpu.memory_space<hbm>> -> memref<1x128x80xi32, #tpu.memory_space<hbm>>
      %dma_wait3A_81 = tpu.memref_squeeze %dma_wait3A_80 : memref<1x128x80xi32, #tpu.memory_space<hbm>> -> memref<128x80xi32, #tpu.memory_space<hbm>>
      %dma_wait3A_82 = arith.constant 0 : i32
      %dma_wait3A_83 = arith.constant 0 : i32
      %dma_wait3A_84 = tpu.memref_slice %arg3[%add3A, %dma_wait3A_82, %dma_wait3A_83] : memref<32x128x80xi32, #tpu.memory_space<hbm>> -> memref<1x128x80xi32, #tpu.memory_space<hbm>>
      %dma_wait3A_85 = tpu.memref_squeeze %dma_wait3A_84 : memref<1x128x80xi32, #tpu.memory_space<hbm>> -> memref<128x80xi32, #tpu.memory_space<hbm>>
      tpu.wait_dma2 semaphore(%run_scoped3A_69 : memref<!tpu.dma_semaphore, #tpu.memory_space<semaphore_mem>>) src(%dma_wait3A_85 : memref<128x80xi32, #tpu.memory_space<hbm>>) dst(%arg7 : memref<128x80xi32, #tpu.memory_space<vmem>>)
      tpu.yield
    }) : () -> ()
    "tpu.region"() ({
      %run_scoped3A_69 = tpu.sem_alloc : memref<!tpu.dma_semaphore, #tpu.memory_space<semaphore_mem>>
      %dma_start3A_70 = arith.constant 0 : i32
      %dma_start3A_71 = arith.constant 0 : i32
      %dma_start3A_72 = tpu.memref_slice %arg4[%add3A, %dma_start3A_70, %dma_start3A_71] : memref<32x128x80xi32, #tpu.memory_space<hbm>> -> memref<1x128x80xi32, #tpu.memory_space<hbm>>
      %dma_start3A_73 = tpu.memref_squeeze %dma_start3A_72 : memref<1x128x80xi32, #tpu.memory_space<hbm>> -> memref<128x80xi32, #tpu.memory_space<hbm>>
      %dma_start3A_74 = arith.constant 0 : i32
      %dma_start3A_75 = arith.constant 0 : i32
      %dma_start3A_76 = tpu.memref_slice %arg4[%add3A, %dma_start3A_74, %dma_start3A_75] : memref<32x128x80xi32, #tpu.memory_space<hbm>> -> memref<1x128x80xi32, #tpu.memory_space<hbm>>
      %dma_start3A_77 = tpu.memref_squeeze %dma_start3A_76 : memref<1x128x80xi32, #tpu.memory_space<hbm>> -> memref<128x80xi32, #tpu.memory_space<hbm>>
      tpu.enqueue_dma source(%dma_start3A_77 : memref<128x80xi32, #tpu.memory_space<hbm>>) target(%arg8 : memref<128x80xi32, #tpu.memory_space<vmem>>) target_semaphore(%run_scoped3A_69 : memref<!tpu.dma_semaphore, #tpu.memory_space<semaphore_mem>>)
      %dma_wait3A_78 = arith.constant 0 : i32
      %dma_wait3A_79 = arith.constant 0 : i32
      %dma_wait3A_80 = tpu.memref_slice %arg4[%add3A, %dma_wait3A_78, %dma_wait3A_79] : memref<32x128x80xi32, #tpu.memory_space<hbm>> -> memref<1x128x80xi32, #tpu.memory_space<hbm>>
      %dma_wait3A_81 = tpu.memref_squeeze %dma_wait3A_80 : memref<1x128x80xi32, #tpu.memory_space<hbm>> -> memref<128x80xi32, #tpu.memory_space<hbm>>
      %dma_wait3A_82 = arith.constant 0 : i32
      %dma_wait3A_83 = arith.constant 0 : i32
      %dma_wait3A_84 = tpu.memref_slice %arg4[%add3A, %dma_wait3A_82, %dma_wait3A_83] : memref<32x128x80xi32, #tpu.memory_space<hbm>> -> memref<1x128x80xi32, #tpu.memory_space<hbm>>
      %dma_wait3A_85 = tpu.memref_squeeze %dma_wait3A_84 : memref<1x128x80xi32, #tpu.memory_space<hbm>> -> memref<128x80xi32, #tpu.memory_space<hbm>>
      tpu.wait_dma2 semaphore(%run_scoped3A_69 : memref<!tpu.dma_semaphore, #tpu.memory_space<semaphore_mem>>) src(%dma_wait3A_85 : memref<128x80xi32, #tpu.memory_space<hbm>>) dst(%arg8 : memref<128x80xi32, #tpu.memory_space<vmem>>)
      tpu.yield
    }) : () -> ()
    %mul3A_1 = arith.constant 632 : i32
    %mul3A_2 = arith.muli %arg1, %mul3A_1 : i32
    %mul3A_3 = arith.constant 632 : i32
    %mul3A_4 = arith.muli %arg1, %mul3A_3 : i32
    %run_scoped3A = arith.constant 0 : i32
    "tpu.region"() ({
      %run_scoped3A_69 = tpu.sem_alloc : memref<!tpu.dma_semaphore, #tpu.memory_space<semaphore_mem>>
      %dma_start3A_70 = arith.constant 0 : i32
      %dma_start3A_71 = tpu.memref_slice %arg13[%mul3A_4, %dma_start3A_70] : memref<10112x48xf32, #tpu.memory_space<vmem_shared>> -> memref<632x48xf32, #tpu.memory_space<vmem_shared>>
      %dma_start3A_72 = arith.constant 0 : i32
      %dma_start3A_73 = tpu.memref_slice %arg2[%run_scoped3A, %mul3A_2, %dma_start3A_72] : memref<1x10112x48xf32, #tpu.memory_space<hbm>> -> memref<1x632x48xf32, #tpu.memory_space<hbm>>
      %dma_start3A_74 = tpu.memref_squeeze %dma_start3A_73 : memref<1x632x48xf32, #tpu.memory_space<hbm>> -> memref<632x48xf32, #tpu.memory_space<hbm>>
      tpu.enqueue_dma source(%dma_start3A_74 : memref<632x48xf32, #tpu.memory_space<hbm>>) target(%dma_start3A_71 : memref<632x48xf32, #tpu.memory_space<vmem_shared>>) target_semaphore(%run_scoped3A_69 : memref<!tpu.dma_semaphore, #tpu.memory_space<semaphore_mem>>)
      %dma_wait3A_75 = arith.constant 0 : i32
      %dma_wait3A_76 = tpu.memref_slice %arg13[%mul3A_4, %dma_wait3A_75] : memref<10112x48xf32, #tpu.memory_space<vmem_shared>> -> memref<632x48xf32, #tpu.memory_space<vmem_shared>>
      %dma_wait3A_77 = arith.constant 0 : i32
      %dma_wait3A_78 = tpu.memref_slice %arg2[%run_scoped3A, %mul3A_2, %dma_wait3A_77] : memref<1x10112x48xf32, #tpu.memory_space<hbm>> -> memref<1x632x48xf32, #tpu.memory_space<hbm>>
      %dma_wait3A_79 = tpu.memref_squeeze %dma_wait3A_78 : memref<1x632x48xf32, #tpu.memory_space<hbm>> -> memref<632x48xf32, #tpu.memory_space<hbm>>
      tpu.wait_dma2 semaphore(%run_scoped3A_69 : memref<!tpu.dma_semaphore, #tpu.memory_space<semaphore_mem>>) src(%dma_wait3A_79 : memref<632x48xf32, #tpu.memory_space<hbm>>) dst(%dma_wait3A_76 : memref<632x48xf32, #tpu.memory_space<vmem_shared>>)
      tpu.yield
    }) : () -> ()
    %eq3A = arith.constant 0 : i32
    %eq3A_5 = arith.cmpi eq, %arg0, %eq3A : i32
    %convert_element_type3A = arith.extui %eq3A_5 : i1 to i32
    %cond3A = arith.constant 0 : i32
    %cond3A_6 = arith.cmpi ne, %convert_element_type3A, %cond3A : i32
    scf.if %cond3A_6 {
      %mul3A_69 = arith.constant 632 : i32
      %mul3A_70 = arith.muli %arg1, %mul3A_69 : i32
      %mul3A_71 = arith.constant 632 : i32
      %mul3A_72 = arith.muli %arg1, %mul3A_71 : i32
      %run_scoped3A_73 = arith.constant 0 : i32
      "tpu.region"() ({
        %run_scoped3A_74 = tpu.sem_alloc : memref<!tpu.dma_semaphore, #tpu.memory_space<semaphore_mem>>
        %dma_start3A_75 = arith.constant 0 : i32
        %dma_start3A_76 = tpu.memref_slice %arg14[%mul3A_72, %dma_start3A_75] : memref<10112x48xf32, #tpu.memory_space<vmem_shared>> -> memref<632x48xf32, #tpu.memory_space<vmem_shared>>
        %dma_start3A_77 = arith.constant 0 : i32
        %dma_start3A_78 = tpu.memref_slice %arg2[%run_scoped3A_73, %mul3A_70, %dma_start3A_77] : memref<1x10112x48xf32, #tpu.memory_space<hbm>> -> memref<1x632x48xf32, #tpu.memory_space<hbm>>
        %dma_start3A_79 = tpu.memref_squeeze %dma_start3A_78 : memref<1x632x48xf32, #tpu.memory_space<hbm>> -> memref<632x48xf32, #tpu.memory_space<hbm>>
        tpu.enqueue_dma source(%dma_start3A_79 : memref<632x48xf32, #tpu.memory_space<hbm>>) target(%dma_start3A_76 : memref<632x48xf32, #tpu.memory_space<vmem_shared>>) target_semaphore(%run_scoped3A_74 : memref<!tpu.dma_semaphore, #tpu.memory_space<semaphore_mem>>)
        %dma_wait3A_80 = arith.constant 0 : i32
        %dma_wait3A_81 = tpu.memref_slice %arg14[%mul3A_72, %dma_wait3A_80] : memref<10112x48xf32, #tpu.memory_space<vmem_shared>> -> memref<632x48xf32, #tpu.memory_space<vmem_shared>>
        %dma_wait3A_82 = arith.constant 0 : i32
        %dma_wait3A_83 = tpu.memref_slice %arg2[%run_scoped3A_73, %mul3A_70, %dma_wait3A_82] : memref<1x10112x48xf32, #tpu.memory_space<hbm>> -> memref<1x632x48xf32, #tpu.memory_space<hbm>>
        %dma_wait3A_84 = tpu.memref_squeeze %dma_wait3A_83 : memref<1x632x48xf32, #tpu.memory_space<hbm>> -> memref<632x48xf32, #tpu.memory_space<hbm>>
        tpu.wait_dma2 semaphore(%run_scoped3A_74 : memref<!tpu.dma_semaphore, #tpu.memory_space<semaphore_mem>>) src(%dma_wait3A_84 : memref<632x48xf32, #tpu.memory_space<hbm>>) dst(%dma_wait3A_81 : memref<632x48xf32, #tpu.memory_space<vmem_shared>>)
        tpu.yield
      }) : () -> ()
    } else {
    }
    %ne3A = arith.constant 0 : i32
    %ne3A_7 = arith.cmpi ne, %arg0, %ne3A : i32
    %convert_element_type3A_8 = arith.extui %ne3A_7 : i1 to i32
    %cond3A_9 = arith.constant 0 : i32
    %cond3A_10 = arith.cmpi ne, %convert_element_type3A_8, %cond3A_9 : i32
    scf.if %cond3A_10 {
      %mul3A_69 = arith.constant 632 : i32
      %mul3A_70 = arith.muli %arg1, %mul3A_69 : i32
      %mul3A_71 = arith.constant 632 : i32
      %mul3A_72 = arith.muli %arg1, %mul3A_71 : i32
      "tpu.region"() ({
        %run_scoped3A_73 = tpu.sem_alloc : memref<!tpu.dma_semaphore, #tpu.memory_space<semaphore_mem>>
        %dma_start3A_74 = arith.constant 0 : i32
        %dma_start3A_75 = tpu.memref_slice %arg14[%mul3A_72, %dma_start3A_74] : memref<10112x48xf32, #tpu.memory_space<vmem_shared>> -> memref<632x48xf32, #tpu.memory_space<vmem_shared>>
        %dma_start3A_76 = arith.constant 0 : i32
        %dma_start3A_77 = tpu.memref_slice %arg5[%mul3A_70, %dma_start3A_76] : memref<10112x48xf32, #tpu.memory_space<hbm>> -> memref<632x48xf32, #tpu.memory_space<hbm>>
        tpu.enqueue_dma source(%dma_start3A_77 : memref<632x48xf32, #tpu.memory_space<hbm>>) target(%dma_start3A_75 : memref<632x48xf32, #tpu.memory_space<vmem_shared>>) target_semaphore(%run_scoped3A_73 : memref<!tpu.dma_semaphore, #tpu.memory_space<semaphore_mem>>)
        %dma_wait3A_78 = arith.constant 0 : i32
        %dma_wait3A_79 = tpu.memref_slice %arg14[%mul3A_72, %dma_wait3A_78] : memref<10112x48xf32, #tpu.memory_space<vmem_shared>> -> memref<632x48xf32, #tpu.memory_space<vmem_shared>>
        %dma_wait3A_80 = arith.constant 0 : i32
        %dma_wait3A_81 = tpu.memref_slice %arg5[%mul3A_70, %dma_wait3A_80] : memref<10112x48xf32, #tpu.memory_space<hbm>> -> memref<632x48xf32, #tpu.memory_space<hbm>>
        tpu.wait_dma2 semaphore(%run_scoped3A_73 : memref<!tpu.dma_semaphore, #tpu.memory_space<semaphore_mem>>) src(%dma_wait3A_81 : memref<632x48xf32, #tpu.memory_space<hbm>>) dst(%dma_wait3A_79 : memref<632x48xf32, #tpu.memory_space<vmem_shared>>)
        tpu.yield
      }) : () -> ()
    } else {
    }
    %barrier3A = arith.constant 0 : index
    tpu.barrier barrier_id(%barrier3A)
    %dma_start3A = arith.constant 0 : i32
    %dma_start3A_11 = arith.constant 0 : i32
    %dma_start3A_12 = tpu.memref_slice %arg7[%dma_start3A, %dma_start3A_11] : memref<128x80xi32, #tpu.memory_space<vmem>> -> memref<1x80xi32, #tpu.memory_space<vmem>>
    %dma_start3A_13 = tpu.memref_squeeze %dma_start3A_12 : memref<1x80xi32, #tpu.memory_space<vmem>> -> memref<80xi32, #tpu.memory_space<vmem>>
    %dma_start3A_14 = arith.constant 0 : i32
    %dma_start3A_15 = arith.constant 0 : i32
    %dma_start3A_16 = tpu.memref_slice %arg13[%dma_start3A_14, %dma_start3A_15] : memref<10112x48xf32, #tpu.memory_space<vmem_shared>> -> memref<10112x48xf32, #tpu.memory_space<vmem_shared>>
    tpu.enqueue_indirect_dma source(%dma_start3A_16 : memref<10112x48xf32, #tpu.memory_space<vmem_shared>>) target(%arg9 : memref<80x48xf32, #tpu.memory_space<vmem>>) offsets(%dma_start3A_13 : memref<80xi32, #tpu.memory_space<vmem>>) semaphore(%arg15 : memref<!tpu.dma_semaphore, #tpu.memory_space<semaphore_mem>>)
    %dma_start3A_17 = arith.constant 1 : i32
    %dma_start3A_18 = arith.constant 0 : i32
    %dma_start3A_19 = tpu.memref_slice %arg7[%dma_start3A_17, %dma_start3A_18] : memref<128x80xi32, #tpu.memory_space<vmem>> -> memref<1x80xi32, #tpu.memory_space<vmem>>
    %dma_start3A_20 = tpu.memref_squeeze %dma_start3A_19 : memref<1x80xi32, #tpu.memory_space<vmem>> -> memref<80xi32, #tpu.memory_space<vmem>>
    %dma_start3A_21 = arith.constant 0 : i32
    %dma_start3A_22 = arith.constant 0 : i32
    %dma_start3A_23 = tpu.memref_slice %arg13[%dma_start3A_21, %dma_start3A_22] : memref<10112x48xf32, #tpu.memory_space<vmem_shared>> -> memref<10112x48xf32, #tpu.memory_space<vmem_shared>>
    tpu.enqueue_indirect_dma source(%dma_start3A_23 : memref<10112x48xf32, #tpu.memory_space<vmem_shared>>) target(%arg10 : memref<80x48xf32, #tpu.memory_space<vmem>>) offsets(%dma_start3A_20 : memref<80xi32, #tpu.memory_space<vmem>>) semaphore(%arg16 : memref<!tpu.dma_semaphore, #tpu.memory_space<semaphore_mem>>)
    %dma_start3A_24 = arith.constant 2 : i32
    %dma_start3A_25 = arith.constant 0 : i32
    %dma_start3A_26 = tpu.memref_slice %arg7[%dma_start3A_24, %dma_start3A_25] : memref<128x80xi32, #tpu.memory_space<vmem>> -> memref<1x80xi32, #tpu.memory_space<vmem>>
    %dma_start3A_27 = tpu.memref_squeeze %dma_start3A_26 : memref<1x80xi32, #tpu.memory_space<vmem>> -> memref<80xi32, #tpu.memory_space<vmem>>
    %dma_start3A_28 = arith.constant 0 : i32
    %dma_start3A_29 = arith.constant 0 : i32
    %dma_start3A_30 = tpu.memref_slice %arg13[%dma_start3A_28, %dma_start3A_29] : memref<10112x48xf32, #tpu.memory_space<vmem_shared>> -> memref<10112x48xf32, #tpu.memory_space<vmem_shared>>
    tpu.enqueue_indirect_dma source(%dma_start3A_30 : memref<10112x48xf32, #tpu.memory_space<vmem_shared>>) target(%arg11 : memref<80x48xf32, #tpu.memory_space<vmem>>) offsets(%dma_start3A_27 : memref<80xi32, #tpu.memory_space<vmem>>) semaphore(%arg17 : memref<!tpu.dma_semaphore, #tpu.memory_space<semaphore_mem>>)
    %scan3A = arith.constant 0 : i32
    %scan3A_31 = arith.constant 0 : i32
    %scan3A_32 = arith.constant 32 : i32
    %scan3A_33 = arith.addi %scan3A_31, %scan3A_32 : i32
    %scan3A_34 = arith.constant 1 : i32
    scf.for %scan3A_69 = %scan3A_31 to %scan3A_33 step %scan3A_34  : i32 {
      %mul3A_70 = arith.constant 4 : i32
      %mul3A_71 = arith.muli %scan3A_69, %mul3A_70 : i32
      %add3A_72 = arith.constant 0 : i32
      %add3A_73 = arith.addi %mul3A_71, %add3A_72 : i32
      %dma_wait3A_74 = arith.constant 0 : i32
      %dma_wait3A_75 = tpu.memref_slice %arg7[%add3A_73, %dma_wait3A_74] : memref<128x80xi32, #tpu.memory_space<vmem>> -> memref<1x80xi32, #tpu.memory_space<vmem>>
      %dma_wait3A_76 = tpu.memref_squeeze %dma_wait3A_75 : memref<1x80xi32, #tpu.memory_space<vmem>> -> memref<80xi32, #tpu.memory_space<vmem>>
      %dma_wait3A_77 = arith.constant 0 : i32
      %dma_wait3A_78 = arith.constant 0 : i32
      %dma_wait3A_79 = tpu.memref_slice %arg13[%dma_wait3A_77, %dma_wait3A_78] : memref<10112x48xf32, #tpu.memory_space<vmem_shared>> -> memref<10112x48xf32, #tpu.memory_space<vmem_shared>>
      tpu.wait_indirect_dma semaphore(%arg15 : memref<!tpu.dma_semaphore, #tpu.memory_space<semaphore_mem>>) src(%dma_wait3A_79 : memref<10112x48xf32, #tpu.memory_space<vmem_shared>>) dst(%arg9 : memref<80x48xf32, #tpu.memory_space<vmem>>)
      %dma_start3A_80 = arith.constant 0 : i32
      %dma_start3A_81 = tpu.memref_slice %arg8[%add3A_73, %dma_start3A_80] : memref<128x80xi32, #tpu.memory_space<vmem>> -> memref<1x80xi32, #tpu.memory_space<vmem>>
      %dma_start3A_82 = tpu.memref_squeeze %dma_start3A_81 : memref<1x80xi32, #tpu.memory_space<vmem>> -> memref<80xi32, #tpu.memory_space<vmem>>
      %dma_start3A_83 = arith.constant 0 : i32
      %dma_start3A_84 = arith.constant 0 : i32
      %dma_start3A_85 = tpu.memref_slice %arg14[%dma_start3A_83, %dma_start3A_84] : memref<10112x48xf32, #tpu.memory_space<vmem_shared>> -> memref<10112x48xf32, #tpu.memory_space<vmem_shared>>
      tpu.enqueue_indirect_dma source(%arg9 : memref<80x48xf32, #tpu.memory_space<vmem>>) target(%dma_start3A_85 : memref<10112x48xf32, #tpu.memory_space<vmem_shared>>) offsets(%dma_start3A_82 : memref<80xi32, #tpu.memory_space<vmem>>) semaphore(%arg19 : memref<!tpu.dma_semaphore, #tpu.memory_space<semaphore_mem>>) {add = true}
      %gt3A = arith.constant 0 : i32
      %gt3A_86 = arith.cmpi sgt, %scan3A_69, %gt3A : i32
      %convert_element_type3A_87 = arith.extui %gt3A_86 : i1 to i32
      %cond3A_88 = arith.constant 0 : i32
      %cond3A_89 = arith.cmpi ne, %convert_element_type3A_87, %cond3A_88 : i32
      scf.if %cond3A_89 {
        %dma_wait3A_202 = arith.constant 0 : i32
        %dma_wait3A_203 = tpu.memref_slice %arg8[%add3A_73, %dma_wait3A_202] : memref<128x80xi32, #tpu.memory_space<vmem>> -> memref<1x80xi32, #tpu.memory_space<vmem>>
        %dma_wait3A_204 = tpu.memref_squeeze %dma_wait3A_203 : memref<1x80xi32, #tpu.memory_space<vmem>> -> memref<80xi32, #tpu.memory_space<vmem>>
        %dma_wait3A_205 = arith.constant 0 : i32
        %dma_wait3A_206 = arith.constant 0 : i32
        %dma_wait3A_207 = tpu.memref_slice %arg14[%dma_wait3A_205, %dma_wait3A_206] : memref<10112x48xf32, #tpu.memory_space<vmem_shared>> -> memref<10112x48xf32, #tpu.memory_space<vmem_shared>>
        tpu.wait_indirect_dma semaphore(%arg22 : memref<!tpu.dma_semaphore, #tpu.memory_space<semaphore_mem>>) src(%arg12 : memref<80x48xf32, #tpu.memory_space<vmem>>) dst(%dma_wait3A_207 : memref<10112x48xf32, #tpu.memory_space<vmem_shared>>)
      } else {
      }
      %add3A_90 = arith.constant 4 : i32
      %add3A_91 = arith.addi %add3A_73, %add3A_90 : i32
      %sub3A = arith.constant 1 : i32
      %sub3A_92 = arith.subi %add3A_91, %sub3A : i32
      %min3A = arith.constant 127 : i32
      %min3A_93 = arith.minsi %sub3A_92, %min3A : i32
      %dma_start3A_94 = arith.constant 0 : i32
      %dma_start3A_95 = tpu.memref_slice %arg7[%min3A_93, %dma_start3A_94] : memref<128x80xi32, #tpu.memory_space<vmem>> -> memref<1x80xi32, #tpu.memory_space<vmem>>
      %dma_start3A_96 = tpu.memref_squeeze %dma_start3A_95 : memref<1x80xi32, #tpu.memory_space<vmem>> -> memref<80xi32, #tpu.memory_space<vmem>>
      %dma_start3A_97 = arith.constant 0 : i32
      %dma_start3A_98 = arith.constant 0 : i32
      %dma_start3A_99 = tpu.memref_slice %arg13[%dma_start3A_97, %dma_start3A_98] : memref<10112x48xf32, #tpu.memory_space<vmem_shared>> -> memref<10112x48xf32, #tpu.memory_space<vmem_shared>>
      tpu.enqueue_indirect_dma source(%dma_start3A_99 : memref<10112x48xf32, #tpu.memory_space<vmem_shared>>) target(%arg12 : memref<80x48xf32, #tpu.memory_space<vmem>>) offsets(%dma_start3A_96 : memref<80xi32, #tpu.memory_space<vmem>>) semaphore(%arg18 : memref<!tpu.dma_semaphore, #tpu.memory_space<semaphore_mem>>)
      %mul3A_100 = arith.constant 4 : i32
      %mul3A_101 = arith.muli %scan3A_69, %mul3A_100 : i32
      %add3A_102 = arith.constant 1 : i32
      %add3A_103 = arith.addi %mul3A_101, %add3A_102 : i32
      %dma_wait3A_104 = arith.constant 0 : i32
      %dma_wait3A_105 = tpu.memref_slice %arg7[%add3A_103, %dma_wait3A_104] : memref<128x80xi32, #tpu.memory_space<vmem>> -> memref<1x80xi32, #tpu.memory_space<vmem>>
      %dma_wait3A_106 = tpu.memref_squeeze %dma_wait3A_105 : memref<1x80xi32, #tpu.memory_space<vmem>> -> memref<80xi32, #tpu.memory_space<vmem>>
      %dma_wait3A_107 = arith.constant 0 : i32
      %dma_wait3A_108 = arith.constant 0 : i32
      %dma_wait3A_109 = tpu.memref_slice %arg13[%dma_wait3A_107, %dma_wait3A_108] : memref<10112x48xf32, #tpu.memory_space<vmem_shared>> -> memref<10112x48xf32, #tpu.memory_space<vmem_shared>>
      tpu.wait_indirect_dma semaphore(%arg16 : memref<!tpu.dma_semaphore, #tpu.memory_space<semaphore_mem>>) src(%dma_wait3A_109 : memref<10112x48xf32, #tpu.memory_space<vmem_shared>>) dst(%arg10 : memref<80x48xf32, #tpu.memory_space<vmem>>)
      %dma_start3A_110 = arith.constant 0 : i32
      %dma_start3A_111 = tpu.memref_slice %arg8[%add3A_103, %dma_start3A_110] : memref<128x80xi32, #tpu.memory_space<vmem>> -> memref<1x80xi32, #tpu.memory_space<vmem>>
      %dma_start3A_112 = tpu.memref_squeeze %dma_start3A_111 : memref<1x80xi32, #tpu.memory_space<vmem>> -> memref<80xi32, #tpu.memory_space<vmem>>
      %dma_start3A_113 = arith.constant 0 : i32
      %dma_start3A_114 = arith.constant 0 : i32
      %dma_start3A_115 = tpu.memref_slice %arg14[%dma_start3A_113, %dma_start3A_114] : memref<10112x48xf32, #tpu.memory_space<vmem_shared>> -> memref<10112x48xf32, #tpu.memory_space<vmem_shared>>
      tpu.enqueue_indirect_dma source(%arg10 : memref<80x48xf32, #tpu.memory_space<vmem>>) target(%dma_start3A_115 : memref<10112x48xf32, #tpu.memory_space<vmem_shared>>) offsets(%dma_start3A_112 : memref<80xi32, #tpu.memory_space<vmem>>) semaphore(%arg20 : memref<!tpu.dma_semaphore, #tpu.memory_space<semaphore_mem>>) {add = true}
      %dma_wait3A_116 = arith.constant 0 : i32
      %dma_wait3A_117 = tpu.memref_slice %arg8[%add3A_103, %dma_wait3A_116] : memref<128x80xi32, #tpu.memory_space<vmem>> -> memref<1x80xi32, #tpu.memory_space<vmem>>
      %dma_wait3A_118 = tpu.memref_squeeze %dma_wait3A_117 : memref<1x80xi32, #tpu.memory_space<vmem>> -> memref<80xi32, #tpu.memory_space<vmem>>
      %dma_wait3A_119 = arith.constant 0 : i32
      %dma_wait3A_120 = arith.constant 0 : i32
      %dma_wait3A_121 = tpu.memref_slice %arg14[%dma_wait3A_119, %dma_wait3A_120] : memref<10112x48xf32, #tpu.memory_space<vmem_shared>> -> memref<10112x48xf32, #tpu.memory_space<vmem_shared>>
      tpu.wait_indirect_dma semaphore(%arg19 : memref<!tpu.dma_semaphore, #tpu.memory_space<semaphore_mem>>) src(%arg9 : memref<80x48xf32, #tpu.memory_space<vmem>>) dst(%dma_wait3A_121 : memref<10112x48xf32, #tpu.memory_space<vmem_shared>>)
      %add3A_122 = arith.constant 4 : i32
      %add3A_123 = arith.addi %add3A_103, %add3A_122 : i32
      %sub3A_124 = arith.constant 1 : i32
      %sub3A_125 = arith.subi %add3A_123, %sub3A_124 : i32
      %min3A_126 = arith.constant 127 : i32
      %min3A_127 = arith.minsi %sub3A_125, %min3A_126 : i32
      %dma_start3A_128 = arith.constant 0 : i32
      %dma_start3A_129 = tpu.memref_slice %arg7[%min3A_127, %dma_start3A_128] : memref<128x80xi32, #tpu.memory_space<vmem>> -> memref<1x80xi32, #tpu.memory_space<vmem>>
      %dma_start3A_130 = tpu.memref_squeeze %dma_start3A_129 : memref<1x80xi32, #tpu.memory_space<vmem>> -> memref<80xi32, #tpu.memory_space<vmem>>
      %dma_start3A_131 = arith.constant 0 : i32
      %dma_start3A_132 = arith.constant 0 : i32
      %dma_start3A_133 = tpu.memref_slice %arg13[%dma_start3A_131, %dma_start3A_132] : memref<10112x48xf32, #tpu.memory_space<vmem_shared>> -> memref<10112x48xf32, #tpu.memory_space<vmem_shared>>
      tpu.enqueue_indirect_dma source(%dma_start3A_133 : memref<10112x48xf32, #tpu.memory_space<vmem_shared>>) target(%arg9 : memref<80x48xf32, #tpu.memory_space<vmem>>) offsets(%dma_start3A_130 : memref<80xi32, #tpu.memory_space<vmem>>) semaphore(%arg15 : memref<!tpu.dma_semaphore, #tpu.memory_space<semaphore_mem>>)
      %mul3A_134 = arith.constant 4 : i32
      %mul3A_135 = arith.muli %scan3A_69, %mul3A_134 : i32
      %add3A_136 = arith.constant 2 : i32
      %add3A_137 = arith.addi %mul3A_135, %add3A_136 : i32
      %dma_wait3A_138 = arith.constant 0 : i32
      %dma_wait3A_139 = tpu.memref_slice %arg7[%add3A_137, %dma_wait3A_138] : memref<128x80xi32, #tpu.memory_space<vmem>> -> memref<1x80xi32, #tpu.memory_space<vmem>>
      %dma_wait3A_140 = tpu.memref_squeeze %dma_wait3A_139 : memref<1x80xi32, #tpu.memory_space<vmem>> -> memref<80xi32, #tpu.memory_space<vmem>>
      %dma_wait3A_141 = arith.constant 0 : i32
      %dma_wait3A_142 = arith.constant 0 : i32
      %dma_wait3A_143 = tpu.memref_slice %arg13[%dma_wait3A_141, %dma_wait3A_142] : memref<10112x48xf32, #tpu.memory_space<vmem_shared>> -> memref<10112x48xf32, #tpu.memory_space<vmem_shared>>
      tpu.wait_indirect_dma semaphore(%arg17 : memref<!tpu.dma_semaphore, #tpu.memory_space<semaphore_mem>>) src(%dma_wait3A_143 : memref<10112x48xf32, #tpu.memory_space<vmem_shared>>) dst(%arg11 : memref<80x48xf32, #tpu.memory_space<vmem>>)
      %dma_start3A_144 = arith.constant 0 : i32
      %dma_start3A_145 = tpu.memref_slice %arg8[%add3A_137, %dma_start3A_144] : memref<128x80xi32, #tpu.memory_space<vmem>> -> memref<1x80xi32, #tpu.memory_space<vmem>>
      %dma_start3A_146 = tpu.memref_squeeze %dma_start3A_145 : memref<1x80xi32, #tpu.memory_space<vmem>> -> memref<80xi32, #tpu.memory_space<vmem>>
      %dma_start3A_147 = arith.constant 0 : i32
      %dma_start3A_148 = arith.constant 0 : i32
      %dma_start3A_149 = tpu.memref_slice %arg14[%dma_start3A_147, %dma_start3A_148] : memref<10112x48xf32, #tpu.memory_space<vmem_shared>> -> memref<10112x48xf32, #tpu.memory_space<vmem_shared>>
      tpu.enqueue_indirect_dma source(%arg11 : memref<80x48xf32, #tpu.memory_space<vmem>>) target(%dma_start3A_149 : memref<10112x48xf32, #tpu.memory_space<vmem_shared>>) offsets(%dma_start3A_146 : memref<80xi32, #tpu.memory_space<vmem>>) semaphore(%arg21 : memref<!tpu.dma_semaphore, #tpu.memory_space<semaphore_mem>>) {add = true}
      %dma_wait3A_150 = arith.constant 0 : i32
      %dma_wait3A_151 = tpu.memref_slice %arg8[%add3A_137, %dma_wait3A_150] : memref<128x80xi32, #tpu.memory_space<vmem>> -> memref<1x80xi32, #tpu.memory_space<vmem>>
      %dma_wait3A_152 = tpu.memref_squeeze %dma_wait3A_151 : memref<1x80xi32, #tpu.memory_space<vmem>> -> memref<80xi32, #tpu.memory_space<vmem>>
      %dma_wait3A_153 = arith.constant 0 : i32
      %dma_wait3A_154 = arith.constant 0 : i32
      %dma_wait3A_155 = tpu.memref_slice %arg14[%dma_wait3A_153, %dma_wait3A_154] : memref<10112x48xf32, #tpu.memory_space<vmem_shared>> -> memref<10112x48xf32, #tpu.memory_space<vmem_shared>>
      tpu.wait_indirect_dma semaphore(%arg20 : memref<!tpu.dma_semaphore, #tpu.memory_space<semaphore_mem>>) src(%arg10 : memref<80x48xf32, #tpu.memory_space<vmem>>) dst(%dma_wait3A_155 : memref<10112x48xf32, #tpu.memory_space<vmem_shared>>)
      %add3A_156 = arith.constant 4 : i32
      %add3A_157 = arith.addi %add3A_137, %add3A_156 : i32
      %sub3A_158 = arith.constant 1 : i32
      %sub3A_159 = arith.subi %add3A_157, %sub3A_158 : i32
      %min3A_160 = arith.constant 127 : i32
      %min3A_161 = arith.minsi %sub3A_159, %min3A_160 : i32
      %dma_start3A_162 = arith.constant 0 : i32
      %dma_start3A_163 = tpu.memref_slice %arg7[%min3A_161, %dma_start3A_162] : memref<128x80xi32, #tpu.memory_space<vmem>> -> memref<1x80xi32, #tpu.memory_space<vmem>>
      %dma_start3A_164 = tpu.memref_squeeze %dma_start3A_163 : memref<1x80xi32, #tpu.memory_space<vmem>> -> memref<80xi32, #tpu.memory_space<vmem>>
      %dma_start3A_165 = arith.constant 0 : i32
      %dma_start3A_166 = arith.constant 0 : i32
      %dma_start3A_167 = tpu.memref_slice %arg13[%dma_start3A_165, %dma_start3A_166] : memref<10112x48xf32, #tpu.memory_space<vmem_shared>> -> memref<10112x48xf32, #tpu.memory_space<vmem_shared>>
      tpu.enqueue_indirect_dma source(%dma_start3A_167 : memref<10112x48xf32, #tpu.memory_space<vmem_shared>>) target(%arg10 : memref<80x48xf32, #tpu.memory_space<vmem>>) offsets(%dma_start3A_164 : memref<80xi32, #tpu.memory_space<vmem>>) semaphore(%arg16 : memref<!tpu.dma_semaphore, #tpu.memory_space<semaphore_mem>>)
      %mul3A_168 = arith.constant 4 : i32
      %mul3A_169 = arith.muli %scan3A_69, %mul3A_168 : i32
      %add3A_170 = arith.constant 3 : i32
      %add3A_171 = arith.addi %mul3A_169, %add3A_170 : i32
      %dma_wait3A_172 = arith.constant 0 : i32
      %dma_wait3A_173 = tpu.memref_slice %arg7[%add3A_171, %dma_wait3A_172] : memref<128x80xi32, #tpu.memory_space<vmem>> -> memref<1x80xi32, #tpu.memory_space<vmem>>
      %dma_wait3A_174 = tpu.memref_squeeze %dma_wait3A_173 : memref<1x80xi32, #tpu.memory_space<vmem>> -> memref<80xi32, #tpu.memory_space<vmem>>
      %dma_wait3A_175 = arith.constant 0 : i32
      %dma_wait3A_176 = arith.constant 0 : i32
      %dma_wait3A_177 = tpu.memref_slice %arg13[%dma_wait3A_175, %dma_wait3A_176] : memref<10112x48xf32, #tpu.memory_space<vmem_shared>> -> memref<10112x48xf32, #tpu.memory_space<vmem_shared>>
      tpu.wait_indirect_dma semaphore(%arg18 : memref<!tpu.dma_semaphore, #tpu.memory_space<semaphore_mem>>) src(%dma_wait3A_177 : memref<10112x48xf32, #tpu.memory_space<vmem_shared>>) dst(%arg12 : memref<80x48xf32, #tpu.memory_space<vmem>>)
      %dma_start3A_178 = arith.constant 0 : i32
      %dma_start3A_179 = tpu.memref_slice %arg8[%add3A_171, %dma_start3A_178] : memref<128x80xi32, #tpu.memory_space<vmem>> -> memref<1x80xi32, #tpu.memory_space<vmem>>
      %dma_start3A_180 = tpu.memref_squeeze %dma_start3A_179 : memref<1x80xi32, #tpu.memory_space<vmem>> -> memref<80xi32, #tpu.memory_space<vmem>>
      %dma_start3A_181 = arith.constant 0 : i32
      %dma_start3A_182 = arith.constant 0 : i32
      %dma_start3A_183 = tpu.memref_slice %arg14[%dma_start3A_181, %dma_start3A_182] : memref<10112x48xf32, #tpu.memory_space<vmem_shared>> -> memref<10112x48xf32, #tpu.memory_space<vmem_shared>>
      tpu.enqueue_indirect_dma source(%arg12 : memref<80x48xf32, #tpu.memory_space<vmem>>) target(%dma_start3A_183 : memref<10112x48xf32, #tpu.memory_space<vmem_shared>>) offsets(%dma_start3A_180 : memref<80xi32, #tpu.memory_space<vmem>>) semaphore(%arg22 : memref<!tpu.dma_semaphore, #tpu.memory_space<semaphore_mem>>) {add = true}
      %dma_wait3A_184 = arith.constant 0 : i32
      %dma_wait3A_185 = tpu.memref_slice %arg8[%add3A_171, %dma_wait3A_184] : memref<128x80xi32, #tpu.memory_space<vmem>> -> memref<1x80xi32, #tpu.memory_space<vmem>>
      %dma_wait3A_186 = tpu.memref_squeeze %dma_wait3A_185 : memref<1x80xi32, #tpu.memory_space<vmem>> -> memref<80xi32, #tpu.memory_space<vmem>>
      %dma_wait3A_187 = arith.constant 0 : i32
      %dma_wait3A_188 = arith.constant 0 : i32
      %dma_wait3A_189 = tpu.memref_slice %arg14[%dma_wait3A_187, %dma_wait3A_188] : memref<10112x48xf32, #tpu.memory_space<vmem_shared>> -> memref<10112x48xf32, #tpu.memory_space<vmem_shared>>
      tpu.wait_indirect_dma semaphore(%arg21 : memref<!tpu.dma_semaphore, #tpu.memory_space<semaphore_mem>>) src(%arg11 : memref<80x48xf32, #tpu.memory_space<vmem>>) dst(%dma_wait3A_189 : memref<10112x48xf32, #tpu.memory_space<vmem_shared>>)
      %add3A_190 = arith.constant 4 : i32
      %add3A_191 = arith.addi %add3A_171, %add3A_190 : i32
      %sub3A_192 = arith.constant 1 : i32
      %sub3A_193 = arith.subi %add3A_191, %sub3A_192 : i32
      %min3A_194 = arith.constant 127 : i32
      %min3A_195 = arith.minsi %sub3A_193, %min3A_194 : i32
      %dma_start3A_196 = arith.constant 0 : i32
      %dma_start3A_197 = tpu.memref_slice %arg7[%min3A_195, %dma_start3A_196] : memref<128x80xi32, #tpu.memory_space<vmem>> -> memref<1x80xi32, #tpu.memory_space<vmem>>
      %dma_start3A_198 = tpu.memref_squeeze %dma_start3A_197 : memref<1x80xi32, #tpu.memory_space<vmem>> -> memref<80xi32, #tpu.memory_space<vmem>>
      %dma_start3A_199 = arith.constant 0 : i32
      %dma_start3A_200 = arith.constant 0 : i32
      %dma_start3A_201 = tpu.memref_slice %arg13[%dma_start3A_199, %dma_start3A_200] : memref<10112x48xf32, #tpu.memory_space<vmem_shared>> -> memref<10112x48xf32, #tpu.memory_space<vmem_shared>>
      tpu.enqueue_indirect_dma source(%dma_start3A_201 : memref<10112x48xf32, #tpu.memory_space<vmem_shared>>) target(%arg11 : memref<80x48xf32, #tpu.memory_space<vmem>>) offsets(%dma_start3A_198 : memref<80xi32, #tpu.memory_space<vmem>>) semaphore(%arg17 : memref<!tpu.dma_semaphore, #tpu.memory_space<semaphore_mem>>)
    }
    %scan3A_35 = arith.constant 32 : i32
    %dma_wait3A = arith.constant 0 : i32
    %dma_wait3A_36 = arith.constant 0 : i32
    %dma_wait3A_37 = tpu.memref_slice %arg8[%dma_wait3A, %dma_wait3A_36] : memref<128x80xi32, #tpu.memory_space<vmem>> -> memref<1x80xi32, #tpu.memory_space<vmem>>
    %dma_wait3A_38 = tpu.memref_squeeze %dma_wait3A_37 : memref<1x80xi32, #tpu.memory_space<vmem>> -> memref<80xi32, #tpu.memory_space<vmem>>
    %dma_wait3A_39 = arith.constant 0 : i32
    %dma_wait3A_40 = arith.constant 0 : i32
    %dma_wait3A_41 = tpu.memref_slice %arg14[%dma_wait3A_39, %dma_wait3A_40] : memref<10112x48xf32, #tpu.memory_space<vmem_shared>> -> memref<10112x48xf32, #tpu.memory_space<vmem_shared>>
    tpu.wait_indirect_dma semaphore(%arg22 : memref<!tpu.dma_semaphore, #tpu.memory_space<semaphore_mem>>) src(%arg12 : memref<80x48xf32, #tpu.memory_space<vmem>>) dst(%dma_wait3A_41 : memref<10112x48xf32, #tpu.memory_space<vmem_shared>>)
    %dma_wait3A_42 = arith.constant 0 : i32
    %dma_wait3A_43 = arith.constant 0 : i32
    %dma_wait3A_44 = tpu.memref_slice %arg7[%dma_wait3A_42, %dma_wait3A_43] : memref<128x80xi32, #tpu.memory_space<vmem>> -> memref<1x80xi32, #tpu.memory_space<vmem>>
    %dma_wait3A_45 = tpu.memref_squeeze %dma_wait3A_44 : memref<1x80xi32, #tpu.memory_space<vmem>> -> memref<80xi32, #tpu.memory_space<vmem>>
    %dma_wait3A_46 = arith.constant 0 : i32
    %dma_wait3A_47 = arith.constant 0 : i32
    %dma_wait3A_48 = tpu.memref_slice %arg13[%dma_wait3A_46, %dma_wait3A_47] : memref<10112x48xf32, #tpu.memory_space<vmem_shared>> -> memref<10112x48xf32, #tpu.memory_space<vmem_shared>>
    tpu.wait_indirect_dma semaphore(%arg15 : memref<!tpu.dma_semaphore, #tpu.memory_space<semaphore_mem>>) src(%dma_wait3A_48 : memref<10112x48xf32, #tpu.memory_space<vmem_shared>>) dst(%arg9 : memref<80x48xf32, #tpu.memory_space<vmem>>)
    %dma_wait3A_49 = arith.constant 0 : i32
    %dma_wait3A_50 = arith.constant 0 : i32
    %dma_wait3A_51 = tpu.memref_slice %arg7[%dma_wait3A_49, %dma_wait3A_50] : memref<128x80xi32, #tpu.memory_space<vmem>> -> memref<1x80xi32, #tpu.memory_space<vmem>>
    %dma_wait3A_52 = tpu.memref_squeeze %dma_wait3A_51 : memref<1x80xi32, #tpu.memory_space<vmem>> -> memref<80xi32, #tpu.memory_space<vmem>>
    %dma_wait3A_53 = arith.constant 0 : i32
    %dma_wait3A_54 = arith.constant 0 : i32
    %dma_wait3A_55 = tpu.memref_slice %arg13[%dma_wait3A_53, %dma_wait3A_54] : memref<10112x48xf32, #tpu.memory_space<vmem_shared>> -> memref<10112x48xf32, #tpu.memory_space<vmem_shared>>
    tpu.wait_indirect_dma semaphore(%arg16 : memref<!tpu.dma_semaphore, #tpu.memory_space<semaphore_mem>>) src(%dma_wait3A_55 : memref<10112x48xf32, #tpu.memory_space<vmem_shared>>) dst(%arg10 : memref<80x48xf32, #tpu.memory_space<vmem>>)
    %dma_wait3A_56 = arith.constant 0 : i32
    %dma_wait3A_57 = arith.constant 0 : i32
    %dma_wait3A_58 = tpu.memref_slice %arg7[%dma_wait3A_56, %dma_wait3A_57] : memref<128x80xi32, #tpu.memory_space<vmem>> -> memref<1x80xi32, #tpu.memory_space<vmem>>
    %dma_wait3A_59 = tpu.memref_squeeze %dma_wait3A_58 : memref<1x80xi32, #tpu.memory_space<vmem>> -> memref<80xi32, #tpu.memory_space<vmem>>
    %dma_wait3A_60 = arith.constant 0 : i32
    %dma_wait3A_61 = arith.constant 0 : i32
    %dma_wait3A_62 = tpu.memref_slice %arg13[%dma_wait3A_60, %dma_wait3A_61] : memref<10112x48xf32, #tpu.memory_space<vmem_shared>> -> memref<10112x48xf32, #tpu.memory_space<vmem_shared>>
    tpu.wait_indirect_dma semaphore(%arg17 : memref<!tpu.dma_semaphore, #tpu.memory_space<semaphore_mem>>) src(%dma_wait3A_62 : memref<10112x48xf32, #tpu.memory_space<vmem_shared>>) dst(%arg11 : memref<80x48xf32, #tpu.memory_space<vmem>>)
    %barrier3A_63 = arith.constant 0 : index
    tpu.barrier barrier_id(%barrier3A_63)
    %mul3A_64 = arith.constant 632 : i32
    %mul3A_65 = arith.muli %arg1, %mul3A_64 : i32
    %mul3A_66 = arith.constant 632 : i32
    %mul3A_67 = arith.muli %arg1, %mul3A_66 : i32
    %run_scoped3A_68 = arith.constant 0 : i32
    "tpu.region"() ({
      %run_scoped3A_69 = tpu.sem_alloc : memref<!tpu.dma_semaphore, #tpu.memory_space<semaphore_mem>>
      %dma_start3A_70 = arith.constant 0 : i32
      %dma_start3A_71 = arith.constant 0 : i32
      %dma_start3A_72 = tpu.memref_slice %arg6[%arg0, %run_scoped3A_68, %dma_start3A_70, %dma_start3A_71] : memref<2x1x10112x48xf32, #tpu.memory_space<hbm>> -> memref<1x1x10112x48xf32, #tpu.memory_space<hbm>>
      %dma_start3A_73 = tpu.memref_squeeze %dma_start3A_72 : memref<1x1x10112x48xf32, #tpu.memory_space<hbm>> -> memref<10112x48xf32, #tpu.memory_space<hbm>>
      %dma_start3A_74 = arith.constant 0 : i32
      %dma_start3A_75 = tpu.memref_slice %dma_start3A_73[%mul3A_67, %dma_start3A_74] : memref<10112x48xf32, #tpu.memory_space<hbm>> -> memref<632x48xf32, #tpu.memory_space<hbm>>
      %dma_start3A_76 = arith.constant 0 : i32
      %dma_start3A_77 = tpu.memref_slice %arg14[%mul3A_65, %dma_start3A_76] : memref<10112x48xf32, #tpu.memory_space<vmem_shared>> -> memref<632x48xf32, #tpu.memory_space<vmem_shared>>
      tpu.enqueue_dma source(%dma_start3A_77 : memref<632x48xf32, #tpu.memory_space<vmem_shared>>) target(%dma_start3A_75 : memref<632x48xf32, #tpu.memory_space<hbm>>) target_semaphore(%run_scoped3A_69 : memref<!tpu.dma_semaphore, #tpu.memory_space<semaphore_mem>>)
      %dma_wait3A_78 = arith.constant 0 : i32
      %dma_wait3A_79 = arith.constant 0 : i32
      %dma_wait3A_80 = tpu.memref_slice %arg6[%arg0, %run_scoped3A_68, %dma_wait3A_78, %dma_wait3A_79] : memref<2x1x10112x48xf32, #tpu.memory_space<hbm>> -> memref<1x1x10112x48xf32, #tpu.memory_space<hbm>>
      %dma_wait3A_81 = tpu.memref_squeeze %dma_wait3A_80 : memref<1x1x10112x48xf32, #tpu.memory_space<hbm>> -> memref<10112x48xf32, #tpu.memory_space<hbm>>
      %dma_wait3A_82 = arith.constant 0 : i32
      %dma_wait3A_83 = tpu.memref_slice %dma_wait3A_81[%mul3A_67, %dma_wait3A_82] : memref<10112x48xf32, #tpu.memory_space<hbm>> -> memref<632x48xf32, #tpu.memory_space<hbm>>
      %dma_wait3A_84 = arith.constant 0 : i32
      %dma_wait3A_85 = tpu.memref_slice %arg14[%mul3A_65, %dma_wait3A_84] : memref<10112x48xf32, #tpu.memory_space<vmem_shared>> -> memref<632x48xf32, #tpu.memory_space<vmem_shared>>
      tpu.wait_dma2 semaphore(%run_scoped3A_69 : memref<!tpu.dma_semaphore, #tpu.memory_space<semaphore_mem>>) src(%dma_wait3A_85 : memref<632x48xf32, #tpu.memory_space<vmem_shared>>) dst(%dma_wait3A_83 : memref<632x48xf32, #tpu.memory_space<hbm>>)
      tpu.yield
    }) : () -> ()
    return
  }
}

module attributes {stable_mosaic.version = 14 : i64} {
  func.func @_mm1_body(%arg0: i32, %arg1: memref<1264x128xf32, #tpu.memory_space<vmem>>, %arg2: memref<128x128xf32, #tpu.memory_space<vmem>>, %arg3: memref<1264x128xf32, #tpu.memory_space<vmem>>) attributes {dimension_semantics = [#tpu.dimension_semantics<arbitrary>], iteration_bounds = array<i64: 8>, scalar_prefetch = 0 : i64, scratch_operands = 0 : i64, tpu.core_type = #tpu.core_type<tc>, window_params = [{transform_indices = @transform_0, window_bounds = array<i64: 1264, 128>}, {pipeline_mode = #tpu.pipeline_mode<synchronous>, transform_indices = @transform_1, window_bounds = array<i64: 128, 128>}, {transform_indices = @transform_2, window_bounds = array<i64: 1264, 128>}]} {
    %get3A = arith.constant 0 : index
    %get3A_0 = arith.constant 0 : index
    %get3A_1 = vector.load %arg1[%get3A, %get3A_0] : memref<1264x128xf32, #tpu.memory_space<vmem>>, vector<1264x128xf32>
    %get3A_2 = arith.constant 0 : index
    %get3A_3 = arith.constant 0 : index
    %get3A_4 = vector.load %arg2[%get3A_2, %get3A_3] : memref<128x128xf32, #tpu.memory_space<vmem>>, vector<128x128xf32>
    %dot_general3A = arith.constant dense<0.000000e+00> : vector<1264x128xf32>
    %dot_general3A_5 = tpu.matmul %get3A_1, %get3A_4, %dot_general3A {dimension_numbers = #tpu.dot_dimension_numbers<[1], [0], [0], [1], [0, 0, 1, 1], [], []>, transpose_lhs_hint = false} : vector<1264x128xf32>, vector<128x128xf32>, vector<1264x128xf32> -> vector<1264x128xf32>
    %swap3A = arith.constant 0 : index
    %swap3A_6 = arith.constant 0 : index
    %swap3A_7 = vector.load %arg3[%swap3A, %swap3A_6] : memref<1264x128xf32, #tpu.memory_space<vmem>>, vector<1264x128xf32>
    tpu.vector_store %arg3[%swap3A, %swap3A_6], %dot_general3A_5 {strides = array<i32>} : memref<1264x128xf32, #tpu.memory_space<vmem>>, vector<1264x128xf32>,
    return
  }
  func.func @transform_0(%arg0: i32) -> (i32, i32) {
    %c0_i32 = arith.constant 0 : i32
    %c0_i32_0 = arith.constant 0 : i32
    return %arg0, %c0_i32 : i32, i32
  }
  func.func @transform_1(%arg0: i32) -> (i32, i32) {
    %c0_i32 = arith.constant 0 : i32
    %c0_i32_0 = arith.constant 0 : i32
    %c0_i32_1 = arith.constant 0 : i32
    return %c0_i32, %c0_i32_0 : i32, i32
  }
  func.func @transform_2(%arg0: i32) -> (i32, i32) {
    %c0_i32 = arith.constant 0 : i32
    %c0_i32_0 = arith.constant 0 : i32
    return %arg0, %c0_i32 : i32, i32
  }
}

module attributes {stable_mosaic.version = 14 : i64} {
  func.func @_scale1_body(%arg0: i32, %arg1: memref<1264x128xf32, #tpu.memory_space<vmem>>, %arg2: memref<2x1264x16xf32, #tpu.memory_space<vmem>>, %arg3: memref<2x1264x64xf32, #tpu.memory_space<vmem>>) attributes {dimension_semantics = [#tpu.dimension_semantics<arbitrary>], iteration_bounds = array<i64: 8>, scalar_prefetch = 0 : i64, scratch_operands = 0 : i64, tpu.core_type = #tpu.core_type<tc>, window_params = [{transform_indices = @transform_0, window_bounds = array<i64: 1264, 128>}, {transform_indices = @transform_1, window_bounds = array<i64: 2, 1264, 16>}, {transform_indices = @transform_2, window_bounds = array<i64: 2, 1264, 64>}]} {
    %get3A = arith.constant 0 : index
    %get3A_0 = arith.constant 0 : index
    %get3A_1 = vector.load %arg1[%get3A, %get3A_0] : memref<1264x128xf32, #tpu.memory_space<vmem>>, vector<1264x128xf32>
    %get3A_2 = arith.constant 0 : index
    %get3A_3 = arith.constant 0 : index
    %get3A_4 = arith.constant 0 : index
    %get3A_5 = vector.load %arg2[%get3A_2, %get3A_3, %get3A_4] : memref<2x1264x16xf32, #tpu.memory_space<vmem>>, vector<1x1264x1xf32>
    %get3A_6 = vector.shape_cast %get3A_5 : vector<1x1264x1xf32> to vector<1264x1xf32>
    %get3A_7 = arith.constant 1 : index
    %get3A_8 = arith.constant 0 : index
    %get3A_9 = arith.constant 0 : index
    %get3A_10 = vector.load %arg2[%get3A_7, %get3A_8, %get3A_9] : memref<2x1264x16xf32, #tpu.memory_space<vmem>>, vector<1x1264x1xf32>
    %get3A_11 = vector.shape_cast %get3A_10 : vector<1x1264x1xf32> to vector<1264x1xf32>
    %add3A = arith.addf %get3A_6, %get3A_11 : vector<1264x1xf32>
    %add3A_12 = arith.constant 1.000000e+00 : f32
    %add3A_13 = vector.broadcast %add3A_12 : f32 to vector<1264x1xf32>
    %add3A_14 = arith.addf %add3A, %add3A_13 : vector<1264x1xf32>
    %rsqrt3A = math.rsqrt %add3A_14 : vector<1264x1xf32>
    %mul3A = vector.broadcast %rsqrt3A : vector<1264x1xf32> to vector<1264x128xf32>
    %mul3A_15 = arith.mulf %get3A_1, %mul3A : vector<1264x128xf32>
    %slice3A = vector.extract_strided_slice %mul3A_15 {offsets = [0, 0], sizes = [1264, 64], strides = [1, 1]} : vector<1264x128xf32> to vector<1264x64xf32>
    %swap3A = arith.constant 0 : index
    %swap3A_16 = arith.constant 0 : index
    %swap3A_17 = arith.constant 0 : index
    %swap3A_18 = vector.load %arg3[%swap3A, %swap3A_16, %swap3A_17] : memref<2x1264x64xf32, #tpu.memory_space<vmem>>, vector<1x1264x64xf32>
    %swap3A_19 = vector.shape_cast %swap3A_18 : vector<1x1264x64xf32> to vector<1264x64xf32>
    %swap3A_20 = vector.shape_cast %slice3A : vector<1264x64xf32> to vector<1x1264x64xf32>
    tpu.vector_store %arg3[%swap3A, %swap3A_16, %swap3A_17], %swap3A_20 {strides = array<i32>} : memref<2x1264x64xf32, #tpu.memory_space<vmem>>, vector<1x1264x64xf32>,
    %slice3A_21 = vector.extract_strided_slice %mul3A_15 {offsets = [0, 64], sizes = [1264, 64], strides = [1, 1]} : vector<1264x128xf32> to vector<1264x64xf32>
    %swap3A_22 = arith.constant 1 : index
    %swap3A_23 = arith.constant 0 : index
    %swap3A_24 = arith.constant 0 : index
    %swap3A_25 = vector.load %arg3[%swap3A_22, %swap3A_23, %swap3A_24] : memref<2x1264x64xf32, #tpu.memory_space<vmem>>, vector<1x1264x64xf32>
    %swap3A_26 = vector.shape_cast %swap3A_25 : vector<1x1264x64xf32> to vector<1264x64xf32>
    %swap3A_27 = vector.shape_cast %slice3A_21 : vector<1264x64xf32> to vector<1x1264x64xf32>
    tpu.vector_store %arg3[%swap3A_22, %swap3A_23, %swap3A_24], %swap3A_27 {strides = array<i32>} : memref<2x1264x64xf32, #tpu.memory_space<vmem>>, vector<1x1264x64xf32>,
    return
  }
  func.func @transform_0(%arg0: i32) -> (i32, i32) {
    %c0_i32 = arith.constant 0 : i32
    %c0_i32_0 = arith.constant 0 : i32
    return %arg0, %c0_i32 : i32, i32
  }
  func.func @transform_1(%arg0: i32) -> (i32, i32, i32) {
    %c0_i32 = arith.constant 0 : i32
    %c0_i32_0 = arith.constant 0 : i32
    %c0_i32_1 = arith.constant 0 : i32
    return %c0_i32, %arg0, %c0_i32_0 : i32, i32, i32
  }
  func.func @transform_2(%arg0: i32) -> (i32, i32, i32) {
    %c0_i32 = arith.constant 0 : i32
    %c0_i32_0 = arith.constant 0 : i32
    %c0_i32_1 = arith.constant 0 : i32
    return %c0_i32, %arg0, %c0_i32_0 : i32, i32, i32
  }
}

module attributes {stable_mosaic.version = 14 : i64} {
  func.func @_lin2_body(%arg0: i32, %arg1: memref<2x2x1264x64xf32, #tpu.memory_space<vmem>>, %arg2: memref<2x1264x16xf32, #tpu.memory_space<vmem>>, %arg3: memref<1x128xf32, #tpu.memory_space<vmem>>, %arg4: memref<128x48xf32, #tpu.memory_space<vmem>>, %arg5: memref<1264x48xf32, #tpu.memory_space<vmem>>) attributes {dimension_semantics = [#tpu.dimension_semantics<arbitrary>], iteration_bounds = array<i64: 8>, scalar_prefetch = 0 : i64, scratch_operands = 0 : i64, tpu.core_type = #tpu.core_type<tc>, window_params = [{transform_indices = @transform_0, window_bounds = array<i64: 2, 2, 1264, 64>}, {transform_indices = @transform_1, window_bounds = array<i64: 2, 1264, 16>}, {pipeline_mode = #tpu.pipeline_mode<synchronous>, transform_indices = @transform_2, window_bounds = array<i64: 1, 128>}, {pipeline_mode = #tpu.pipeline_mode<synchronous>, transform_indices = @transform_3, window_bounds = array<i64: 128, 48>}, {transform_indices = @transform_4, window_bounds = array<i64: 1264, 48>}]} {
    %get3A = arith.constant 0 : index
    %get3A_0 = arith.constant 0 : index
    %get3A_1 = arith.constant 0 : index
    %get3A_2 = vector.load %arg2[%get3A, %get3A_0, %get3A_1] : memref<2x1264x16xf32, #tpu.memory_space<vmem>>, vector<1x1264x1xf32>
    %get3A_3 = vector.shape_cast %get3A_2 : vector<1x1264x1xf32> to vector<1264x1xf32>
    %get3A_4 = arith.constant 1 : index
    %get3A_5 = arith.constant 0 : index
    %get3A_6 = arith.constant 0 : index
    %get3A_7 = vector.load %arg2[%get3A_4, %get3A_5, %get3A_6] : memref<2x1264x16xf32, #tpu.memory_space<vmem>>, vector<1x1264x1xf32>
    %get3A_8 = vector.shape_cast %get3A_7 : vector<1x1264x1xf32> to vector<1264x1xf32>
    %add3A = arith.addf %get3A_3, %get3A_8 : vector<1264x1xf32>
    %add3A_9 = arith.constant 1.000000e+00 : f32
    %add3A_10 = vector.broadcast %add3A_9 : f32 to vector<1264x1xf32>
    %add3A_11 = arith.addf %add3A, %add3A_10 : vector<1264x1xf32>
    %rsqrt3A = math.rsqrt %add3A_11 : vector<1264x1xf32>
    %get3A_12 = arith.constant 0 : index
    %get3A_13 = arith.constant 0 : index
    %get3A_14 = arith.constant 0 : index
    %get3A_15 = arith.constant 0 : index
    %get3A_16 = vector.load %arg1[%get3A_12, %get3A_13, %get3A_14, %get3A_15] : memref<2x2x1264x64xf32, #tpu.memory_space<vmem>>, vector<1x2x1264x64xf32>
    %get3A_17 = vector.shape_cast %get3A_16 : vector<1x2x1264x64xf32> to vector<2x1264x64xf32>
    %get3A_18 = arith.constant 1 : index
    %get3A_19 = arith.constant 0 : index
    %get3A_20 = arith.constant 0 : index
    %get3A_21 = arith.constant 0 : index
    %get3A_22 = vector.load %arg1[%get3A_18, %get3A_19, %get3A_20, %get3A_21] : memref<2x2x1264x64xf32, #tpu.memory_space<vmem>>, vector<1x2x1264x64xf32>
    %get3A_23 = vector.shape_cast %get3A_22 : vector<1x2x1264x64xf32> to vector<2x1264x64xf32>
    %add3A_24 = arith.addf %get3A_17, %get3A_23 : vector<2x1264x64xf32>
    %slice3A = vector.extract_strided_slice %add3A_24 {offsets = [0, 0, 0], sizes = [1, 1264, 64], strides = [1, 1, 1]} : vector<2x1264x64xf32> to vector<1x1264x64xf32>
    %squeeze3A = vector.shape_cast %slice3A : vector<1x1264x64xf32> to vector<1264x64xf32>
    %slice3A_25 = vector.extract_strided_slice %add3A_24 {offsets = [1, 0, 0], sizes = [1, 1264, 64], strides = [1, 1, 1]} : vector<2x1264x64xf32> to vector<1x1264x64xf32>
    %squeeze3A_26 = vector.shape_cast %slice3A_25 : vector<1x1264x64xf32> to vector<1264x64xf32>
    %concatenate3A = tpu.concatenate %squeeze3A, %squeeze3A_26 in 1 : vector<1264x64xf32>, vector<1264x64xf32> -> vector<1264x128xf32>
    %mul3A = vector.broadcast %rsqrt3A : vector<1264x1xf32> to vector<1264x128xf32>
    %mul3A_27 = arith.mulf %mul3A, %concatenate3A : vector<1264x128xf32>
    %get3A_28 = arith.constant 0 : index
    %get3A_29 = arith.constant 0 : index
    %get3A_30 = vector.load %arg3[%get3A_28, %get3A_29] : memref<1x128xf32, #tpu.memory_space<vmem>>, vector<1x128xf32>
    %add3A_31 = vector.broadcast %get3A_30 : vector<1x128xf32> to vector<1264x128xf32>
    %add3A_32 = arith.addf %mul3A_27, %add3A_31 : vector<1264x128xf32>
    %max3A = arith.constant 0.000000e+00 : f32
    %max3A_33 = vector.broadcast %max3A : f32 to vector<1264x128xf32>
    %max3A_34 = arith.maximumf %add3A_32, %max3A_33 : vector<1264x128xf32>
    %get3A_35 = arith.constant 0 : index
    %get3A_36 = arith.constant 0 : index
    %get3A_37 = vector.load %arg4[%get3A_35, %get3A_36] : memref<128x48xf32, #tpu.memory_space<vmem>>, vector<128x48xf32>
    %dot_general3A = arith.constant dense<0.000000e+00> : vector<1264x48xf32>
    %dot_general3A_38 = tpu.matmul %max3A_34, %get3A_37, %dot_general3A {dimension_numbers = #tpu.dot_dimension_numbers<[1], [0], [0], [1], [0, 0, 1, 1], [], []>, transpose_lhs_hint = false} : vector<1264x128xf32>, vector<128x48xf32>, vector<1264x48xf32> -> vector<1264x48xf32>
    %mul3A_39 = vector.broadcast %rsqrt3A : vector<1264x1xf32> to vector<1264x48xf32>
    %mul3A_40 = arith.mulf %dot_general3A_38, %mul3A_39 : vector<1264x48xf32>
    %swap3A = arith.constant 0 : index
    %swap3A_41 = arith.constant 0 : index
    %swap3A_42 = vector.load %arg5[%swap3A, %swap3A_41] : memref<1264x48xf32, #tpu.memory_space<vmem>>, vector<1264x48xf32>
    tpu.vector_store %arg5[%swap3A, %swap3A_41], %mul3A_40 {strides = array<i32>} : memref<1264x48xf32, #tpu.memory_space<vmem>>, vector<1264x48xf32>,
    return
  }
  func.func @transform_0(%arg0: i32) -> (i32, i32, i32, i32) {
    %c0_i32 = arith.constant 0 : i32
    %c0_i32_0 = arith.constant 0 : i32
    %c0_i32_1 = arith.constant 0 : i32
    %c0_i32_2 = arith.constant 0 : i32
    return %c0_i32, %c0_i32_0, %arg0, %c0_i32_1 : i32, i32, i32, i32
  }
  func.func @transform_1(%arg0: i32) -> (i32, i32, i32) {
    %c0_i32 = arith.constant 0 : i32
    %c0_i32_0 = arith.constant 0 : i32
    %c0_i32_1 = arith.constant 0 : i32
    return %c0_i32, %arg0, %c0_i32_0 : i32, i32, i32
  }
  func.func @transform_2(%arg0: i32) -> (i32, i32) {
    %c0_i32 = arith.constant 0 : i32
    %c0_i32_0 = arith.constant 0 : i32
    %c0_i32_1 = arith.constant 0 : i32
    return %c0_i32, %c0_i32_0 : i32, i32
  }
  func.func @transform_3(%arg0: i32) -> (i32, i32) {
    %c0_i32 = arith.constant 0 : i32
    %c0_i32_0 = arith.constant 0 : i32
    %c0_i32_1 = arith.constant 0 : i32
    return %c0_i32, %c0_i32_0 : i32, i32
  }
  func.func @transform_4(%arg0: i32) -> (i32, i32) {
    %c0_i32 = arith.constant 0 : i32
    %c0_i32_0 = arith.constant 0 : i32
    return %arg0, %c0_i32 : i32, i32
  }
}

module attributes {stable_mosaic.version = 14 : i64} {
  func.func @_out_body(%arg0: i32, %arg1: memref<2x1264x48xf32, #tpu.memory_space<vmem>>, %arg2: memref<2x1264x16xf32, #tpu.memory_space<vmem>>, %arg3: memref<1x48xf32, #tpu.memory_space<vmem>>, %arg4: memref<1264x48xf32, #tpu.memory_space<vmem>>) attributes {dimension_semantics = [#tpu.dimension_semantics<arbitrary>], iteration_bounds = array<i64: 8>, scalar_prefetch = 0 : i64, scratch_operands = 0 : i64, tpu.core_type = #tpu.core_type<tc>, window_params = [{transform_indices = @transform_0, window_bounds = array<i64: 2, 1264, 48>}, {transform_indices = @transform_1, window_bounds = array<i64: 2, 1264, 16>}, {pipeline_mode = #tpu.pipeline_mode<synchronous>, transform_indices = @transform_2, window_bounds = array<i64: 1, 48>}, {transform_indices = @transform_3, window_bounds = array<i64: 1264, 48>}]} {
    %get3A = arith.constant 0 : index
    %get3A_0 = arith.constant 0 : index
    %get3A_1 = arith.constant 0 : index
    %get3A_2 = vector.load %arg2[%get3A, %get3A_0, %get3A_1] : memref<2x1264x16xf32, #tpu.memory_space<vmem>>, vector<1x1264x1xf32>
    %get3A_3 = vector.shape_cast %get3A_2 : vector<1x1264x1xf32> to vector<1264x1xf32>
    %get3A_4 = arith.constant 1 : index
    %get3A_5 = arith.constant 0 : index
    %get3A_6 = arith.constant 0 : index
    %get3A_7 = vector.load %arg2[%get3A_4, %get3A_5, %get3A_6] : memref<2x1264x16xf32, #tpu.memory_space<vmem>>, vector<1x1264x1xf32>
    %get3A_8 = vector.shape_cast %get3A_7 : vector<1x1264x1xf32> to vector<1264x1xf32>
    %add3A = arith.addf %get3A_3, %get3A_8 : vector<1264x1xf32>
    %add3A_9 = arith.constant 1.000000e+00 : f32
    %add3A_10 = vector.broadcast %add3A_9 : f32 to vector<1264x1xf32>
    %add3A_11 = arith.addf %add3A, %add3A_10 : vector<1264x1xf32>
    %rsqrt3A = math.rsqrt %add3A_11 : vector<1264x1xf32>
    %get3A_12 = arith.constant 0 : index
    %get3A_13 = arith.constant 0 : index
    %get3A_14 = arith.constant 0 : index
    %get3A_15 = vector.load %arg1[%get3A_12, %get3A_13, %get3A_14] : memref<2x1264x48xf32, #tpu.memory_space<vmem>>, vector<1x1264x48xf32>
    %get3A_16 = vector.shape_cast %get3A_15 : vector<1x1264x48xf32> to vector<1264x48xf32>
    %get3A_17 = arith.constant 1 : index
    %get3A_18 = arith.constant 0 : index
    %get3A_19 = arith.constant 0 : index
    %get3A_20 = vector.load %arg1[%get3A_17, %get3A_18, %get3A_19] : memref<2x1264x48xf32, #tpu.memory_space<vmem>>, vector<1x1264x48xf32>
    %get3A_21 = vector.shape_cast %get3A_20 : vector<1x1264x48xf32> to vector<1264x48xf32>
    %add3A_22 = arith.addf %get3A_16, %get3A_21 : vector<1264x48xf32>
    %mul3A = vector.broadcast %rsqrt3A : vector<1264x1xf32> to vector<1264x48xf32>
    %mul3A_23 = arith.mulf %mul3A, %add3A_22 : vector<1264x48xf32>
    %get3A_24 = arith.constant 0 : index
    %get3A_25 = arith.constant 0 : index
    %get3A_26 = vector.load %arg3[%get3A_24, %get3A_25] : memref<1x48xf32, #tpu.memory_space<vmem>>, vector<1x48xf32>
    %add3A_27 = vector.broadcast %get3A_26 : vector<1x48xf32> to vector<1264x48xf32>
    %add3A_28 = arith.addf %mul3A_23, %add3A_27 : vector<1264x48xf32>
    %iota3A = tpu.iota {dimensions = array<i32: 1>} : vector<1264x48xi32>
    %lt3A = arith.constant 40 : i32
    %lt3A_29 = vector.broadcast %lt3A : i32 to vector<1264x48xi32>
    %lt3A_30 = arith.cmpi slt, %iota3A, %lt3A_29 : vector<1264x48xi32>
    %jit3A = arith.constant -1.000000e+30 : f32
    %broadcast_in_dim3A = vector.broadcast %jit3A : f32 to vector<1264x48xf32>
    %select_n3A = arith.select %lt3A_30, %add3A_28, %broadcast_in_dim3A : vector<1264x48xi1>, vector<1264x48xf32>
    %reduce_max3A = arith.constant dense<0xFF800000> : vector<1264xf32>
    %reduce_max3A_31 = vector.multi_reduction <maximumf>, %select_n3A, %reduce_max3A [1] : vector<1264x48xf32> to vector<1264xf32>
    %broadcast_in_dim3A_32 = vector.shape_cast %reduce_max3A_31 : vector<1264xf32> to vector<1264x1xf32>
    %sub3A = vector.broadcast %broadcast_in_dim3A_32 : vector<1264x1xf32> to vector<1264x48xf32>
    %sub3A_33 = arith.subf %select_n3A, %sub3A : vector<1264x48xf32>
    %exp3A = math.exp %sub3A_33 : vector<1264x48xf32>
    %reduce_sum3A = arith.constant dense<0.000000e+00> : vector<1264xf32>
    %reduce_sum3A_34 = vector.multi_reduction <add>, %exp3A, %reduce_sum3A [1] : vector<1264x48xf32> to vector<1264xf32>
    %broadcast_in_dim3A_35 = vector.shape_cast %reduce_sum3A_34 : vector<1264xf32> to vector<1264x1xf32>
    %log3A = math.log %broadcast_in_dim3A_35 : vector<1264x1xf32>
    %add3A_36 = arith.addf %log3A, %broadcast_in_dim3A_32 : vector<1264x1xf32>
    %sub3A_37 = vector.broadcast %add3A_36 : vector<1264x1xf32> to vector<1264x48xf32>
    %sub3A_38 = arith.subf %select_n3A, %sub3A_37 : vector<1264x48xf32>
    %swap3A = arith.constant 0 : index
    %swap3A_39 = arith.constant 0 : index
    %swap3A_40 = vector.load %arg4[%swap3A, %swap3A_39] : memref<1264x48xf32, #tpu.memory_space<vmem>>, vector<1264x48xf32>
    tpu.vector_store %arg4[%swap3A, %swap3A_39], %sub3A_38 {strides = array<i32>} : memref<1264x48xf32, #tpu.memory_space<vmem>>, vector<1264x48xf32>,
    return
  }
  func.func @transform_0(%arg0: i32) -> (i32, i32, i32) {
    %c0_i32 = arith.constant 0 : i32
    %c0_i32_0 = arith.constant 0 : i32
    %c0_i32_1 = arith.constant 0 : i32
    return %c0_i32, %arg0, %c0_i32_0 : i32, i32, i32
  }
  func.func @transform_1(%arg0: i32) -> (i32, i32, i32) {
    %c0_i32 = arith.constant 0 : i32
    %c0_i32_0 = arith.constant 0 : i32
    %c0_i32_1 = arith.constant 0 : i32
    return %c0_i32, %arg0, %c0_i32_0 : i32, i32, i32
  }
  func.func @transform_2(%arg0: i32) -> (i32, i32) {
    %c0_i32 = arith.constant 0 : i32
    %c0_i32_0 = arith.constant 0 : i32
    %c0_i32_1 = arith.constant 0 : i32
    return %c0_i32, %c0_i32_0 : i32, i32
  }
  func.func @transform_3(%arg0: i32) -> (i32, i32) {
    %c0_i32 = arith.constant 0 : i32
    %c0_i32_0 = arith.constant 0 : i32
    return %arg0, %c0_i32 : i32, i32
  }
}

</mosaic_0001>

<sc_bundles>
// kernel: kernel.12.cloned.1.call-start
scs
__scs_entry_jumppad:
0x0: {  	(pc) =	sbr.rel $0x88, $3  }
0x1: {  	(tag) =	ssettag $0x0;
	lr =	simm.s32 $0x1  }
0x2: {  	[smem:$0x3F9B] =	sst lr;
	_ =	strace $0xD0000000  }
0x3: {  	_ = 	snop  }
0x4: {  	_ = 	snop  }
0x5: {  	_ = 	snop  }
0x6: {  	_ = 	snop  }
0x7: {  	_ = 	snop  }
__scs_overlays_trampoline_lowered:
0x8: {  	[smem:$0x3FAA] =	sst s0  }
0x9: {  	[smem:$0x3FAB] =	sst s1  }
0xa: {  	[smem:$0x3FAC] =	sst s2  }
0xb: {  	[smem:$0x3FAD] =	sst s3  }
0xc: {  	[smem:$0x3FAE] =	sst s4  }
0xd: {  	[smem:$0x3FAF] =	sst s5  }
0xe: {  	[smem:$0x3FB0] =	sst s6  }
0xf: {  	[smem:$0x3FB1] =	sst s7  }
0x10: {  	[smem:$0x3FB2] =	sst s8  }
0x11: {  	[smem:$0x3FB3] =	sst s9;
	s0 =	simm.s32 @!p0 $0x0  }
0x12: {  	s1 =	sld [smem:$0x3F99];
	s0 =	simm.s32 @p0 $0x1  }
0x13: {  	[smem:$0x3FB4] =	sst s0;
	s0 =	simm.s32 @!p1 $0x0  }
0x14: {  	s2 =	sld [smem:$0x3F98];
	s0 =	simm.s32 @p1 $0x1  }
0x15: {  	[smem:$0x3FB5] =	sst s0;
	s0 =	simm.s32 @!p2 $0x0  }
0x16: {  	s3 =	sld [smem:$0x3FDB];
	s0 =	simm.s32 @p2 $0x1  }
0x17: {  	s4 =	simm.s32 $0x1BF5;
	[smem:$0x3FB7] =	sst s0  }
0x18: {  	s0 =	sld [smem:$0x3F9A];
	_ =	swait.ge [sflag:s4], $0x0  }
0x19: {  	s7 =	sld [smem:$0x3F9B]  }
0x1a: {  	s8 =	sadd.s32 $0xFFFFE003, lr  }
0x1b: {  	s9 =	sadd.s32 $0xFFFFFEF7, lr;
	s5 =	simm.s32 $0xFFFFFFFF;
	p2 =	slt.u32 s8, $0xFFFFF086  }
0x1c: {  	p1 =	slt.u32 s9, $0xF7A;
	s5 =	simm.s32 @!p2 $0x0  }
0x1d: {  	s5 =	simm.s32 @p1 $0x1;
	p0 =	seq.s32 s7, s2  }
0x1e: {  	s7 =	smul.u32 @!p0 $0xF7A, s2;
	p2 =	seq.s32 @!p0 s5, $0x0  }
0x1f: {  	s9 =	smul.u32 $0xF7A, s1;
	s8 =	simm.s32 @!p0 $0x1BF5;
	p2 =	por !p2, p0  }
0x20: {  	[sflag:s8] =	ssyncset.s32 @!p0 $0xFFFFF086;
	s6 =	sadd.s32 @!p0 s3, s7;
	s7 =	simm.s32 @!p0 $0x108  }
0x21: {  	s3 =	sadd.s32 s3, s9;
	s6 =	sadd.s32 @!p0 $0x88, s6;
	s7 =	simm.s32 @p2 $0x1082  }
0x22: {  	[simem:s7], [sflag:s8] =	dma.local @!p0 [hbm:s6], $0xF7A  }
0x23: {  	s9 =	sor.u32 $0xD0000000, s2;
	s6 =	simm.s32 $0x108;
	_ =	swait.ge @!p0 [sflag:s8], $0x0  }
0x24: {  	s3 =	sadd.s32 $0x88, s3;
	s6 =	simm.s32 @!p1 $0x1082;
	[sflag:s4] =	ssyncset.s32 $0xFFFFF086  }
0x25: {  	[simem:s6], [sflag:s4] =	dma.local [hbm:s3], $0xF7A  }
0x26: {  	[smem:$0x3F9B] =	sst s1;
	(tag) =	ssettag s2;
	_ =	strace s9  }
0x27: {  	s1 =	sld [smem:$0x3FAB]  }
0x28: {  	s2 =	sld [smem:$0x3FAC]  }
0x29: {  	s4 =	sld [smem:$0x3FAE]  }
0x2a: {  	p0 =	seq.s32 s5, $0x0;
	s5 =	sld [smem:$0x3FAF]  }
0x2b: {  	s6 =	sld [smem:$0x3FB0]  }
0x2c: {  	s7 =	sld [smem:$0x3FB1]  }
0x2d: {  	s3 =	simm.s32 $0x108;
	s8 =	sld [smem:$0x3FB2]  }
0x2e: {  	s3 =	simm.s32 @!p0 $0x1082;
	s9 =	sld [smem:$0x3FB3]  }
0x2f: {  	lr =	sadd.s32 s0, s3;
	s0 =	sld [smem:$0x3FAA]  }
0x30: {  	s3 =	sld [smem:$0x3FAD]  }
0x31: {  	[smem:$0x3FB6] =	sst s10  }
0x32: {  	s10 =	sld [smem:$0x3FB4];
	_ =	sdelay $0x3  }
0x33: {  	p0 =	seq.s32 s10, $0x1;
	s10 =	sld [smem:$0x3FB6];
	_ =	sdelay $0x3  }
0x34: {  	[smem:$0x3FB6] =	sst s10  }
0x35: {  	s10 =	sld [smem:$0x3FB5];
	_ =	sdelay $0x3  }
0x36: {  	p1 =	seq.s32 s10, $0x1;
	s10 =	sld [smem:$0x3FB6];
	_ =	sdelay $0x3  }
0x37: {  	[smem:$0x3FB6] =	sst s10  }
0x38: {  	s10 =	sld [smem:$0x3FB7]  }
0x39: {  	_ = 	snop;
	(pc) =	sbr.ind lr, $3  }
0x3a: {  	_ = 	snop  }
0x3b: {  	_ = 	snop  }
0x3c: {  	p2 =	seq.s32 s10, $0x1;
	s10 =	sld [smem:$0x3FB6]  }
0x3d: {  	_ =	shalt  }
0x3e: {  	_ =	shalt  }
0x3f: {  	_ =	shalt  }
0x40: {  	_ =	shalt  }
0x41: {  	_ =	shalt  }
0x42: {  	_ =	shalt  }
0x43: {  	_ =	shalt  }
0x44: {  	_ =	shalt  }
0x45: {  	_ =	shalt  }
0x46: {  	_ =	shalt  }
0x47: {  	_ =	shalt  }
0x48: {  	_ =	shalt  }
0x49: {  	_ =	shalt  }
0x4a: {  	_ =	shalt  }
0x4b: {  	_ =	shalt  }
0x4c: {  	_ =	shalt  }
0x4d: {  	_ =	shalt  }
0x4e: {  	_ =	shalt  }
0x4f: {  	_ =	shalt  }
0x50: {  	_ =	shalt  }
0x51: {  	_ =	shalt  }
0x52: {  	_ =	shalt  }
0x53: {  	_ =	shalt  }
0x54: {  	_ =	shalt  }
0x55: {  	_ =	shalt  }
0x56: {  	_ =	shalt  }
0x57: {  	_ =	shalt  }
0x58: {  	_ =	shalt  }
0x59: {  	_ =	shalt  }
0x5a: {  	_ =	shalt  }
0x5b: {  	_ =	shalt  }
0x5c: {  	_ =	shalt  }
0x5d: {  	_ =	shalt  }
0x5e: {  	_ =	shalt  }
0x5f: {  	_ =	shalt  }
0x60: {  	_ =	shalt  }
0x61: {  	_ =	shalt  }
0x62: {  	_ =	shalt  }
0x63: {  	_ =	shalt  }
0x64: {  	_ =	shalt  }
0x65: {  	_ =	shalt  }
0x66: {  	_ =	shalt  }
0x67: {  	_ =	shalt  }
0x68: {  	_ =	shalt  }
0x69: {  	_ =	shalt  }
0x6a: {  	_ =	shalt  }
0x6b: {  	_ =	shalt  }
0x6c: {  	_ =	shalt  }
0x6d: {  	_ =	shalt  }
0x6e: {  	_ =	shalt  }
0x6f: {  	_ =	shalt  }
0x70: {  	_ =	shalt  }
0x71: {  	_ =	shalt  }
0x72: {  	_ =	shalt  }
0x73: {  	_ =	shalt  }
0x74: {  	_ =	shalt  }
0x75: {  	_ =	shalt  }
0x76: {  	_ =	shalt  }
0x77: {  	_ =	shalt  }
0x78: {  	_ =	shalt  }
0x79: {  	_ =	shalt  }
0x7a: {  	_ =	shalt  }
0x7b: {  	_ =	shalt  }
0x7c: {  	_ =	shalt  }
0x7d: {  	_ =	shalt  }
0x7e: {  	_ =	shalt  }
0x7f: {  	_ =	shalt  }
0x80: {  	_ =	shalt  }
0x81: {  	_ =	shalt  }
0x82: {  	_ =	shalt  }
0x83: {  	_ =	shalt  }
0x84: {  	_ =	shalt  }
0x85: {  	_ =	shalt  }
0x86: {  	_ =	shalt  }
0x87: {  	_ =	shalt  }
.Lfunc_end0:
.L_simem_size_0:
called_computation.1_lowered:
.L_overlay_start_0:
0x88: {  	s2 =	sld [smem:$0x3FD9]  }
0x89: {  	s3 =	sld [smem:$0x3FFE];
	_ =	sdelay $0x1  }
0x8a: {  	s1 =	srdreg.scid  }
0x8b: {  	s0 =	sand.u32 $0x1, s1  }
0x8c: {  	s17 =	sshll.u32 s0, $0xA;
	s2 =	sadd.s32 s3, s2  }
0x8d: {  	s2 =	sadd.s32 s2, s17  }
0x8e: {  	[smem:$0x3FC2] =	sst s2  }
0x8f: {  	_ = 	snop  }
0x90: {  	s2 =	sld [smem:$0x3FD0];
	(tm) =	ssettm $0x1  }
0x91: {  	s18 =	sld [smem:$0x3FFB];
	_ =	sdelay $0x3  }
0x92: {  	_ =	strace s18  }
0x93: {  	s3 =	sld [smem:$0x3FFC];
	_ =	sdelay $0x3  }
0x94: {  	_ =	strace s3  }
0x95: {  	s3 =	sld [smem:$0x3FFD];
	_ =	sdelay $0x3  }
0x96: {  	_ =	strace s3  }
0x97: {  	_ =	strace $0x8FFFFFFF  }
0x98: {  	s19 =	sld [smem:$0x3FDB];
	_ =	sdelay $0x1  }
0x99: {  	s4 =	simm.s32 $_scs_section_size  }
0x9a: {  	s5 =	simm.s32 $_size__tile_overlayer_lowered;
	s6 =	simm.s32 $_tile_overlayer_lowered  }
0x9b: {  	s22 =	simm.s32 $0x1BFF;
	s21 =	sshll.u32 s6, $0x1;
	s3 =	sadd.s32 s4, s19  }
0x9c: {  	s7 =	simm.s32 $0x0;
	s20 =	sshll.u32 s5, $0x1;
	s5 =	sadd.s32 s21, s3  }
0x9d: {  	[timem:s7], [sflag:s22] =	dma.local [hbm:s5], s20  }
0x9e: {  	_ =	swait.ge [sflag:s22], s20  }
0x9f: {  	s4 =	ssub.s32 $0x0, s20;
	[sflag:s22] =	ssyncset.done $0x0  }
0xa0: {  	[sflag:s22] =	ssyncadd.s32 s4;
	_ =	sdelay $0x1  }
0xa1: {  	s23 =	simm.s32 $0x1B8B  }
0xa2: {  	_ =	swait.ge [sflag:s23], $0x1  }
0xa3: {  	[sflag:s23] =	ssyncset.done $0x0  }
0xa4: {  	s25 =	simm.s32 $0x1B8E;
	s24 =	sld [smem:$0x3FFE];
	[sflag:s23] =	ssyncadd.s32 $0xFFFFFFFF  }
0xa5: {  	s26 =	simm.s32 $execute0_lowered;
	[smem:$0x3FD2] =	sst s25  }
0xa6: {  	s5 =	sshll.u32 s26, $0x1;
	_ =	strace $0x80000049;
	[dreg:$0x1] =	wrdreg $0xFFFFFFFF  }
0xa7: {  	s28 =	simm.s32 $_size_execute0_lowered;
	s3 =	sadd.s32 s3, s5;
	[dreg:$0x0] =	wrdreg $0x0  }
0xa8: {  	s5 =	sshll.u32 s28, $0x1;
	[dreg:$0x2] =	wrdreg s3  }
0xa9: {  	[dreg:$0x3] =	wrdreg s5  }
0xaa: {  	[dreg:$0x4] =	wrdreg $0xC0  }
0xab: {  	_ =	task [dreg:s7], $0x5FFFF  }
0xac: {  	[dreg:$0x1] =	wrdreg $0xFFFFFFFF  }
0xad: {  	[dreg:$0x0] =	wrdreg $0x60  }
0xae: {  	[dreg:$0x2] =	wrdreg s24  }
0xaf: {  	[dreg:$0x3] =	wrdreg s2  }
0xb0: {  	[dreg:$0x4] =	wrdreg $0xA0000  }
0xb1: {  	[dreg:$0x5] =	wrdreg $0x13E000  }
0xb2: {  	[dreg:$0x6] =	wrdreg $0x9  }
0xb3: {  	_ =	task.clear_ibuf [dreg:s7], $0x7FFFF;
	_ =	strace $0x90000049  }
0xb4: {  	s29 =	simm.s32 $0x9;
	_ =	strace $0x8000004B  }
0xb5: {  	_ =	swait.ge [sflag:s29], $0x1  }
0xb6: {  	[sflag:s29] =	ssyncadd.s32 $0xFFFFFFFF  }
0xb7: {  	_ =	strace $0x9000004B  }
0xb8: {  	_ =	sfence  }
0xb9: {  	s30 =	sld [smem:$0x0];
	_ =	sdelay $0x2  }
0xba: {  	s31 =	sshll.u32 s1, $0xD;
	s1 =	sshrl.u32 s1, $0x2  }
0xbb: {  	s3 =	sand.u32 $0x4000, s31;
	s1 =	sadd.s32 s1, s30  }
0xbc: {  	s0 =	sor.u32 s3, s0;
	s1 =	sshll.u32 s1, $0x11  }
0xbd: {  	s0 =	sor.u32 s1, s0  }
0xbe: {  	s0 =	sadd.s32 $0x8F2B, s0  }
0xbf: {  	[sflag:s0] =	ssyncadd.remote.s32 $0x1  }
0xc0: {  	_ =	sfence.sel $0xFFFF  }
0xc1: {  	[dreg:$0x0] =	wrdreg $0xFFFFFFFF;
	(pc) =	sbr.abs _section_cstart, $3  }
0xc2: {  	[dreg:$0x1] =	wrdreg $0xFFFFFFFF  }
0xc3: {  	_ =	task.clear_ibuf [dreg:s7], $0x2FFFF;
	_ =	strace $0x9FFFFFFF  }
0xc4: {  	(tm) =	ssettm $0x7FFFFFFF  }
0xc5: {  	_ =	shalt  }
tec
execute0_lowered:
.L_overlay_start_1:
0x0: {  	(tag) =	ssettag $0x1  }
0x1: {  	s0 =	rddreg [dreg:$0x0]  }
0x2: {  	s1 =	rddreg [dreg:$0x1];
	s3 =	srdreg.scid  }
0x3: {  	s14 =	stileid.u32;
	s2 =	rddreg [dreg:$0x2]  }
0x4: {  	s17 =	simm.s32 $0x50;
	s18 =	simm.s32 $0x5000;
	s19 =	simm.s32 $0x6400  }
0x5: {  	s28 =	simm.s32 $0x2;
	s30 =	simm.s32 $0x5;
	s20 =	simm.s32 $0x28F0  }
0x6: {  	s29 =	simm.s32 $0x8;
	s31 =	simm.s32 $0x27B0;
	s5 =	sand.u32 $0x1, s3  }
0x7: {  	s4 =	sshll.u32 s14, $0x1;
	s3 =	rddreg [dreg:$0x3];
	s7 =	smul.u32 $0x9E00, s14  }
0x8: {  	s25 =	sshll.u32 s14, $0x6;
	s6 =	sor.u32 s5, s4;
	s4 =	simm.s32 $0x0  }
0x9: {  	s8 =	smul.u32 $0x13C000, s5;
	s11 =	ssub.s32 $0x2, s5;
	p0 =	seq.s32 s5, $0x0  }
0xa: {  	s5 =	simm.s32 $0x6;
	s6 =	smul.u32 $0x500, s6;
	[smem:$0x7FF] =	sst s4  }
0xb: {  	s10 =	sshrl.u32 s7, $0x3;
	s13 =	sshrl.u32 s11, $0x1;
	s22 =	sadd.s32 s7, s2  }
0xc: {  	s23 =	sadd.s32 s7, s3;
	s7 =	simm.s32 $0x7;
	_ =	strace $0x8000004A  }
0xd: {  	s12 =	sadd.s32 s10, s0;
	s8 =	sshrl.u32 s8, $0x3;
	s21 =	ssub.s32 s11, s13  }
0xe: {  	s11 =	simm.s32 $0x9;
	s13 =	sor.u32 $0x1C09, s25;
	s14 =	sshrl.u32 s22, $0x3  }
0xf: {  	s22 =	simm.s32 $0x1;
	s25 =	simm.s32 $0x1E0;
	s9 =	sadd.s32 s6, s0  }
0x10: {  	s0 =	sadd.s32 s8, s0;
	s1 =	sadd.s32 s1, s6;
	s16 =	sadd.s32 $0x69A00, s12  }
0x11: {  	s15 =	sadd.s32 $0x91200, s12;
	s8 =	smax.u32 s21, $0x1;
	[dreg:$0x6] =	wrdreg s1  }
0x12: {  	s21 =	simm.s32 $0x7800;
	s6 =	simm.s32 $0x190;
	[dreg:$0x9] =	wrdreg s8  }
0x13: {  	s9 =	sadd.s32 $0x10A00, s9;
	s24 =	sadd.s32 $0xA4E00, s0;
	[dreg:$0x8] =	wrdreg s15  }
0x14: {  	s0 =	sadd.s32 $0xB8A00, s0;
	[dreg:$0x7] =	wrdreg s16;
	s15 =	smov.u32 @p0 s16  }
0x15: {  	s16 =	sshrl.u32 s23, $0x3;
	s1 =	simm.s32 $0x3;
	s23 =	simm.s32 $0x0  }
0x16: {  	[dreg:$0x5] =	wrdreg s9;
	s9 =	sadd.s32 $0x7D600, s12;
	s26 =	sadd.s32 s10, s24  }
0x17: {  	s12 =	simm.s32 $0x2800;
	s0 =	sadd.s32 s10, s0;
	[dreg:$0xa] =	wrdreg s26  }
0x18: {  	s10 =	simm.s32 $0x4;
	[dreg:$0xb] =	wrdreg s0;
	s26 =	simm.s32 $0x8C00  }
.LBB2_1:
0x19: {  	s0 =	rddreg [dreg:$0x5]  }
0x1a: {  	[tilespmem:s4], [sflag:$0x9] =	stream.linear.gather [hbm4b:s0+s4], $0x2800, $0x38;
	[tilespmem:$0x1DC00] =	vst v63  }
0x1b: {  	_ =	swait.ge [sflag:s11], $0x2800  }
0x1c: {  	[sflag:s11] =	ssyncset.done $0x0  }
0x1d: {  	s24 =	rddreg [dreg:$0x6];
	[sflag:s11] =	ssyncadd.s32 $0xFFFFD800  }
0x1e: {  	[tilespmem:s12], [sflag:$0x9] =	stream.linear.gather [hbm4b:s24+s4], $0x2800, $0x38;
	[tilespmem:$0x1DC00] =	vst v63  }
0x1f: {  	_ =	swait.ge [sflag:s11], $0x2800  }
0x20: {  	[sflag:s11] =	ssyncset.done $0x0  }
0x21: {  	s8 =	rddreg [dreg:$0x7];
	[sflag:s11] =	ssyncadd.s32 $0xFFFFD800  }
0x22: {  	[spmem:s14], [sflag:s13] =	dma.local [hbm:s8], $0x13C0  }
0x23: {  	_ =	swait.ge [sflag:s11], $0x13C0  }
0x24: {  	[sflag:s11] =	ssyncset.done $0x0  }
0x25: {  	[sflag:s11] =	ssyncadd.s32 $0xFFFFEC40  }
0x26: {  	[spmem:s16], [sflag:s13] =	dma.local [hbm:s15], $0x13C0  }
0x27: {  	_ =	swait.ge [sflag:s11], $0x13C0  }
0x28: {  	[sflag:s11] =	ssyncset.done $0x0  }
0x29: {  	[sflag:s11] =	ssyncadd.s32 $0xFFFFEC40  }
0x2a: {  	[bflag:$0x0] =	sbarrier.arrive $0xFFFF  }
0x2b: {  	[tilespmem:s18], [sflag:$0x1] =	stream.indirect.gather [spmem:s2], $0x40, s4, s17, $0xb8;
	[tilespmem:$0x1DC00] =	vst v63  }
0x2c: {  	_ = 	snop  }
0x2d: {  	[tilespmem:s19], [sflag:$0x2] =	stream.indirect.gather [spmem:s2], $0x40, s17, s17, $0xb8;
	[tilespmem:$0x1DC00] =	vst v63  }
0x2e: {  	s24 =	simm.s32 $0xA0  }
0x2f: {  	[tilespmem:s21], [sflag:$0x3] =	stream.indirect.gather [spmem:s2], $0x40, s24, s17, $0xb8;
	[tilespmem:$0x1DC00] =	vst v63  }
0x30: {  	_ =	swait.ge [sflag:s22], $0x1400  }
0x31: {  	[sflag:s22] =	ssyncset.done $0x0  }
0x32: {  	[sflag:s22] =	ssyncadd.s32 $0xFFFFEC00  }
0x33: {  	[spmem:s3] =	stream.indirect.scatter.add.f32 [tilespmem:s18], [sflag:$0x5], $0x40, s12, s17, $0xb8;
	[tilespmem:$0x1DC00] =	vst v63  }
0x34: {  	s8 =	simm.s32 $0xF0  }
0x35: {  	[tilespmem:s26], [sflag:$0x4] =	stream.indirect.gather [spmem:s2], $0x40, s8, s17, $0xb8;
	[tilespmem:$0x1DC00] =	vst v63  }
0x36: {  	_ =	swait.ge [sflag:s28], $0x1400  }
0x37: {  	[sflag:s28] =	ssyncset.done $0x0  }
0x38: {  	s24 =	simm.s32 $0x2850;
	[sflag:s28] =	ssyncadd.s32 $0xFFFFEC00  }
0x39: {  	[spmem:s3] =	stream.indirect.scatter.add.f32 [tilespmem:s19], [sflag:$0x6], $0x40, s24, s17, $0xb8;
	[tilespmem:$0x1DC00] =	vst v63  }
0x3a: {  	_ =	swait.ge [sflag:s30], $0x1400  }
0x3b: {  	[sflag:s30] =	ssyncset.done $0x0  }
0x3c: {  	s8 =	simm.s32 $0x140;
	[sflag:s30] =	ssyncadd.s32 $0xFFFFEC00  }
0x3d: {  	[tilespmem:s18], [sflag:$0x1] =	stream.indirect.gather [spmem:s2], $0x40, s8, s17, $0xb8;
	[tilespmem:$0x1DC00] =	vst v63  }
0x3e: {  	_ =	swait.ge [sflag:s1], $0x1400  }
0x3f: {  	[sflag:s1] =	ssyncset.done $0x0  }
0x40: {  	s24 =	simm.s32 $0x28A0;
	[sflag:s1] =	ssyncadd.s32 $0xFFFFEC00  }
0x41: {  	[spmem:s3] =	stream.indirect.scatter.add.f32 [tilespmem:s21], [sflag:$0x7], $0x40, s24, s17, $0xb8;
	[tilespmem:$0x1DC00] =	vst v63  }
0x42: {  	_ =	swait.ge [sflag:s5], $0x1400  }
0x43: {  	[sflag:s5] =	ssyncset.done $0x0  }
0x44: {  	[sflag:s5] =	ssyncadd.s32 $0xFFFFEC00  }
0x45: {  	[tilespmem:s19], [sflag:$0x2] =	stream.indirect.gather [spmem:s2], $0x40, s6, s17, $0xb8;
	[tilespmem:$0x1DC00] =	vst v63  }
0x46: {  	_ =	swait.ge [sflag:s10], $0x1400  }
0x47: {  	[sflag:s10] =	ssyncset.done $0x0  }
0x48: {  	[sflag:s10] =	ssyncadd.s32 $0xFFFFEC00  }
0x49: {  	[spmem:s3] =	stream.indirect.scatter.add.f32 [tilespmem:s26], [sflag:$0x8], $0x40, s20, s17, $0xb8;
	[tilespmem:$0x1DC00] =	vst v63  }
0x4a: {  	_ =	swait.ge [sflag:s7], $0x1400  }
0x4b: {  	[sflag:s7] =	ssyncset.done $0x0  }
0x4c: {  	[sflag:s7] =	ssyncadd.s32 $0xFFFFEC00  }
0x4d: {  	[tilespmem:s21], [sflag:$0x3] =	stream.indirect.gather [spmem:s2], $0x40, s25, s17, $0xb8;
	[tilespmem:$0x1DC00] =	vst v63  }
0x4e: {  	_ =	swait.ge [sflag:s22], $0x1400  }
0x4f: {  	[sflag:s22] =	ssyncset.done $0x0  }
0x50: {  	s8 =	simm.s32 $0x2940;
	[sflag:s22] =	ssyncadd.s32 $0xFFFFEC00  }
0x51: {  	[spmem:s3] =	stream.indirect.scatter.add.f32 [tilespmem:s18], [sflag:$0x5], $0x40, s8, s17, $0xb8;
	[tilespmem:$0x1DC00] =	vst v63  }
0x52: {  	_ =	swait.ge [sflag:s29], $0x1400  }
0x53: {  	[sflag:s29] =	ssyncset.done $0x0  }
0x54: {  	s0 =	simm.s32 $0x230;
	[sflag:s29] =	ssyncadd.s32 $0xFFFFEC00  }
0x55: {  	[tilespmem:s26], [sflag:$0x4] =	stream.indirect.gather [spmem:s2], $0x40, s0, s17, $0xb8;
	[tilespmem:$0x1DC00] =	vst v63  }
0x56: {  	_ =	swait.ge [sflag:s28], $0x1400  }
0x57: {  	[sflag:s28] =	ssyncset.done $0x0  }
0x58: {  	s24 =	simm.s32 $0x2990;
	[sflag:s28] =	ssyncadd.s32 $0xFFFFEC00  }
0x59: {  	[spmem:s3] =	stream.indirect.scatter.add.f32 [tilespmem:s19], [sflag:$0x6], $0x40, s24, s17, $0xb8;
	[tilespmem:$0x1DC00] =	vst v63  }
0x5a: {  	_ =	swait.ge [sflag:s30], $0x1400  }
0x5b: {  	[sflag:s30] =	ssyncset.done $0x0  }
0x5c: {  	s0 =	simm.s32 $0x280;
	[sflag:s30] =	ssyncadd.s32 $0xFFFFEC00  }
0x5d: {  	[tilespmem:s18], [sflag:$0x1] =	stream.indirect.gather [spmem:s2], $0x40, s0, s17, $0xb8;
	[tilespmem:$0x1DC00] =	vst v63  }
0x5e: {  	_ =	swait.ge [sflag:s1], $0x1400  }
0x5f: {  	[sflag:s1] =	ssyncset.done $0x0  }
0x60: {  	s24 =	simm.s32 $0x29E0;
	[sflag:s1] =	ssyncadd.s32 $0xFFFFEC00  }
0x61: {  	[spmem:s3] =	stream.indirect.scatter.add.f32 [tilespmem:s21], [sflag:$0x7], $0x40, s24, s17, $0xb8;
	[tilespmem:$0x1DC00] =	vst v63  }
0x62: {  	_ =	swait.ge [sflag:s5], $0x1400  }
0x63: {  	[sflag:s5] =	ssyncset.done $0x0  }
0x64: {  	s0 =	simm.s32 $0x2D0;
	[sflag:s5] =	ssyncadd.s32 $0xFFFFEC00  }
0x65: {  	[tilespmem:s19], [sflag:$0x2] =	stream.indirect.gather [spmem:s2], $0x40, s0, s17, $0xb8;
	[tilespmem:$0x1DC00] =	vst v63  }
0x66: {  	_ =	swait.ge [sflag:s10], $0x1400  }
0x67: {  	[sflag:s10] =	ssyncset.done $0x0  }
0x68: {  	s24 =	simm.s32 $0x2A30;
	[sflag:s10] =	ssyncadd.s32 $0xFFFFEC00  }
0x69: {  	[spmem:s3] =	stream.indirect.scatter.add.f32 [tilespmem:s26], [sflag:$0x8], $0x40, s24, s17, $0xb8;
	[tilespmem:$0x1DC00] =	vst v63  }
0x6a: {  	_ =	swait.ge [sflag:s7], $0x1400  }
0x6b: {  	[sflag:s7] =	ssyncset.done $0x0  }
0x6c: {  	s8 =	simm.s32 $0x500;
	s24 =	simm.s32 $0x320;
	[sflag:s7] =	ssyncadd.s32 $0xFFFFEC00  }
.LBB2_2:
0x6d: {  	[tilespmem:s21], [sflag:$0x3] =	stream.indirect.gather [spmem:s2], $0x40, s24, s17, $0xb8;
	[tilespmem:$0x1DC00] =	vst v63  }
0x6e: {  	s24 =	smov.u32 s8;
	s8 =	sadd.s32 $0x500, s8;
	_ =	swait.ge [sflag:s22], $0x1400  }
0x6f: {  	s24 =	sshra.s32 s24, $0x2;
	p1 =	sne.s32 s8, $0x9600;
	[sflag:s22] =	ssyncset.done $0x0  }
0x70: {  	s0 =	sadd.s32 $0x2940, s24;
	[sflag:s22] =	ssyncadd.s32 $0xFFFFEC00  }
0x71: {  	[spmem:s3] =	stream.indirect.scatter.add.f32 [tilespmem:s18], [sflag:$0x5], $0x40, s0, s17, $0xb8;
	[tilespmem:$0x1DC00] =	vst v63  }
0x72: {  	_ =	swait.ge [sflag:s29], $0x1400  }
0x73: {  	[sflag:s29] =	ssyncset.done $0x0  }
0x74: {  	s0 =	sadd.s32 $0x230, s24;
	[sflag:s29] =	ssyncadd.s32 $0xFFFFEC00  }
0x75: {  	[tilespmem:s26], [sflag:$0x4] =	stream.indirect.gather [spmem:s2], $0x40, s0, s17, $0xb8;
	[tilespmem:$0x1DC00] =	vst v63  }
0x76: {  	_ =	swait.ge [sflag:s28], $0x1400  }
0x77: {  	[sflag:s28] =	ssyncset.done $0x0  }
0x78: {  	s0 =	sadd.s32 $0x2990, s24;
	[sflag:s28] =	ssyncadd.s32 $0xFFFFEC00  }
0x79: {  	[spmem:s3] =	stream.indirect.scatter.add.f32 [tilespmem:s19], [sflag:$0x6], $0x40, s0, s17, $0xb8;
	[tilespmem:$0x1DC00] =	vst v63  }
0x7a: {  	_ =	swait.ge [sflag:s30], $0x1400  }
0x7b: {  	[sflag:s30] =	ssyncset.done $0x0  }
0x7c: {  	s0 =	sadd.s32 $0x280, s24;
	[sflag:s30] =	ssyncadd.s32 $0xFFFFEC00  }
0x7d: {  	[tilespmem:s18], [sflag:$0x1] =	stream.indirect.gather [spmem:s2], $0x40, s0, s17, $0xb8;
	[tilespmem:$0x1DC00] =	vst v63  }
0x7e: {  	_ =	swait.ge [sflag:s1], $0x1400  }
0x7f: {  	[sflag:s1] =	ssyncset.done $0x0  }
0x80: {  	s0 =	sadd.s32 $0x29E0, s24;
	[sflag:s1] =	ssyncadd.s32 $0xFFFFEC00  }
0x81: {  	[spmem:s3] =	stream.indirect.scatter.add.f32 [tilespmem:s21], [sflag:$0x7], $0x40, s0, s17, $0xb8;
	[tilespmem:$0x1DC00] =	vst v63  }
0x82: {  	_ =	swait.ge [sflag:s5], $0x1400  }
0x83: {  	[sflag:s5] =	ssyncset.done $0x0  }
0x84: {  	s0 =	sadd.s32 $0x2D0, s24;
	[sflag:s5] =	ssyncadd.s32 $0xFFFFEC00  }
0x85: {  	[tilespmem:s19], [sflag:$0x2] =	stream.indirect.gather [spmem:s2], $0x40, s0, s17, $0xb8;
	[tilespmem:$0x1DC00] =	vst v63  }
0x86: {  	_ =	swait.ge [sflag:s10], $0x1400  }
0x87: {  	[sflag:s10] =	ssyncset.done $0x0  }
.Ltmp0:
0x88: {  	s0 =	sadd.s32 $0x2A30, s24;
	[sflag:s10] =	ssyncadd.s32 $0xFFFFEC00;
	(pc) =	sbr.rel @p1 .LBB2_2-.Ltmp0, $4  }
0x89: {  	[spmem:s3] =	stream.indirect.scatter.add.f32 [tilespmem:s26], [sflag:$0x8], $0x40, s0, s17, $0xb8;
	[tilespmem:$0x1DC00] =	vst v63  }
0x8a: {  	_ =	swait.ge [sflag:s7], $0x1400  }
0x8b: {  	[sflag:s7] =	ssyncset.done $0x0  }
0x8c: {  	s24 =	sadd.s32 $0x320, s24;
	[sflag:s7] =	ssyncadd.s32 $0xFFFFEC00  }
0x8d: {  	[tilespmem:s21], [sflag:$0x3] =	stream.indirect.gather [spmem:s2], $0x40, s24, s17, $0xb8;
	[tilespmem:$0x1DC00] =	vst v63  }
0x8e: {  	_ =	swait.ge [sflag:s22], $0x1400  }
0x8f: {  	s0 =	sshra.s32 s8, $0x2;
	[sflag:s22] =	ssyncset.done $0x0  }
0x90: {  	s8 =	sadd.s32 $0x2940, s0;
	[sflag:s22] =	ssyncadd.s32 $0xFFFFEC00  }
0x91: {  	[spmem:s3] =	stream.indirect.scatter.add.f32 [tilespmem:s18], [sflag:$0x5], $0x40, s8, s17, $0xb8;
	[tilespmem:$0x1DC00] =	vst v63  }
0x92: {  	_ =	swait.ge [sflag:s29], $0x1400  }
0x93: {  	[sflag:s29] =	ssyncset.done $0x0  }
0x94: {  	s24 =	sadd.s32 $0x230, s0;
	[sflag:s29] =	ssyncadd.s32 $0xFFFFEC00  }
0x95: {  	[tilespmem:s26], [sflag:$0x4] =	stream.indirect.gather [spmem:s2], $0x40, s24, s17, $0xb8;
	[tilespmem:$0x1DC00] =	vst v63  }
0x96: {  	_ =	swait.ge [sflag:s28], $0x1400  }
0x97: {  	[sflag:s28] =	ssyncset.done $0x0  }
0x98: {  	s24 =	sadd.s32 $0x2990, s0;
	[sflag:s28] =	ssyncadd.s32 $0xFFFFEC00  }
0x99: {  	[spmem:s3] =	stream.indirect.scatter.add.f32 [tilespmem:s19], [sflag:$0x6], $0x40, s24, s17, $0xb8;
	[tilespmem:$0x1DC00] =	vst v63  }
0x9a: {  	_ =	swait.ge [sflag:s30], $0x1400  }
0x9b: {  	[sflag:s30] =	ssyncset.done $0x0  }
0x9c: {  	[sflag:s30] =	ssyncadd.s32 $0xFFFFEC00  }
0x9d: {  	[tilespmem:s18], [sflag:$0x1] =	stream.indirect.gather [spmem:s2], $0x40, s31, s17, $0xb8;
	[tilespmem:$0x1DC00] =	vst v63  }
0x9e: {  	_ =	swait.ge [sflag:s1], $0x1400  }
0x9f: {  	[sflag:s1] =	ssyncset.done $0x0  }
0xa0: {  	s24 =	sadd.s32 $0x29E0, s0;
	[sflag:s1] =	ssyncadd.s32 $0xFFFFEC00  }
0xa1: {  	[spmem:s3] =	stream.indirect.scatter.add.f32 [tilespmem:s21], [sflag:$0x7], $0x40, s24, s17, $0xb8;
	[tilespmem:$0x1DC00] =	vst v63  }
0xa2: {  	_ =	swait.ge [sflag:s5], $0x1400  }
0xa3: {  	[sflag:s5] =	ssyncset.done $0x0  }
0xa4: {  	[sflag:s5] =	ssyncadd.s32 $0xFFFFEC00  }
0xa5: {  	[tilespmem:s19], [sflag:$0x2] =	stream.indirect.gather [spmem:s2], $0x40, s31, s17, $0xb8;
	[tilespmem:$0x1DC00] =	vst v63  }
0xa6: {  	_ =	swait.ge [sflag:s10], $0x1400  }
0xa7: {  	[sflag:s10] =	ssyncset.done $0x0  }
0xa8: {  	s0 =	sadd.s32 $0x2A30, s0;
	[sflag:s10] =	ssyncadd.s32 $0xFFFFEC00  }
0xa9: {  	[spmem:s3] =	stream.indirect.scatter.add.f32 [tilespmem:s26], [sflag:$0x8], $0x40, s0, s17, $0xb8;
	[tilespmem:$0x1DC00] =	vst v63  }
0xaa: {  	_ =	swait.ge [sflag:s7], $0x1400  }
0xab: {  	[sflag:s7] =	ssyncset.done $0x0  }
0xac: {  	[sflag:s7] =	ssyncadd.s32 $0xFFFFEC00  }
0xad: {  	[tilespmem:s21], [sflag:$0x3] =	stream.indirect.gather [spmem:s2], $0x40, s31, s17, $0xb8;
	[tilespmem:$0x1DC00] =	vst v63  }
0xae: {  	_ =	swait.ge [sflag:s29], $0x1400  }
0xaf: {  	[sflag:s29] =	ssyncset.done $0x0  }
0xb0: {  	[sflag:s29] =	ssyncadd.s32 $0xFFFFEC00  }
0xb1: {  	_ =	swait.ge [sflag:s22], $0x1400  }
0xb2: {  	[sflag:s22] =	ssyncset.done $0x0  }
0xb3: {  	[sflag:s22] =	ssyncadd.s32 $0xFFFFEC00  }
0xb4: {  	_ =	swait.ge [sflag:s28], $0x1400  }
0xb5: {  	[sflag:s28] =	ssyncset.done $0x0  }
0xb6: {  	[sflag:s28] =	ssyncadd.s32 $0xFFFFEC00  }
0xb7: {  	_ =	swait.ge [sflag:s1], $0x1400  }
0xb8: {  	[sflag:s1] =	ssyncset.done $0x0  }
0xb9: {  	[sflag:s1] =	ssyncadd.s32 $0xFFFFEC00  }
0xba: {  	[bflag:$0x0] =	sbarrier.arrive $0xFFFF  }
0xbb: {  	s8 =	rddreg [dreg:$0xa]  }
0xbc: {  	[hbm:s8], [sflag:s13] =	dma.local [spmem:s16], $0x13C0  }
0xbd: {  	_ =	swait.ge [sflag:s11], $0x13C0  }
0xbe: {  	[sflag:s11] =	ssyncset.done $0x0  }
0xbf: {  	[sflag:s11] =	ssyncadd.s32 $0xFFFFEC40  }
0xc0: {  	[spmem:s14], [sflag:s13] =	dma.local [hbm:s9], $0x13C0  }
0xc1: {  	_ =	swait.ge [sflag:s11], $0x13C0  }
0xc2: {  	[sflag:s11] =	ssyncset.done $0x0;
	s0 =	rddreg [dreg:$0x8]  }
0xc3: {  	[sflag:s11] =	ssyncadd.s32 $0xFFFFEC40;
	s0 =	smov.u32 @p0 s9  }
0xc4: {  	[spmem:s16], [sflag:s13] =	dma.local [hbm:s0], $0x13C0  }
0xc5: {  	_ =	swait.ge [sflag:s11], $0x13C0  }
0xc6: {  	[sflag:s11] =	ssyncset.done $0x0  }
0xc7: {  	[sflag:s11] =	ssyncadd.s32 $0xFFFFEC40  }
0xc8: {  	s24 =	simm.s32 $0x0;
	[bflag:$0x0] =	sbarrier.arrive $0xFFFF  }
0xc9: {  	[tilespmem:s18], [sflag:$0x1] =	stream.indirect.gather [spmem:s2], $0x40, s24, s17, $0xb8;
	[tilespmem:$0x1DC00] =	vst v63  }
0xca: {  	_ = 	snop  }
0xcb: {  	[tilespmem:s19], [sflag:$0x2] =	stream.indirect.gather [spmem:s2], $0x40, s17, s17, $0xb8;
	[tilespmem:$0x1DC00] =	vst v63  }
0xcc: {  	s8 =	simm.s32 $0xA0  }
0xcd: {  	[tilespmem:s21], [sflag:$0x3] =	stream.indirect.gather [spmem:s2], $0x40, s8, s17, $0xb8;
	[tilespmem:$0x1DC00] =	vst v63  }
0xce: {  	_ =	swait.ge [sflag:s22], $0x1400  }
0xcf: {  	[sflag:s22] =	ssyncset.done $0x0  }
0xd0: {  	[sflag:s22] =	ssyncadd.s32 $0xFFFFEC00  }
0xd1: {  	[spmem:s3] =	stream.indirect.scatter.add.f32 [tilespmem:s18], [sflag:$0x5], $0x40, s12, s17, $0xb8;
	[tilespmem:$0x1DC00] =	vst v63  }
0xd2: {  	s24 =	simm.s32 $0xF0  }
0xd3: {  	[tilespmem:s26], [sflag:$0x4] =	stream.indirect.gather [spmem:s2], $0x40, s24, s17, $0xb8;
	[tilespmem:$0x1DC00] =	vst v63  }
0xd4: {  	_ =	swait.ge [sflag:s28], $0x1400  }
0xd5: {  	[sflag:s28] =	ssyncset.done $0x0  }
0xd6: {  	s8 =	simm.s32 $0x2850;
	[sflag:s28] =	ssyncadd.s32 $0xFFFFEC00  }
0xd7: {  	[spmem:s3] =	stream.indirect.scatter.add.f32 [tilespmem:s19], [sflag:$0x6], $0x40, s8, s17, $0xb8;
	[tilespmem:$0x1DC00] =	vst v63  }
0xd8: {  	_ =	swait.ge [sflag:s30], $0x1400  }
0xd9: {  	[sflag:s30] =	ssyncset.done $0x0  }
0xda: {  	s24 =	simm.s32 $0x140;
	[sflag:s30] =	ssyncadd.s32 $0xFFFFEC00  }
0xdb: {  	[tilespmem:s18], [sflag:$0x1] =	stream.indirect.gather [spmem:s2], $0x40, s24, s17, $0xb8;
	[tilespmem:$0x1DC00] =	vst v63  }
0xdc: {  	_ =	swait.ge [sflag:s1], $0x1400  }
0xdd: {  	[sflag:s1] =	ssyncset.done $0x0  }
0xde: {  	s8 =	simm.s32 $0x28A0;
	[sflag:s1] =	ssyncadd.s32 $0xFFFFEC00  }
0xdf: {  	[spmem:s3] =	stream.indirect.scatter.add.f32 [tilespmem:s21], [sflag:$0x7], $0x40, s8, s17, $0xb8;
	[tilespmem:$0x1DC00] =	vst v63  }
0xe0: {  	_ =	swait.ge [sflag:s5], $0x1400  }
0xe1: {  	[sflag:s5] =	ssyncset.done $0x0  }
0xe2: {  	[sflag:s5] =	ssyncadd.s32 $0xFFFFEC00  }
0xe3: {  	[tilespmem:s19], [sflag:$0x2] =	stream.indirect.gather [spmem:s2], $0x40, s6, s17, $0xb8;
	[tilespmem:$0x1DC00] =	vst v63  }
0xe4: {  	_ =	swait.ge [sflag:s10], $0x1400  }
0xe5: {  	[sflag:s10] =	ssyncset.done $0x0  }
0xe6: {  	[sflag:s10] =	ssyncadd.s32 $0xFFFFEC00  }
0xe7: {  	[spmem:s3] =	stream.indirect.scatter.add.f32 [tilespmem:s26], [sflag:$0x8], $0x40, s20, s17, $0xb8;
	[tilespmem:$0x1DC00] =	vst v63  }
0xe8: {  	_ =	swait.ge [sflag:s7], $0x1400  }
0xe9: {  	[sflag:s7] =	ssyncset.done $0x0  }
0xea: {  	[sflag:s7] =	ssyncadd.s32 $0xFFFFEC00  }
0xeb: {  	[tilespmem:s21], [sflag:$0x3] =	stream.indirect.gather [spmem:s2], $0x40, s25, s17, $0xb8;
	[tilespmem:$0x1DC00] =	vst v63  }
0xec: {  	_ =	swait.ge [sflag:s22], $0x1400  }
0xed: {  	[sflag:s22] =	ssyncset.done $0x0  }
0xee: {  	s24 =	simm.s32 $0x2940;
	[sflag:s22] =	ssyncadd.s32 $0xFFFFEC00  }
0xef: {  	[spmem:s3] =	stream.indirect.scatter.add.f32 [tilespmem:s18], [sflag:$0x5], $0x40, s24, s17, $0xb8;
	[tilespmem:$0x1DC00] =	vst v63  }
0xf0: {  	_ =	swait.ge [sflag:s29], $0x1400  }
0xf1: {  	[sflag:s29] =	ssyncset.done $0x0  }
0xf2: {  	s8 =	simm.s32 $0x230;
	[sflag:s29] =	ssyncadd.s32 $0xFFFFEC00  }
0xf3: {  	[tilespmem:s26], [sflag:$0x4] =	stream.indirect.gather [spmem:s2], $0x40, s8, s17, $0xb8;
	[tilespmem:$0x1DC00] =	vst v63  }
0xf4: {  	_ =	swait.ge [sflag:s28], $0x1400  }
0xf5: {  	[sflag:s28] =	ssyncset.done $0x0  }
0xf6: {  	s24 =	simm.s32 $0x2990;
	[sflag:s28] =	ssyncadd.s32 $0xFFFFEC00  }
0xf7: {  	[spmem:s3] =	stream.indirect.scatter.add.f32 [tilespmem:s19], [sflag:$0x6], $0x40, s24, s17, $0xb8;
	[tilespmem:$0x1DC00] =	vst v63  }
0xf8: {  	_ =	swait.ge [sflag:s30], $0x1400  }
0xf9: {  	[sflag:s30] =	ssyncset.done $0x0  }
0xfa: {  	s8 =	simm.s32 $0x280;
	[sflag:s30] =	ssyncadd.s32 $0xFFFFEC00  }
0xfb: {  	[tilespmem:s18], [sflag:$0x1] =	stream.indirect.gather [spmem:s2], $0x40, s8, s17, $0xb8;
	[tilespmem:$0x1DC00] =	vst v63  }
0xfc: {  	_ =	swait.ge [sflag:s1], $0x1400  }
0xfd: {  	[sflag:s1] =	ssyncset.done $0x0  }
0xfe: {  	s24 =	simm.s32 $0x29E0;
	[sflag:s1] =	ssyncadd.s32 $0xFFFFEC00  }
0xff: {  	[spmem:s3] =	stream.indirect.scatter.add.f32 [tilespmem:s21], [sflag:$0x7], $0x40, s24, s17, $0xb8;
	[tilespmem:$0x1DC00] =	vst v63  }
0x100: {  	_ =	swait.ge [sflag:s5], $0x1400  }
0x101: {  	[sflag:s5] =	ssyncset.done $0x0  }
0x102: {  	s8 =	simm.s32 $0x2D0;
	[sflag:s5] =	ssyncadd.s32 $0xFFFFEC00  }
0x103: {  	[tilespmem:s19], [sflag:$0x2] =	stream.indirect.gather [spmem:s2], $0x40, s8, s17, $0xb8;
	[tilespmem:$0x1DC00] =	vst v63  }
0x104: {  	_ =	swait.ge [sflag:s10], $0x1400  }
0x105: {  	[sflag:s10] =	ssyncset.done $0x0  }
0x106: {  	s24 =	simm.s32 $0x2A30;
	[sflag:s10] =	ssyncadd.s32 $0xFFFFEC00  }
0x107: {  	[spmem:s3] =	stream.indirect.scatter.add.f32 [tilespmem:s26], [sflag:$0x8], $0x40, s24, s17, $0xb8;
	[tilespmem:$0x1DC00] =	vst v63  }
0x108: {  	_ =	swait.ge [sflag:s7], $0x1400  }
0x109: {  	[sflag:s7] =	ssyncset.done $0x0  }
0x10a: {  	s8 =	simm.s32 $0x500;
	s24 =	simm.s32 $0x320;
	[sflag:s7] =	ssyncadd.s32 $0xFFFFEC00  }
.LBB2_4:
0x10b: {  	[tilespmem:s21], [sflag:$0x3] =	stream.indirect.gather [spmem:s2], $0x40, s24, s17, $0xb8;
	[tilespmem:$0x1DC00] =	vst v63  }
0x10c: {  	s0 =	smov.u32 s8;
	s8 =	sadd.s32 $0x500, s8;
	_ =	swait.ge [sflag:s22], $0x1400  }
0x10d: {  	s24 =	sshra.s32 s0, $0x2;
	p1 =	sne.s32 s8, $0x9600;
	[sflag:s22] =	ssyncset.done $0x0  }
0x10e: {  	s0 =	sadd.s32 $0x2940, s24;
	[sflag:s22] =	ssyncadd.s32 $0xFFFFEC00  }
0x10f: {  	[spmem:s3] =	stream.indirect.scatter.add.f32 [tilespmem:s18], [sflag:$0x5], $0x40, s0, s17, $0xb8;
	[tilespmem:$0x1DC00] =	vst v63  }
0x110: {  	_ =	swait.ge [sflag:s29], $0x1400  }
0x111: {  	[sflag:s29] =	ssyncset.done $0x0  }
0x112: {  	s0 =	sadd.s32 $0x230, s24;
	[sflag:s29] =	ssyncadd.s32 $0xFFFFEC00  }
0x113: {  	[tilespmem:s26], [sflag:$0x4] =	stream.indirect.gather [spmem:s2], $0x40, s0, s17, $0xb8;
	[tilespmem:$0x1DC00] =	vst v63  }
0x114: {  	_ =	swait.ge [sflag:s28], $0x1400  }
0x115: {  	[sflag:s28] =	ssyncset.done $0x0  }
0x116: {  	s0 =	sadd.s32 $0x2990, s24;
	[sflag:s28] =	ssyncadd.s32 $0xFFFFEC00  }
0x117: {  	[spmem:s3] =	stream.indirect.scatter.add.f32 [tilespmem:s19], [sflag:$0x6], $0x40, s0, s17, $0xb8;
	[tilespmem:$0x1DC00] =	vst v63  }
0x118: {  	_ =	swait.ge [sflag:s30], $0x1400  }
0x119: {  	[sflag:s30] =	ssyncset.done $0x0  }
0x11a: {  	s0 =	sadd.s32 $0x280, s24;
	[sflag:s30] =	ssyncadd.s32 $0xFFFFEC00  }
0x11b: {  	[tilespmem:s18], [sflag:$0x1] =	stream.indirect.gather [spmem:s2], $0x40, s0, s17, $0xb8;
	[tilespmem:$0x1DC00] =	vst v63  }
0x11c: {  	_ =	swait.ge [sflag:s1], $0x1400  }
0x11d: {  	[sflag:s1] =	ssyncset.done $0x0  }
0x11e: {  	s0 =	sadd.s32 $0x29E0, s24;
	[sflag:s1] =	ssyncadd.s32 $0xFFFFEC00  }
0x11f: {  	[spmem:s3] =	stream.indirect.scatter.add.f32 [tilespmem:s21], [sflag:$0x7], $0x40, s0, s17, $0xb8;
	[tilespmem:$0x1DC00] =	vst v63  }
0x120: {  	_ =	swait.ge [sflag:s5], $0x1400  }
0x121: {  	[sflag:s5] =	ssyncset.done $0x0  }
0x122: {  	s0 =	sadd.s32 $0x2D0, s24;
	[sflag:s5] =	ssyncadd.s32 $0xFFFFEC00  }
0x123: {  	[tilespmem:s19], [sflag:$0x2] =	stream.indirect.gather [spmem:s2], $0x40, s0, s17, $0xb8;
	[tilespmem:$0x1DC00] =	vst v63  }
0x124: {  	_ =	swait.ge [sflag:s10], $0x1400  }
0x125: {  	[sflag:s10] =	ssyncset.done $0x0  }
.Ltmp1:
0x126: {  	s0 =	sadd.s32 $0x2A30, s24;
	[sflag:s10] =	ssyncadd.s32 $0xFFFFEC00;
	(pc) =	sbr.rel @p1 .LBB2_4-.Ltmp1, $4  }
0x127: {  	[spmem:s3] =	stream.indirect.scatter.add.f32 [tilespmem:s26], [sflag:$0x8], $0x40, s0, s17, $0xb8;
	[tilespmem:$0x1DC00] =	vst v63  }
0x128: {  	_ =	swait.ge [sflag:s7], $0x1400  }
0x129: {  	[sflag:s7] =	ssyncset.done $0x0  }
0x12a: {  	s24 =	sadd.s32 $0x320, s24;
	[sflag:s7] =	ssyncadd.s32 $0xFFFFEC00  }
0x12b: {  	[tilespmem:s21], [sflag:$0x3] =	stream.indirect.gather [spmem:s2], $0x40, s24, s17, $0xb8;
	[tilespmem:$0x1DC00] =	vst v63  }
0x12c: {  	_ =	swait.ge [sflag:s22], $0x1400  }
0x12d: {  	s0 =	sshra.s32 s8, $0x2;
	[sflag:s22] =	ssyncset.done $0x0  }
0x12e: {  	s8 =	sadd.s32 $0x2940, s0;
	[sflag:s22] =	ssyncadd.s32 $0xFFFFEC00  }
0x12f: {  	[spmem:s3] =	stream.indirect.scatter.add.f32 [tilespmem:s18], [sflag:$0x5], $0x40, s8, s17, $0xb8;
	[tilespmem:$0x1DC00] =	vst v63  }
0x130: {  	_ =	swait.ge [sflag:s29], $0x1400  }
0x131: {  	[sflag:s29] =	ssyncset.done $0x0  }
0x132: {  	s24 =	sadd.s32 $0x230, s0;
	[sflag:s29] =	ssyncadd.s32 $0xFFFFEC00  }
0x133: {  	[tilespmem:s26], [sflag:$0x4] =	stream.indirect.gather [spmem:s2], $0x40, s24, s17, $0xb8;
	[tilespmem:$0x1DC00] =	vst v63  }
0x134: {  	_ =	swait.ge [sflag:s28], $0x1400  }
0x135: {  	[sflag:s28] =	ssyncset.done $0x0  }
0x136: {  	s24 =	sadd.s32 $0x2990, s0;
	[sflag:s28] =	ssyncadd.s32 $0xFFFFEC00  }
0x137: {  	[spmem:s3] =	stream.indirect.scatter.add.f32 [tilespmem:s19], [sflag:$0x6], $0x40, s24, s17, $0xb8;
	[tilespmem:$0x1DC00] =	vst v63  }
0x138: {  	_ =	swait.ge [sflag:s30], $0x1400  }
0x139: {  	[sflag:s30] =	ssyncset.done $0x0  }
0x13a: {  	[sflag:s30] =	ssyncadd.s32 $0xFFFFEC00  }
0x13b: {  	[tilespmem:s18], [sflag:$0x1] =	stream.indirect.gather [spmem:s2], $0x40, s31, s17, $0xb8;
	[tilespmem:$0x1DC00] =	vst v63  }
0x13c: {  	_ =	swait.ge [sflag:s1], $0x1400  }
0x13d: {  	[sflag:s1] =	ssyncset.done $0x0  }
0x13e: {  	s24 =	sadd.s32 $0x29E0, s0;
	[sflag:s1] =	ssyncadd.s32 $0xFFFFEC00  }
0x13f: {  	[spmem:s3] =	stream.indirect.scatter.add.f32 [tilespmem:s21], [sflag:$0x7], $0x40, s24, s17, $0xb8;
	[tilespmem:$0x1DC00] =	vst v63  }
0x140: {  	_ =	swait.ge [sflag:s5], $0x1400  }
0x141: {  	[sflag:s5] =	ssyncset.done $0x0  }
0x142: {  	[sflag:s5] =	ssyncadd.s32 $0xFFFFEC00  }
0x143: {  	[tilespmem:s19], [sflag:$0x2] =	stream.indirect.gather [spmem:s2], $0x40, s31, s17, $0xb8;
	[tilespmem:$0x1DC00] =	vst v63  }
0x144: {  	_ =	swait.ge [sflag:s10], $0x1400  }
0x145: {  	[sflag:s10] =	ssyncset.done $0x0  }
0x146: {  	s0 =	sadd.s32 $0x2A30, s0;
	[sflag:s10] =	ssyncadd.s32 $0xFFFFEC00  }
0x147: {  	[spmem:s3] =	stream.indirect.scatter.add.f32 [tilespmem:s26], [sflag:$0x8], $0x40, s0, s17, $0xb8;
	[tilespmem:$0x1DC00] =	vst v63  }
0x148: {  	_ =	swait.ge [sflag:s7], $0x1400  }
0x149: {  	[sflag:s7] =	ssyncset.done $0x0  }
0x14a: {  	[sflag:s7] =	ssyncadd.s32 $0xFFFFEC00  }
0x14b: {  	[tilespmem:s21], [sflag:$0x3] =	stream.indirect.gather [spmem:s2], $0x40, s31, s17, $0xb8;
	[tilespmem:$0x1DC00] =	vst v63  }
0x14c: {  	_ =	swait.ge [sflag:s29], $0x1400  }
0x14d: {  	[sflag:s29] =	ssyncset.done $0x0  }
0x14e: {  	[sflag:s29] =	ssyncadd.s32 $0xFFFFEC00  }
0x14f: {  	_ =	swait.ge [sflag:s22], $0x1400  }
0x150: {  	[sflag:s22] =	ssyncset.done $0x0  }
0x151: {  	[sflag:s22] =	ssyncadd.s32 $0xFFFFEC00  }
0x152: {  	_ =	swait.ge [sflag:s28], $0x1400  }
0x153: {  	[sflag:s28] =	ssyncset.done $0x0  }
0x154: {  	[sflag:s28] =	ssyncadd.s32 $0xFFFFEC00  }
0x155: {  	_ =	swait.ge [sflag:s1], $0x1400  }
0x156: {  	[sflag:s1] =	ssyncset.done $0x0  }
0x157: {  	[sflag:s1] =	ssyncadd.s32 $0xFFFFEC00  }
0x158: {  	[bflag:$0x0] =	sbarrier.arrive $0xFFFF  }
0x159: {  	s8 =	rddreg [dreg:$0xb]  }
0x15a: {  	[hbm:s8], [sflag:s13] =	dma.local [spmem:s16], $0x13C0  }
0x15b: {  	_ =	swait.ge [sflag:s11], $0x13C0  }
0x15c: {  	s23 =	sadd.s32 $0x1, s23;
	s24 =	rddreg [dreg:$0x9]  }
0x15d: {  	p1 =	sne.s32 s23, s24  }
.Ltmp2:
0x15e: {  	_ = 	snop;
	(pc) =	sbr.rel @p1 .LBB2_1-.Ltmp2, $3  }
0x15f: {  	_ =	sdelay $0x1  }
0x160: {  	[sflag:s11] =	ssyncset.done $0x0  }
0x161: {  	[sflag:s11] =	ssyncadd.s32 $0xFFFFEC40  }
0x162: {  	_ =	sfence.sel $0x180000  }
0x163: {  	[bflag:$0x0] =	sbarrier.arrive $0xFFFF  }
0x164: {  	_ =	strace $0x9000004A  }
0x165: {  	s0 =	stileid.u32;
	[bflag:$0x2] =	sbarrier.arrive $0xFFFF  }
0x166: {  	p0 =	sne.s32 s0, $0x0;
	s0 =	rddreg [dreg:$0x4]  }
0x167: {  	s0 =	sadd.s32 @!p0 $0x100000, s0  }
0x168: {  	[sflag:s0] =	ssyncadd.tile.s32 @!p0 $0x1;
	_ =	shalt  }
.Lfunc_end2:
_tile_overlayer_lowered:
.L_overlay_start_2:
0x169: {  	(tag) =	ssettag $0x2  }
0x16a: {  	s0 =	rddreg [dreg:$0x0];
	s2 =	stileid.u32  }
0x16b: {  	s1 =	rddreg [dreg:$0x1];
	p0 =	sne.s32 s2, $0x0  }
0x16c: {  	s3 =	rddreg [dreg:$0x2];
	[bflag:$0x3] =	sbarrier.arrive $0xFFFF;
	s2 =	simm.s32 @!p0 $0x1C09  }
0x16d: {  	[timem:s3], [sflag:s2] =	dma.local @!p0 [hbm:s0], s1  }
0x16e: {  	s0 =	simm.s32 @!p0 $0x9  }
0x16f: {  	_ =	swait.ge @!p0 [sflag:s0], s1  }
0x170: {  	s1 =	ssub.s32 @!p0 $0x0, s1;
	[sflag:s0] =	ssyncset.done @!p0 $0x0  }
0x171: {  	[sflag:s0] =	ssyncadd.s32 @!p0 s1  }
0x172: {  	[bflag:$0x3] =	sbarrier.arrive $0xFFFF  }
0x173: {  	_ =	shalt  }

// kernel: kernel.15.cloned.1.call-start
scs
__scs_entry_jumppad:
0x0: {  	(pc) =	sbr.rel $0x88, $3  }
0x1: {  	(tag) =	ssettag $0x0;
	lr =	simm.s32 $0x1  }
0x2: {  	[smem:$0x3F9B] =	sst lr;
	_ =	strace $0xD0000000  }
0x3: {  	_ = 	snop  }
0x4: {  	_ = 	snop  }
0x5: {  	_ = 	snop  }
0x6: {  	_ = 	snop  }
0x7: {  	_ = 	snop  }
__scs_overlays_trampoline_lowered:
0x8: {  	[smem:$0x3FAA] =	sst s0  }
0x9: {  	[smem:$0x3FAB] =	sst s1  }
0xa: {  	[smem:$0x3FAC] =	sst s2  }
0xb: {  	[smem:$0x3FAD] =	sst s3  }
0xc: {  	[smem:$0x3FAE] =	sst s4  }
0xd: {  	[smem:$0x3FAF] =	sst s5  }
0xe: {  	[smem:$0x3FB0] =	sst s6  }
0xf: {  	[smem:$0x3FB1] =	sst s7  }
0x10: {  	[smem:$0x3FB2] =	sst s8  }
0x11: {  	[smem:$0x3FB3] =	sst s9;
	s0 =	simm.s32 @!p0 $0x0  }
0x12: {  	s1 =	sld [smem:$0x3F99];
	s0 =	simm.s32 @p0 $0x1  }
0x13: {  	[smem:$0x3FB4] =	sst s0;
	s0 =	simm.s32 @!p1 $0x0  }
0x14: {  	s2 =	sld [smem:$0x3F98];
	s0 =	simm.s32 @p1 $0x1  }
0x15: {  	[smem:$0x3FB5] =	sst s0;
	s0 =	simm.s32 @!p2 $0x0  }
0x16: {  	s3 =	sld [smem:$0x3FDB];
	s0 =	simm.s32 @p2 $0x1  }
0x17: {  	s4 =	simm.s32 $0x1BF5;
	[smem:$0x3FB7] =	sst s0  }
0x18: {  	s0 =	sld [smem:$0x3F9A];
	_ =	swait.ge [sflag:s4], $0x0  }
0x19: {  	s7 =	sld [smem:$0x3F9B]  }
0x1a: {  	s8 =	sadd.s32 $0xFFFFE003, lr  }
0x1b: {  	s9 =	sadd.s32 $0xFFFFFEF7, lr;
	s5 =	simm.s32 $0xFFFFFFFF;
	p2 =	slt.u32 s8, $0xFFFFF086  }
0x1c: {  	p1 =	slt.u32 s9, $0xF7A;
	s5 =	simm.s32 @!p2 $0x0  }
0x1d: {  	s5 =	simm.s32 @p1 $0x1;
	p0 =	seq.s32 s7, s2  }
0x1e: {  	s7 =	smul.u32 @!p0 $0xF7A, s2;
	p2 =	seq.s32 @!p0 s5, $0x0  }
0x1f: {  	s9 =	smul.u32 $0xF7A, s1;
	s8 =	simm.s32 @!p0 $0x1BF5;
	p2 =	por !p2, p0  }
0x20: {  	[sflag:s8] =	ssyncset.s32 @!p0 $0xFFFFF086;
	s6 =	sadd.s32 @!p0 s3, s7;
	s7 =	simm.s32 @!p0 $0x108  }
0x21: {  	s3 =	sadd.s32 s3, s9;
	s6 =	sadd.s32 @!p0 $0x88, s6;
	s7 =	simm.s32 @p2 $0x1082  }
0x22: {  	[simem:s7], [sflag:s8] =	dma.local @!p0 [hbm:s6], $0xF7A  }
0x23: {  	s9 =	sor.u32 $0xD0000000, s2;
	s6 =	simm.s32 $0x108;
	_ =	swait.ge @!p0 [sflag:s8], $0x0  }
0x24: {  	s3 =	sadd.s32 $0x88, s3;
	s6 =	simm.s32 @!p1 $0x1082;
	[sflag:s4] =	ssyncset.s32 $0xFFFFF086  }
0x25: {  	[simem:s6], [sflag:s4] =	dma.local [hbm:s3], $0xF7A  }
0x26: {  	[smem:$0x3F9B] =	sst s1;
	(tag) =	ssettag s2;
	_ =	strace s9  }
0x27: {  	s1 =	sld [smem:$0x3FAB]  }
0x28: {  	s2 =	sld [smem:$0x3FAC]  }
0x29: {  	s4 =	sld [smem:$0x3FAE]  }
0x2a: {  	p0 =	seq.s32 s5, $0x0;
	s5 =	sld [smem:$0x3FAF]  }
0x2b: {  	s6 =	sld [smem:$0x3FB0]  }
0x2c: {  	s7 =	sld [smem:$0x3FB1]  }
0x2d: {  	s3 =	simm.s32 $0x108;
	s8 =	sld [smem:$0x3FB2]  }
0x2e: {  	s3 =	simm.s32 @!p0 $0x1082;
	s9 =	sld [smem:$0x3FB3]  }
0x2f: {  	lr =	sadd.s32 s0, s3;
	s0 =	sld [smem:$0x3FAA]  }
0x30: {  	s3 =	sld [smem:$0x3FAD]  }
0x31: {  	[smem:$0x3FB6] =	sst s10  }
0x32: {  	s10 =	sld [smem:$0x3FB4];
	_ =	sdelay $0x3  }
0x33: {  	p0 =	seq.s32 s10, $0x1;
	s10 =	sld [smem:$0x3FB6];
	_ =	sdelay $0x3  }
0x34: {  	[smem:$0x3FB6] =	sst s10  }
0x35: {  	s10 =	sld [smem:$0x3FB5];
	_ =	sdelay $0x3  }
0x36: {  	p1 =	seq.s32 s10, $0x1;
	s10 =	sld [smem:$0x3FB6];
	_ =	sdelay $0x3  }
0x37: {  	[smem:$0x3FB6] =	sst s10  }
0x38: {  	s10 =	sld [smem:$0x3FB7]  }
0x39: {  	_ = 	snop;
	(pc) =	sbr.ind lr, $3  }
0x3a: {  	_ = 	snop  }
0x3b: {  	_ = 	snop  }
0x3c: {  	p2 =	seq.s32 s10, $0x1;
	s10 =	sld [smem:$0x3FB6]  }
0x3d: {  	_ =	shalt  }
0x3e: {  	_ =	shalt  }
0x3f: {  	_ =	shalt  }
0x40: {  	_ =	shalt  }
0x41: {  	_ =	shalt  }
0x42: {  	_ =	shalt  }
0x43: {  	_ =	shalt  }
0x44: {  	_ =	shalt  }
0x45: {  	_ =	shalt  }
0x46: {  	_ =	shalt  }
0x47: {  	_ =	shalt  }
0x48: {  	_ =	shalt  }
0x49: {  	_ =	shalt  }
0x4a: {  	_ =	shalt  }
0x4b: {  	_ =	shalt  }
0x4c: {  	_ =	shalt  }
0x4d: {  	_ =	shalt  }
0x4e: {  	_ =	shalt  }
0x4f: {  	_ =	shalt  }
0x50: {  	_ =	shalt  }
0x51: {  	_ =	shalt  }
0x52: {  	_ =	shalt  }
0x53: {  	_ =	shalt  }
0x54: {  	_ =	shalt  }
0x55: {  	_ =	shalt  }
0x56: {  	_ =	shalt  }
0x57: {  	_ =	shalt  }
0x58: {  	_ =	shalt  }
0x59: {  	_ =	shalt  }
0x5a: {  	_ =	shalt  }
0x5b: {  	_ =	shalt  }
0x5c: {  	_ =	shalt  }
0x5d: {  	_ =	shalt  }
0x5e: {  	_ =	shalt  }
0x5f: {  	_ =	shalt  }
0x60: {  	_ =	shalt  }
0x61: {  	_ =	shalt  }
0x62: {  	_ =	shalt  }
0x63: {  	_ =	shalt  }
0x64: {  	_ =	shalt  }
0x65: {  	_ =	shalt  }
0x66: {  	_ =	shalt  }
0x67: {  	_ =	shalt  }
0x68: {  	_ =	shalt  }
0x69: {  	_ =	shalt  }
0x6a: {  	_ =	shalt  }
0x6b: {  	_ =	shalt  }
0x6c: {  	_ =	shalt  }
0x6d: {  	_ =	shalt  }
0x6e: {  	_ =	shalt  }
0x6f: {  	_ =	shalt  }
0x70: {  	_ =	shalt  }
0x71: {  	_ =	shalt  }
0x72: {  	_ =	shalt  }
0x73: {  	_ =	shalt  }
0x74: {  	_ =	shalt  }
0x75: {  	_ =	shalt  }
0x76: {  	_ =	shalt  }
0x77: {  	_ =	shalt  }
0x78: {  	_ =	shalt  }
0x79: {  	_ =	shalt  }
0x7a: {  	_ =	shalt  }
0x7b: {  	_ =	shalt  }
0x7c: {  	_ =	shalt  }
0x7d: {  	_ =	shalt  }
0x7e: {  	_ =	shalt  }
0x7f: {  	_ =	shalt  }
0x80: {  	_ =	shalt  }
0x81: {  	_ =	shalt  }
0x82: {  	_ =	shalt  }
0x83: {  	_ =	shalt  }
0x84: {  	_ =	shalt  }
0x85: {  	_ =	shalt  }
0x86: {  	_ =	shalt  }
0x87: {  	_ =	shalt  }
.Lfunc_end0:
.L_simem_size_0:
called_computation.2_lowered:
.L_overlay_start_0:
0x88: {  	s2 =	sld [smem:$0x3FD9]  }
0x89: {  	s3 =	sld [smem:$0x3FFE];
	_ =	sdelay $0x1  }
0x8a: {  	s1 =	srdreg.scid  }
0x8b: {  	s0 =	sand.u32 $0x1, s1  }
0x8c: {  	s17 =	sshll.u32 s0, $0xA;
	s2 =	sadd.s32 s3, s2  }
0x8d: {  	s2 =	sadd.s32 s2, s17  }
0x8e: {  	[smem:$0x3FC2] =	sst s2  }
0x8f: {  	_ = 	snop  }
0x90: {  	s2 =	sld [smem:$0x3FD0];
	(tm) =	ssettm $0x1  }
0x91: {  	s18 =	sld [smem:$0x3FFB];
	_ =	sdelay $0x3  }
0x92: {  	_ =	strace s18  }
0x93: {  	s3 =	sld [smem:$0x3FFC];
	_ =	sdelay $0x3  }
0x94: {  	_ =	strace s3  }
0x95: {  	s3 =	sld [smem:$0x3FFD];
	_ =	sdelay $0x3  }
0x96: {  	_ =	strace s3  }
0x97: {  	_ =	strace $0x8FFFFFFF  }
0x98: {  	s19 =	sld [smem:$0x3FDB];
	_ =	sdelay $0x1  }
0x99: {  	s4 =	simm.s32 $_scs_section_size  }
0x9a: {  	s5 =	simm.s32 $_size__tile_overlayer_lowered;
	s6 =	simm.s32 $_tile_overlayer_lowered  }
0x9b: {  	s22 =	simm.s32 $0x1BFF;
	s21 =	sshll.u32 s6, $0x1;
	s3 =	sadd.s32 s4, s19  }
0x9c: {  	s7 =	simm.s32 $0x0;
	s20 =	sshll.u32 s5, $0x1;
	s5 =	sadd.s32 s21, s3  }
0x9d: {  	[timem:s7], [sflag:s22] =	dma.local [hbm:s5], s20  }
0x9e: {  	_ =	swait.ge [sflag:s22], s20  }
0x9f: {  	s4 =	ssub.s32 $0x0, s20;
	[sflag:s22] =	ssyncset.done $0x0  }
0xa0: {  	[sflag:s22] =	ssyncadd.s32 s4;
	_ =	sdelay $0x1  }
0xa1: {  	s23 =	simm.s32 $0x1B8B  }
0xa2: {  	_ =	swait.ge [sflag:s23], $0x1  }
0xa3: {  	[sflag:s23] =	ssyncset.done $0x0  }
0xa4: {  	s25 =	simm.s32 $0x1B8E;
	s24 =	sld [smem:$0x3FFE];
	[sflag:s23] =	ssyncadd.s32 $0xFFFFFFFF  }
0xa5: {  	s26 =	simm.s32 $execute0_lowered;
	[smem:$0x3FD2] =	sst s25  }
0xa6: {  	s5 =	sshll.u32 s26, $0x1;
	_ =	strace $0x8000004C;
	[dreg:$0x1] =	wrdreg $0xFFFFFFFF  }
0xa7: {  	s28 =	simm.s32 $_size_execute0_lowered;
	s3 =	sadd.s32 s3, s5;
	[dreg:$0x0] =	wrdreg $0x0  }
0xa8: {  	s5 =	sshll.u32 s28, $0x1;
	[dreg:$0x2] =	wrdreg s3  }
0xa9: {  	[dreg:$0x3] =	wrdreg s5  }
0xaa: {  	[dreg:$0x4] =	wrdreg $0xC0  }
0xab: {  	_ =	task [dreg:s7], $0x5FFFF  }
0xac: {  	[dreg:$0x1] =	wrdreg $0xFFFFFFFF  }
0xad: {  	[dreg:$0x0] =	wrdreg $0x60  }
0xae: {  	[dreg:$0x2] =	wrdreg s24  }
0xaf: {  	[dreg:$0x3] =	wrdreg s2  }
0xb0: {  	[dreg:$0x4] =	wrdreg $0x8C000  }
0xb1: {  	[dreg:$0x5] =	wrdreg $0x102800  }
0xb2: {  	[dreg:$0x6] =	wrdreg $0x9  }
0xb3: {  	_ =	task.clear_ibuf [dreg:s7], $0x7FFFF;
	_ =	strace $0x9000004C  }
0xb4: {  	s29 =	simm.s32 $0x9;
	_ =	strace $0x8000004E  }
0xb5: {  	_ =	swait.ge [sflag:s29], $0x1  }
0xb6: {  	[sflag:s29] =	ssyncadd.s32 $0xFFFFFFFF  }
0xb7: {  	_ =	strace $0x9000004E  }
0xb8: {  	_ =	sfence  }
0xb9: {  	s30 =	sld [smem:$0x0];
	_ =	sdelay $0x2  }
0xba: {  	s31 =	sshll.u32 s1, $0xD;
	s1 =	sshrl.u32 s1, $0x2  }
0xbb: {  	s3 =	sand.u32 $0x4000, s31;
	s1 =	sadd.s32 s1, s30  }
0xbc: {  	s0 =	sor.u32 s3, s0;
	s1 =	sshll.u32 s1, $0x11  }
0xbd: {  	s0 =	sor.u32 s1, s0  }
0xbe: {  	s0 =	sadd.s32 $0x8F2B, s0  }
0xbf: {  	[sflag:s0] =	ssyncadd.remote.s32 $0x1  }
0xc0: {  	_ =	sfence.sel $0xFFFF  }
0xc1: {  	[dreg:$0x0] =	wrdreg $0xFFFFFFFF;
	(pc) =	sbr.abs _section_cstart, $3  }
0xc2: {  	[dreg:$0x1] =	wrdreg $0xFFFFFFFF  }
0xc3: {  	_ =	task.clear_ibuf [dreg:s7], $0x2FFFF;
	_ =	strace $0x9FFFFFFF  }
0xc4: {  	(tm) =	ssettm $0x7FFFFFFF  }
0xc5: {  	_ =	shalt  }
tec
execute0_lowered:
.L_overlay_start_1:
0x0: {  	(tag) =	ssettag $0x1  }
0x1: {  	s0 =	rddreg [dreg:$0x0]  }
0x2: {  	s1 =	rddreg [dreg:$0x1]  }
0x3: {  	s2 =	rddreg [dreg:$0x2]  }
0x4: {  	s3 =	rddreg [dreg:$0x3]  }
0x5: {  	s5 =	srdreg.scid;
	s13 =	stileid.u32;
	s4 =	simm.s32 $0x0  }
0x6: {  	s15 =	simm.s32 $0x50;
	s16 =	simm.s32 $0x5000;
	s17 =	simm.s32 $0x5F00  }
0x7: {  	s19 =	simm.s32 $0x6E00;
	s20 =	simm.s32 $0x1;
	s29 =	simm.s32 $0x3  }
0x8: {  	s31 =	simm.s32 $0x6;
	s21 =	simm.s32 $0x7;
	s28 =	simm.s32 $0x8  }
0x9: {  	s30 =	simm.s32 $0x27B0;
	s10 =	sand.u32 $0x1, s5;
	s22 =	sshll.u32 s13, $0x1  }
0xa: {  	[smem:$0x7FF] =	sst s4;
	s8 =	smul.u32 $0x7680, s13;
	s26 =	sshll.u32 s13, $0x6  }
0xb: {  	s5 =	sor.u32 s10, s22;
	_ =	strace $0x8000004D;
	s23 =	smul.u32 $0xED00, s10  }
0xc: {  	s7 =	ssub.s32 $0x2, s10;
	p0 =	seq.s32 s10, $0x0;
	s10 =	simm.s32 $0x9  }
0xd: {  	s22 =	simm.s32 $0x7D00;
	s6 =	smul.u32 $0x500, s5;
	s18 =	sshrl.u32 s8, $0x3  }
0xe: {  	s12 =	sshrl.u32 s7, $0x1;
	s25 =	sadd.s32 s8, s2;
	s14 =	sadd.s32 s8, s3  }
0xf: {  	s11 =	sadd.s32 s18, s0;
	s12 =	ssub.s32 s7, s12;
	s13 =	sshrl.u32 s25, $0x3  }
0x10: {  	s14 =	sshrl.u32 s14, $0x3;
	s9 =	sadd.s32 s6, s0;
	s0 =	sadd.s32 s23, s0  }
0x11: {  	s6 =	sadd.s32 s1, s6;
	s7 =	sadd.s32 $0x1C00, s11;
	s8 =	sadd.s32 $0x69A00, s11  }
0x12: {  	s11 =	simm.s32 $0x2800;
	s23 =	simm.s32 $0x2;
	s1 =	simm.s32 $0x4  }
0x13: {  	s24 =	sadd.s32 $0x10A00, s9;
	s0 =	sadd.s32 $0x78800, s0;
	s9 =	smax.u32 s12, $0x1  }
0x14: {  	s12 =	sor.u32 $0x1C09, s26;
	s8 =	smov.u32 @p0 s7;
	s26 =	simm.s32 $0x5  }
0x15: {  	[dreg:$0x5] =	wrdreg s24;
	s24 =	sadd.s32 s18, s0;
	s0 =	simm.s32 $0x0  }
.LBB2_1:
0x16: {  	s5 =	rddreg [dreg:$0x5]  }
0x17: {  	[tilespmem:s4], [sflag:$0x9] =	stream.linear.gather [hbm4b:s5+s4], $0x2800, $0x38;
	[tilespmem:$0x17900] =	vst v63  }
0x18: {  	_ =	swait.ge [sflag:s10], $0x2800  }
0x19: {  	[sflag:s10] =	ssyncset.done $0x0  }
0x1a: {  	[sflag:s10] =	ssyncadd.s32 $0xFFFFD800  }
0x1b: {  	[tilespmem:s11], [sflag:$0x9] =	stream.linear.gather [hbm4b:s6+s4], $0x2800, $0x38;
	[tilespmem:$0x17900] =	vst v63  }
0x1c: {  	_ =	swait.ge [sflag:s10], $0x2800  }
0x1d: {  	[sflag:s10] =	ssyncset.done $0x0  }
0x1e: {  	[sflag:s10] =	ssyncadd.s32 $0xFFFFD800  }
0x1f: {  	[spmem:s13], [sflag:s12] =	dma.local [hbm:s7], $0xED0  }
0x20: {  	_ =	swait.ge [sflag:s10], $0xED0  }
0x21: {  	[sflag:s10] =	ssyncset.done $0x0  }
0x22: {  	[sflag:s10] =	ssyncadd.s32 $0xFFFFF130  }
0x23: {  	[spmem:s14], [sflag:s12] =	dma.local [hbm:s8], $0xED0  }
0x24: {  	_ =	swait.ge [sflag:s10], $0xED0  }
0x25: {  	[sflag:s10] =	ssyncset.done $0x0  }
0x26: {  	[sflag:s10] =	ssyncadd.s32 $0xFFFFF130  }
0x27: {  	[bflag:$0x0] =	sbarrier.arrive $0xFFFF  }
0x28: {  	[tilespmem:s16], [sflag:$0x1] =	stream.indirect.gather [spmem:s2], $0x30, s4, s15, $0xb8;
	[tilespmem:$0x17900] =	vst v63  }
0x29: {  	_ = 	snop  }
0x2a: {  	[tilespmem:s17], [sflag:$0x2] =	stream.indirect.gather [spmem:s2], $0x30, s15, s15, $0xb8;
	[tilespmem:$0x17900] =	vst v63  }
0x2b: {  	s18 =	simm.s32 $0xA0  }
0x2c: {  	[tilespmem:s19], [sflag:$0x3] =	stream.indirect.gather [spmem:s2], $0x30, s18, s15, $0xb8;
	[tilespmem:$0x17900] =	vst v63  }
0x2d: {  	_ =	swait.ge [sflag:s20], $0xF00  }
0x2e: {  	[sflag:s20] =	ssyncset.done $0x0  }
0x2f: {  	[sflag:s20] =	ssyncadd.s32 $0xFFFFF100  }
0x30: {  	[spmem:s3] =	stream.indirect.scatter.add.f32 [tilespmem:s16], [sflag:$0x5], $0x30, s11, s15, $0xb8;
	[tilespmem:$0x17900] =	vst v63  }
0x31: {  	s25 =	simm.s32 $0xF0  }
0x32: {  	[tilespmem:s22], [sflag:$0x4] =	stream.indirect.gather [spmem:s2], $0x30, s25, s15, $0xb8;
	[tilespmem:$0x17900] =	vst v63  }
0x33: {  	_ =	swait.ge [sflag:s23], $0xF00  }
0x34: {  	[sflag:s23] =	ssyncset.done $0x0  }
0x35: {  	s18 =	simm.s32 $0x2850;
	[sflag:s23] =	ssyncadd.s32 $0xFFFFF100  }
0x36: {  	[spmem:s3] =	stream.indirect.scatter.add.f32 [tilespmem:s17], [sflag:$0x6], $0x30, s18, s15, $0xb8;
	[tilespmem:$0x17900] =	vst v63  }
0x37: {  	_ =	swait.ge [sflag:s26], $0xF00  }
0x38: {  	[sflag:s26] =	ssyncset.done $0x0  }
0x39: {  	s25 =	simm.s32 $0x140;
	[sflag:s26] =	ssyncadd.s32 $0xFFFFF100  }
0x3a: {  	[tilespmem:s16], [sflag:$0x1] =	stream.indirect.gather [spmem:s2], $0x30, s25, s15, $0xb8;
	[tilespmem:$0x17900] =	vst v63  }
0x3b: {  	_ =	swait.ge [sflag:s29], $0xF00  }
0x3c: {  	[sflag:s29] =	ssyncset.done $0x0  }
0x3d: {  	s18 =	simm.s32 $0x28A0;
	[sflag:s29] =	ssyncadd.s32 $0xFFFFF100  }
0x3e: {  	[spmem:s3] =	stream.indirect.scatter.add.f32 [tilespmem:s19], [sflag:$0x7], $0x30, s18, s15, $0xb8;
	[tilespmem:$0x17900] =	vst v63  }
0x3f: {  	_ =	swait.ge [sflag:s31], $0xF00  }
0x40: {  	[sflag:s31] =	ssyncset.done $0x0  }
0x41: {  	s25 =	simm.s32 $0x190;
	[sflag:s31] =	ssyncadd.s32 $0xFFFFF100  }
0x42: {  	[tilespmem:s17], [sflag:$0x2] =	stream.indirect.gather [spmem:s2], $0x30, s25, s15, $0xb8;
	[tilespmem:$0x17900] =	vst v63  }
0x43: {  	_ =	swait.ge [sflag:s1], $0xF00  }
0x44: {  	[sflag:s1] =	ssyncset.done $0x0  }
0x45: {  	s18 =	simm.s32 $0x28F0;
	[sflag:s1] =	ssyncadd.s32 $0xFFFFF100  }
0x46: {  	[spmem:s3] =	stream.indirect.scatter.add.f32 [tilespmem:s22], [sflag:$0x8], $0x30, s18, s15, $0xb8;
	[tilespmem:$0x17900] =	vst v63  }
0x47: {  	_ =	swait.ge [sflag:s21], $0xF00  }
0x48: {  	[sflag:s21] =	ssyncset.done $0x0  }
0x49: {  	s25 =	simm.s32 $0x1E0;
	[sflag:s21] =	ssyncadd.s32 $0xFFFFF100  }
0x4a: {  	[tilespmem:s19], [sflag:$0x3] =	stream.indirect.gather [spmem:s2], $0x30, s25, s15, $0xb8;
	[tilespmem:$0x17900] =	vst v63  }
0x4b: {  	_ =	swait.ge [sflag:s20], $0xF00  }
0x4c: {  	[sflag:s20] =	ssyncset.done $0x0  }
0x4d: {  	s18 =	simm.s32 $0x2940;
	[sflag:s20] =	ssyncadd.s32 $0xFFFFF100  }
0x4e: {  	[spmem:s3] =	stream.indirect.scatter.add.f32 [tilespmem:s16], [sflag:$0x5], $0x30, s18, s15, $0xb8;
	[tilespmem:$0x17900] =	vst v63  }
0x4f: {  	_ =	swait.ge [sflag:s28], $0xF00  }
0x50: {  	[sflag:s28] =	ssyncset.done $0x0  }
0x51: {  	s5 =	simm.s32 $0x230;
	[sflag:s28] =	ssyncadd.s32 $0xFFFFF100  }
0x52: {  	[tilespmem:s22], [sflag:$0x4] =	stream.indirect.gather [spmem:s2], $0x30, s5, s15, $0xb8;
	[tilespmem:$0x17900] =	vst v63  }
0x53: {  	_ =	swait.ge [sflag:s23], $0xF00  }
0x54: {  	[sflag:s23] =	ssyncset.done $0x0  }
0x55: {  	s25 =	simm.s32 $0x2990;
	[sflag:s23] =	ssyncadd.s32 $0xFFFFF100  }
0x56: {  	[spmem:s3] =	stream.indirect.scatter.add.f32 [tilespmem:s17], [sflag:$0x6], $0x30, s25, s15, $0xb8;
	[tilespmem:$0x17900] =	vst v63  }
0x57: {  	_ =	swait.ge [sflag:s26], $0xF00  }
0x58: {  	[sflag:s26] =	ssyncset.done $0x0  }
0x59: {  	s5 =	simm.s32 $0x280;
	[sflag:s26] =	ssyncadd.s32 $0xFFFFF100  }
0x5a: {  	[tilespmem:s16], [sflag:$0x1] =	stream.indirect.gather [spmem:s2], $0x30, s5, s15, $0xb8;
	[tilespmem:$0x17900] =	vst v63  }
0x5b: {  	_ =	swait.ge [sflag:s29], $0xF00  }
0x5c: {  	[sflag:s29] =	ssyncset.done $0x0  }
0x5d: {  	s25 =	simm.s32 $0x29E0;
	[sflag:s29] =	ssyncadd.s32 $0xFFFFF100  }
0x5e: {  	[spmem:s3] =	stream.indirect.scatter.add.f32 [tilespmem:s19], [sflag:$0x7], $0x30, s25, s15, $0xb8;
	[tilespmem:$0x17900] =	vst v63  }
0x5f: {  	_ =	swait.ge [sflag:s31], $0xF00  }
0x60: {  	[sflag:s31] =	ssyncset.done $0x0  }
0x61: {  	s5 =	simm.s32 $0x2D0;
	[sflag:s31] =	ssyncadd.s32 $0xFFFFF100  }
0x62: {  	[tilespmem:s17], [sflag:$0x2] =	stream.indirect.gather [spmem:s2], $0x30, s5, s15, $0xb8;
	[tilespmem:$0x17900] =	vst v63  }
0x63: {  	_ =	swait.ge [sflag:s1], $0xF00  }
0x64: {  	[sflag:s1] =	ssyncset.done $0x0  }
0x65: {  	s25 =	simm.s32 $0x2A30;
	[sflag:s1] =	ssyncadd.s32 $0xFFFFF100  }
0x66: {  	[spmem:s3] =	stream.indirect.scatter.add.f32 [tilespmem:s22], [sflag:$0x8], $0x30, s25, s15, $0xb8;
	[tilespmem:$0x17900] =	vst v63  }
0x67: {  	_ =	swait.ge [sflag:s21], $0xF00  }
0x68: {  	[sflag:s21] =	ssyncset.done $0x0  }
0x69: {  	s18 =	simm.s32 $0x500;
	s25 =	simm.s32 $0x320;
	[sflag:s21] =	ssyncadd.s32 $0xFFFFF100  }
.LBB2_2:
0x6a: {  	[tilespmem:s19], [sflag:$0x3] =	stream.indirect.gather [spmem:s2], $0x30, s25, s15, $0xb8;
	[tilespmem:$0x17900] =	vst v63  }
0x6b: {  	s25 =	smov.u32 s18;
	s18 =	sadd.s32 $0x500, s18;
	_ =	swait.ge [sflag:s20], $0xF00  }
0x6c: {  	s25 =	sshra.s32 s25, $0x2;
	p0 =	sne.s32 s18, $0x9600;
	[sflag:s20] =	ssyncset.done $0x0  }
0x6d: {  	s5 =	sadd.s32 $0x2940, s25;
	[sflag:s20] =	ssyncadd.s32 $0xFFFFF100  }
0x6e: {  	[spmem:s3] =	stream.indirect.scatter.add.f32 [tilespmem:s16], [sflag:$0x5], $0x30, s5, s15, $0xb8;
	[tilespmem:$0x17900] =	vst v63  }
0x6f: {  	_ =	swait.ge [sflag:s28], $0xF00  }
0x70: {  	[sflag:s28] =	ssyncset.done $0x0  }
0x71: {  	s5 =	sadd.s32 $0x230, s25;
	[sflag:s28] =	ssyncadd.s32 $0xFFFFF100  }
0x72: {  	[tilespmem:s22], [sflag:$0x4] =	stream.indirect.gather [spmem:s2], $0x30, s5, s15, $0xb8;
	[tilespmem:$0x17900] =	vst v63  }
0x73: {  	_ =	swait.ge [sflag:s23], $0xF00  }
0x74: {  	[sflag:s23] =	ssyncset.done $0x0  }
0x75: {  	s5 =	sadd.s32 $0x2990, s25;
	[sflag:s23] =	ssyncadd.s32 $0xFFFFF100  }
0x76: {  	[spmem:s3] =	stream.indirect.scatter.add.f32 [tilespmem:s17], [sflag:$0x6], $0x30, s5, s15, $0xb8;
	[tilespmem:$0x17900] =	vst v63  }
0x77: {  	_ =	swait.ge [sflag:s26], $0xF00  }
0x78: {  	[sflag:s26] =	ssyncset.done $0x0  }
0x79: {  	s5 =	sadd.s32 $0x280, s25;
	[sflag:s26] =	ssyncadd.s32 $0xFFFFF100  }
0x7a: {  	[tilespmem:s16], [sflag:$0x1] =	stream.indirect.gather [spmem:s2], $0x30, s5, s15, $0xb8;
	[tilespmem:$0x17900] =	vst v63  }
0x7b: {  	_ =	swait.ge [sflag:s29], $0xF00  }
0x7c: {  	[sflag:s29] =	ssyncset.done $0x0  }
0x7d: {  	s5 =	sadd.s32 $0x29E0, s25;
	[sflag:s29] =	ssyncadd.s32 $0xFFFFF100  }
0x7e: {  	[spmem:s3] =	stream.indirect.scatter.add.f32 [tilespmem:s19], [sflag:$0x7], $0x30, s5, s15, $0xb8;
	[tilespmem:$0x17900] =	vst v63  }
0x7f: {  	_ =	swait.ge [sflag:s31], $0xF00  }
0x80: {  	[sflag:s31] =	ssyncset.done $0x0  }
0x81: {  	s5 =	sadd.s32 $0x2D0, s25;
	[sflag:s31] =	ssyncadd.s32 $0xFFFFF100  }
0x82: {  	[tilespmem:s17], [sflag:$0x2] =	stream.indirect.gather [spmem:s2], $0x30, s5, s15, $0xb8;
	[tilespmem:$0x17900] =	vst v63  }
0x83: {  	_ =	swait.ge [sflag:s1], $0xF00  }
0x84: {  	[sflag:s1] =	ssyncset.done $0x0  }
.Ltmp0:
0x85: {  	s5 =	sadd.s32 $0x2A30, s25;
	[sflag:s1] =	ssyncadd.s32 $0xFFFFF100;
	(pc) =	sbr.rel @p0 .LBB2_2-.Ltmp0, $4  }
0x86: {  	[spmem:s3] =	stream.indirect.scatter.add.f32 [tilespmem:s22], [sflag:$0x8], $0x30, s5, s15, $0xb8;
	[tilespmem:$0x17900] =	vst v63  }
0x87: {  	_ =	swait.ge [sflag:s21], $0xF00  }
0x88: {  	[sflag:s21] =	ssyncset.done $0x0  }
0x89: {  	s25 =	sadd.s32 $0x320, s25;
	[sflag:s21] =	ssyncadd.s32 $0xFFFFF100  }
0x8a: {  	[tilespmem:s19], [sflag:$0x3] =	stream.indirect.gather [spmem:s2], $0x30, s25, s15, $0xb8;
	[tilespmem:$0x17900] =	vst v63  }
0x8b: {  	_ =	swait.ge [sflag:s20], $0xF00  }
0x8c: {  	s5 =	sshra.s32 s18, $0x2;
	[sflag:s20] =	ssyncset.done $0x0  }
0x8d: {  	s18 =	sadd.s32 $0x2940, s5;
	[sflag:s20] =	ssyncadd.s32 $0xFFFFF100  }
0x8e: {  	[spmem:s3] =	stream.indirect.scatter.add.f32 [tilespmem:s16], [sflag:$0x5], $0x30, s18, s15, $0xb8;
	[tilespmem:$0x17900] =	vst v63  }
0x8f: {  	_ =	swait.ge [sflag:s28], $0xF00  }
0x90: {  	[sflag:s28] =	ssyncset.done $0x0  }
0x91: {  	s25 =	sadd.s32 $0x230, s5;
	[sflag:s28] =	ssyncadd.s32 $0xFFFFF100  }
0x92: {  	[tilespmem:s22], [sflag:$0x4] =	stream.indirect.gather [spmem:s2], $0x30, s25, s15, $0xb8;
	[tilespmem:$0x17900] =	vst v63  }
0x93: {  	_ =	swait.ge [sflag:s23], $0xF00  }
0x94: {  	[sflag:s23] =	ssyncset.done $0x0  }
0x95: {  	s25 =	sadd.s32 $0x2990, s5;
	[sflag:s23] =	ssyncadd.s32 $0xFFFFF100  }
0x96: {  	[spmem:s3] =	stream.indirect.scatter.add.f32 [tilespmem:s17], [sflag:$0x6], $0x30, s25, s15, $0xb8;
	[tilespmem:$0x17900] =	vst v63  }
0x97: {  	_ =	swait.ge [sflag:s26], $0xF00  }
0x98: {  	[sflag:s26] =	ssyncset.done $0x0  }
0x99: {  	[sflag:s26] =	ssyncadd.s32 $0xFFFFF100  }
0x9a: {  	[tilespmem:s16], [sflag:$0x1] =	stream.indirect.gather [spmem:s2], $0x30, s30, s15, $0xb8;
	[tilespmem:$0x17900] =	vst v63  }
0x9b: {  	_ =	swait.ge [sflag:s29], $0xF00  }
0x9c: {  	[sflag:s29] =	ssyncset.done $0x0  }
0x9d: {  	s25 =	sadd.s32 $0x29E0, s5;
	[sflag:s29] =	ssyncadd.s32 $0xFFFFF100  }
0x9e: {  	[spmem:s3] =	stream.indirect.scatter.add.f32 [tilespmem:s19], [sflag:$0x7], $0x30, s25, s15, $0xb8;
	[tilespmem:$0x17900] =	vst v63  }
0x9f: {  	_ =	swait.ge [sflag:s31], $0xF00  }
0xa0: {  	[sflag:s31] =	ssyncset.done $0x0  }
0xa1: {  	[sflag:s31] =	ssyncadd.s32 $0xFFFFF100  }
0xa2: {  	[tilespmem:s17], [sflag:$0x2] =	stream.indirect.gather [spmem:s2], $0x30, s30, s15, $0xb8;
	[tilespmem:$0x17900] =	vst v63  }
0xa3: {  	_ =	swait.ge [sflag:s1], $0xF00  }
0xa4: {  	[sflag:s1] =	ssyncset.done $0x0  }
0xa5: {  	s5 =	sadd.s32 $0x2A30, s5;
	[sflag:s1] =	ssyncadd.s32 $0xFFFFF100  }
0xa6: {  	[spmem:s3] =	stream.indirect.scatter.add.f32 [tilespmem:s22], [sflag:$0x8], $0x30, s5, s15, $0xb8;
	[tilespmem:$0x17900] =	vst v63  }
0xa7: {  	_ =	swait.ge [sflag:s21], $0xF00  }
0xa8: {  	[sflag:s21] =	ssyncset.done $0x0  }
0xa9: {  	[sflag:s21] =	ssyncadd.s32 $0xFFFFF100  }
0xaa: {  	[tilespmem:s19], [sflag:$0x3] =	stream.indirect.gather [spmem:s2], $0x30, s30, s15, $0xb8;
	[tilespmem:$0x17900] =	vst v63  }
0xab: {  	_ =	swait.ge [sflag:s28], $0xF00  }
0xac: {  	[sflag:s28] =	ssyncset.done $0x0  }
0xad: {  	[sflag:s28] =	ssyncadd.s32 $0xFFFFF100  }
0xae: {  	_ =	swait.ge [sflag:s20], $0xF00  }
0xaf: {  	[sflag:s20] =	ssyncset.done $0x0  }
0xb0: {  	[sflag:s20] =	ssyncadd.s32 $0xFFFFF100  }
0xb1: {  	_ =	swait.ge [sflag:s23], $0xF00  }
0xb2: {  	[sflag:s23] =	ssyncset.done $0x0  }
0xb3: {  	[sflag:s23] =	ssyncadd.s32 $0xFFFFF100  }
0xb4: {  	_ =	swait.ge [sflag:s29], $0xF00  }
0xb5: {  	s0 =	sadd.s32 $0x1, s0;
	[sflag:s29] =	ssyncset.done $0x0  }
0xb6: {  	p0 =	sne.s32 s0, s9;
	[sflag:s29] =	ssyncadd.s32 $0xFFFFF100  }
.Ltmp1:
0xb7: {  	[bflag:$0x0] =	sbarrier.arrive $0xFFFF;
	(pc) =	sbr.rel @p0 .LBB2_1-.Ltmp1, $4  }
0xb8: {  	[hbm:s24], [sflag:s12] =	dma.local [spmem:s14], $0xED0  }
0xb9: {  	_ =	swait.ge [sflag:s10], $0xED0  }
0xba: {  	[sflag:s10] =	ssyncset.done $0x0  }
0xbb: {  	[sflag:s10] =	ssyncadd.s32 $0xFFFFF130  }
0xbc: {  	_ =	sfence.sel $0x180000  }
0xbd: {  	[bflag:$0x0] =	sbarrier.arrive $0xFFFF  }
0xbe: {  	_ =	strace $0x9000004D  }
0xbf: {  	s0 =	stileid.u32;
	[bflag:$0x2] =	sbarrier.arrive $0xFFFF  }
0xc0: {  	p0 =	sne.s32 s0, $0x0;
	s0 =	rddreg [dreg:$0x4]  }
0xc1: {  	s0 =	sadd.s32 @!p0 $0x100000, s0  }
0xc2: {  	[sflag:s0] =	ssyncadd.tile.s32 @!p0 $0x1;
	_ =	shalt  }
.Lfunc_end2:
_tile_overlayer_lowered:
.L_overlay_start_2:
0xc3: {  	(tag) =	ssettag $0x2  }
0xc4: {  	s0 =	rddreg [dreg:$0x0];
	s2 =	stileid.u32  }
0xc5: {  	s1 =	rddreg [dreg:$0x1];
	p0 =	sne.s32 s2, $0x0  }
0xc6: {  	s3 =	rddreg [dreg:$0x2];
	[bflag:$0x3] =	sbarrier.arrive $0xFFFF;
	s2 =	simm.s32 @!p0 $0x1C09  }
0xc7: {  	[timem:s3], [sflag:s2] =	dma.local @!p0 [hbm:s0], s1  }
0xc8: {  	s0 =	simm.s32 @!p0 $0x9  }
0xc9: {  	_ =	swait.ge @!p0 [sflag:s0], s1  }
0xca: {  	s1 =	ssub.s32 @!p0 $0x0, s1;
	[sflag:s0] =	ssyncset.done @!p0 $0x0  }
0xcb: {  	[sflag:s0] =	ssyncadd.s32 @!p0 s1  }
0xcc: {  	[bflag:$0x3] =	sbarrier.arrive $0xFFFF  }
0xcd: {  	_ =	shalt  }

// kernel: kernel.9.cloned.1.call-start
scs
__scs_entry_jumppad:
0x0: {  	(pc) =	sbr.rel $0x88, $3  }
0x1: {  	(tag) =	ssettag $0x0;
	lr =	simm.s32 $0x1  }
0x2: {  	[smem:$0x3F9B] =	sst lr;
	_ =	strace $0xD0000000  }
0x3: {  	_ = 	snop  }
0x4: {  	_ = 	snop  }
0x5: {  	_ = 	snop  }
0x6: {  	_ = 	snop  }
0x7: {  	_ = 	snop  }
__scs_overlays_trampoline_lowered:
0x8: {  	[smem:$0x3FAA] =	sst s0  }
0x9: {  	[smem:$0x3FAB] =	sst s1  }
0xa: {  	[smem:$0x3FAC] =	sst s2  }
0xb: {  	[smem:$0x3FAD] =	sst s3  }
0xc: {  	[smem:$0x3FAE] =	sst s4  }
0xd: {  	[smem:$0x3FAF] =	sst s5  }
0xe: {  	[smem:$0x3FB0] =	sst s6  }
0xf: {  	[smem:$0x3FB1] =	sst s7  }
0x10: {  	[smem:$0x3FB2] =	sst s8  }
0x11: {  	[smem:$0x3FB3] =	sst s9;
	s0 =	simm.s32 @!p0 $0x0  }
0x12: {  	s1 =	sld [smem:$0x3F99];
	s0 =	simm.s32 @p0 $0x1  }
0x13: {  	[smem:$0x3FB4] =	sst s0;
	s0 =	simm.s32 @!p1 $0x0  }
0x14: {  	s2 =	sld [smem:$0x3F98];
	s0 =	simm.s32 @p1 $0x1  }
0x15: {  	[smem:$0x3FB5] =	sst s0;
	s0 =	simm.s32 @!p2 $0x0  }
0x16: {  	s3 =	sld [smem:$0x3FDB];
	s0 =	simm.s32 @p2 $0x1  }
0x17: {  	s4 =	simm.s32 $0x1BF5;
	[smem:$0x3FB7] =	sst s0  }
0x18: {  	s0 =	sld [smem:$0x3F9A];
	_ =	swait.ge [sflag:s4], $0x0  }
0x19: {  	s7 =	sld [smem:$0x3F9B]  }
0x1a: {  	s8 =	sadd.s32 $0xFFFFE003, lr  }
0x1b: {  	s9 =	sadd.s32 $0xFFFFFEF7, lr;
	s5 =	simm.s32 $0xFFFFFFFF;
	p2 =	slt.u32 s8, $0xFFFFF086  }
0x1c: {  	p1 =	slt.u32 s9, $0xF7A;
	s5 =	simm.s32 @!p2 $0x0  }
0x1d: {  	s5 =	simm.s32 @p1 $0x1;
	p0 =	seq.s32 s7, s2  }
0x1e: {  	s7 =	smul.u32 @!p0 $0xF7A, s2;
	p2 =	seq.s32 @!p0 s5, $0x0  }
0x1f: {  	s9 =	smul.u32 $0xF7A, s1;
	s8 =	simm.s32 @!p0 $0x1BF5;
	p2 =	por !p2, p0  }
0x20: {  	[sflag:s8] =	ssyncset.s32 @!p0 $0xFFFFF086;
	s6 =	sadd.s32 @!p0 s3, s7;
	s7 =	simm.s32 @!p0 $0x108  }
0x21: {  	s3 =	sadd.s32 s3, s9;
	s6 =	sadd.s32 @!p0 $0x88, s6;
	s7 =	simm.s32 @p2 $0x1082  }
0x22: {  	[simem:s7], [sflag:s8] =	dma.local @!p0 [hbm:s6], $0xF7A  }
0x23: {  	s9 =	sor.u32 $0xD0000000, s2;
	s6 =	simm.s32 $0x108;
	_ =	swait.ge @!p0 [sflag:s8], $0x0  }
0x24: {  	s3 =	sadd.s32 $0x88, s3;
	s6 =	simm.s32 @!p1 $0x1082;
	[sflag:s4] =	ssyncset.s32 $0xFFFFF086  }
0x25: {  	[simem:s6], [sflag:s4] =	dma.local [hbm:s3], $0xF7A  }
0x26: {  	[smem:$0x3F9B] =	sst s1;
	(tag) =	ssettag s2;
	_ =	strace s9  }
0x27: {  	s1 =	sld [smem:$0x3FAB]  }
0x28: {  	s2 =	sld [smem:$0x3FAC]  }
0x29: {  	s4 =	sld [smem:$0x3FAE]  }
0x2a: {  	p0 =	seq.s32 s5, $0x0;
	s5 =	sld [smem:$0x3FAF]  }
0x2b: {  	s6 =	sld [smem:$0x3FB0]  }
0x2c: {  	s7 =	sld [smem:$0x3FB1]  }
0x2d: {  	s3 =	simm.s32 $0x108;
	s8 =	sld [smem:$0x3FB2]  }
0x2e: {  	s3 =	simm.s32 @!p0 $0x1082;
	s9 =	sld [smem:$0x3FB3]  }
0x2f: {  	lr =	sadd.s32 s0, s3;
	s0 =	sld [smem:$0x3FAA]  }
0x30: {  	s3 =	sld [smem:$0x3FAD]  }
0x31: {  	[smem:$0x3FB6] =	sst s10  }
0x32: {  	s10 =	sld [smem:$0x3FB4];
	_ =	sdelay $0x3  }
0x33: {  	p0 =	seq.s32 s10, $0x1;
	s10 =	sld [smem:$0x3FB6];
	_ =	sdelay $0x3  }
0x34: {  	[smem:$0x3FB6] =	sst s10  }
0x35: {  	s10 =	sld [smem:$0x3FB5];
	_ =	sdelay $0x3  }
0x36: {  	p1 =	seq.s32 s10, $0x1;
	s10 =	sld [smem:$0x3FB6];
	_ =	sdelay $0x3  }
0x37: {  	[smem:$0x3FB6] =	sst s10  }
0x38: {  	s10 =	sld [smem:$0x3FB7]  }
0x39: {  	_ = 	snop;
	(pc) =	sbr.ind lr, $3  }
0x3a: {  	_ = 	snop  }
0x3b: {  	_ = 	snop  }
0x3c: {  	p2 =	seq.s32 s10, $0x1;
	s10 =	sld [smem:$0x3FB6]  }
0x3d: {  	_ =	shalt  }
0x3e: {  	_ =	shalt  }
0x3f: {  	_ =	shalt  }
0x40: {  	_ =	shalt  }
0x41: {  	_ =	shalt  }
0x42: {  	_ =	shalt  }
0x43: {  	_ =	shalt  }
0x44: {  	_ =	shalt  }
0x45: {  	_ =	shalt  }
0x46: {  	_ =	shalt  }
0x47: {  	_ =	shalt  }
0x48: {  	_ =	shalt  }
0x49: {  	_ =	shalt  }
0x4a: {  	_ =	shalt  }
0x4b: {  	_ =	shalt  }
0x4c: {  	_ =	shalt  }
0x4d: {  	_ =	shalt  }
0x4e: {  	_ =	shalt  }
0x4f: {  	_ =	shalt  }
0x50: {  	_ =	shalt  }
0x51: {  	_ =	shalt  }
0x52: {  	_ =	shalt  }
0x53: {  	_ =	shalt  }
0x54: {  	_ =	shalt  }
0x55: {  	_ =	shalt  }
0x56: {  	_ =	shalt  }
0x57: {  	_ =	shalt  }
0x58: {  	_ =	shalt  }
0x59: {  	_ =	shalt  }
0x5a: {  	_ =	shalt  }
0x5b: {  	_ =	shalt  }
0x5c: {  	_ =	shalt  }
0x5d: {  	_ =	shalt  }
0x5e: {  	_ =	shalt  }
0x5f: {  	_ =	shalt  }
0x60: {  	_ =	shalt  }
0x61: {  	_ =	shalt  }
0x62: {  	_ =	shalt  }
0x63: {  	_ =	shalt  }
0x64: {  	_ =	shalt  }
0x65: {  	_ =	shalt  }
0x66: {  	_ =	shalt  }
0x67: {  	_ =	shalt  }
0x68: {  	_ =	shalt  }
0x69: {  	_ =	shalt  }
0x6a: {  	_ =	shalt  }
0x6b: {  	_ =	shalt  }
0x6c: {  	_ =	shalt  }
0x6d: {  	_ =	shalt  }
0x6e: {  	_ =	shalt  }
0x6f: {  	_ =	shalt  }
0x70: {  	_ =	shalt  }
0x71: {  	_ =	shalt  }
0x72: {  	_ =	shalt  }
0x73: {  	_ =	shalt  }
0x74: {  	_ =	shalt  }
0x75: {  	_ =	shalt  }
0x76: {  	_ =	shalt  }
0x77: {  	_ =	shalt  }
0x78: {  	_ =	shalt  }
0x79: {  	_ =	shalt  }
0x7a: {  	_ =	shalt  }
0x7b: {  	_ =	shalt  }
0x7c: {  	_ =	shalt  }
0x7d: {  	_ =	shalt  }
0x7e: {  	_ =	shalt  }
0x7f: {  	_ =	shalt  }
0x80: {  	_ =	shalt  }
0x81: {  	_ =	shalt  }
0x82: {  	_ =	shalt  }
0x83: {  	_ =	shalt  }
0x84: {  	_ =	shalt  }
0x85: {  	_ =	shalt  }
0x86: {  	_ =	shalt  }
0x87: {  	_ =	shalt  }
.Lfunc_end0:
.L_simem_size_0:
called_computation_lowered:
.L_overlay_start_0:
0x88: {  	s2 =	sld [smem:$0x3FD9]  }
0x89: {  	s3 =	sld [smem:$0x3FFE];
	_ =	sdelay $0x1  }
0x8a: {  	s1 =	srdreg.scid  }
0x8b: {  	s0 =	sand.u32 $0x1, s1  }
0x8c: {  	s17 =	sshll.u32 s0, $0xA;
	s2 =	sadd.s32 s3, s2  }
0x8d: {  	s2 =	sadd.s32 s2, s17  }
0x8e: {  	[smem:$0x3FC2] =	sst s2  }
0x8f: {  	_ = 	snop  }
0x90: {  	s2 =	sld [smem:$0x3FD0];
	(tm) =	ssettm $0x1  }
0x91: {  	s18 =	sld [smem:$0x3FFB];
	_ =	sdelay $0x3  }
0x92: {  	_ =	strace s18  }
0x93: {  	s3 =	sld [smem:$0x3FFC];
	_ =	sdelay $0x3  }
0x94: {  	_ =	strace s3  }
0x95: {  	s3 =	sld [smem:$0x3FFD];
	_ =	sdelay $0x3  }
0x96: {  	_ =	strace s3  }
0x97: {  	_ =	strace $0x8FFFFFFF  }
0x98: {  	s19 =	sld [smem:$0x3FDB];
	_ =	sdelay $0x1  }
0x99: {  	s4 =	simm.s32 $_scs_section_size  }
0x9a: {  	s5 =	simm.s32 $_size__tile_overlayer_lowered;
	s6 =	simm.s32 $_tile_overlayer_lowered  }
0x9b: {  	s22 =	simm.s32 $0x1BFF;
	s21 =	sshll.u32 s6, $0x1;
	s3 =	sadd.s32 s4, s19  }
0x9c: {  	s7 =	simm.s32 $0x0;
	s20 =	sshll.u32 s5, $0x1;
	s5 =	sadd.s32 s21, s3  }
0x9d: {  	[timem:s7], [sflag:s22] =	dma.local [hbm:s5], s20  }
0x9e: {  	_ =	swait.ge [sflag:s22], s20  }
0x9f: {  	s4 =	ssub.s32 $0x0, s20;
	[sflag:s22] =	ssyncset.done $0x0  }
0xa0: {  	[sflag:s22] =	ssyncadd.s32 s4;
	_ =	sdelay $0x1  }
0xa1: {  	s23 =	simm.s32 $0x1B8B  }
0xa2: {  	_ =	swait.ge [sflag:s23], $0x1  }
0xa3: {  	[sflag:s23] =	ssyncset.done $0x0  }
0xa4: {  	s25 =	simm.s32 $0x1B8E;
	s24 =	sld [smem:$0x3FFE];
	[sflag:s23] =	ssyncadd.s32 $0xFFFFFFFF  }
0xa5: {  	s26 =	simm.s32 $execute0_lowered;
	[smem:$0x3FD2] =	sst s25  }
0xa6: {  	s5 =	sshll.u32 s26, $0x1;
	_ =	strace $0x80000046;
	[dreg:$0x1] =	wrdreg $0xFFFFFFFF  }
0xa7: {  	s28 =	simm.s32 $_size_execute0_lowered;
	s3 =	sadd.s32 s3, s5;
	[dreg:$0x0] =	wrdreg $0x0  }
0xa8: {  	s5 =	sshll.u32 s28, $0x1;
	[dreg:$0x2] =	wrdreg s3  }
0xa9: {  	[dreg:$0x3] =	wrdreg s5  }
0xaa: {  	[dreg:$0x4] =	wrdreg $0xC0  }
0xab: {  	_ =	task [dreg:s7], $0x5FFFF  }
0xac: {  	[dreg:$0x1] =	wrdreg $0xFFFFFFFF  }
0xad: {  	[dreg:$0x0] =	wrdreg $0x60  }
0xae: {  	[dreg:$0x2] =	wrdreg s2  }
0xaf: {  	[dreg:$0x3] =	wrdreg s24  }
0xb0: {  	[dreg:$0x4] =	wrdreg $0x30000  }
0xb1: {  	[dreg:$0x5] =	wrdreg $0x9  }
0xb2: {  	_ =	task.clear_ibuf [dreg:s7], $0x6FFFF;
	_ =	strace $0x90000046  }
0xb3: {  	s29 =	simm.s32 $0x9;
	_ =	strace $0x80000048  }
0xb4: {  	_ =	swait.ge [sflag:s29], $0x1  }
0xb5: {  	[sflag:s29] =	ssyncadd.s32 $0xFFFFFFFF  }
0xb6: {  	_ =	strace $0x90000048  }
0xb7: {  	_ =	sfence  }
0xb8: {  	s30 =	sld [smem:$0x0];
	_ =	sdelay $0x2  }
0xb9: {  	s31 =	sshll.u32 s1, $0xD;
	s1 =	sshrl.u32 s1, $0x2  }
0xba: {  	s3 =	sand.u32 $0x4000, s31;
	s1 =	sadd.s32 s1, s30  }
0xbb: {  	s0 =	sor.u32 s3, s0;
	s1 =	sshll.u32 s1, $0x11  }
0xbc: {  	s0 =	sor.u32 s1, s0  }
0xbd: {  	s0 =	sadd.s32 $0x8F2B, s0  }
0xbe: {  	[sflag:s0] =	ssyncadd.remote.s32 $0x1  }
0xbf: {  	_ =	sfence.sel $0xFFFF  }
0xc0: {  	[dreg:$0x0] =	wrdreg $0xFFFFFFFF;
	(pc) =	sbr.abs _section_cstart, $3  }
0xc1: {  	[dreg:$0x1] =	wrdreg $0xFFFFFFFF  }
0xc2: {  	_ =	task.clear_ibuf [dreg:s7], $0x2FFFF;
	_ =	strace $0x9FFFFFFF  }
0xc3: {  	(tm) =	ssettm $0x7FFFFFFF  }
tec
execute0_lowered:
.L_overlay_start_1:
0x0: {  	(tag) =	ssettag $0x1  }
0x1: {  	s7 =	rddreg [dreg:$0x0]  }
0x2: {  	s5 =	rddreg [dreg:$0x1]  }
0x3: {  	s2 =	rddreg [dreg:$0x2]  }
0x4: {  	s0 =	rddreg [dreg:$0x3]  }
0x5: {  	s1 =	stileid.u32;
	s4 =	srdreg.scid;
	s3 =	simm.s32 $0x0  }
0x6: {  	s14 =	simm.s32 $0x1;
	s15 =	simm.s32 $0x0;
	s6 =	smul.u32 $0x2780, s1  }
0x7: {  	s8 =	sand.u32 $0x1, s4;
	[smem:$0x7FF] =	sst s3;
	s4 =	sadd.s32 $0x6A00, s5  }
0x8: {  	s12 =	sshll.u32 s1, $0x1;
	s31 =	sshll.u32 s1, $0x6;
	s9 =	smul.u32 $0x27800, s8  }
0x9: {  	_ =	strace $0x80000047;
	s11 =	ssub.s32 $0x2, s8;
	s8 =	sor.u32 s8, s12  }
0xa: {  	s12 =	simm.s32 $0x2800;
	s10 =	sshrl.u32 s6, $0x3;
	s30 =	sshrl.u32 s11, $0x1  }
0xb: {  	s8 =	smul.u32 $0x500, s8;
	s13 =	sadd.s32 s6, s2;
	s9 =	sadd.s32 s6, s9  }
0xc: {  	s10 =	sadd.s32 s10, s5;
	s11 =	ssub.s32 s11, s30;
	s9 =	sshrl.u32 s9, $0x3  }
0xd: {  	s6 =	sor.u32 $0x1C02, s31;
	s7 =	sadd.s32 s7, s8;
	s9 =	sadd.s32 s9, s5  }
0xe: {  	s5 =	sadd.s32 $0x1A00, s10;
	s10 =	sshrl.u32 s13, $0x3;
	s13 =	simm.s32 $0x80  }
0xf: {  	s8 =	sadd.s32 $0x6C00, s9;
	s9 =	smax.u32 s11, $0x1;
	s11 =	simm.s32 $0x2  }
.LBB2_1:
0x10: {  	[spmem:s10], [sflag:s6] =	dma.local [hbm:s5], $0x4F0  }
0x11: {  	_ =	swait.ge [sflag:s11], $0x4F0  }
0x12: {  	[sflag:s11] =	ssyncset.done $0x0  }
0x13: {  	[sflag:s11] =	ssyncadd.s32 $0xFFFFFB10  }
0x14: {  	[tilespmem:s3], [sflag:$0x2] =	stream.linear.gather [hbm4b:s7+s3], $0x2800, $0x38;
	[tilespmem:$0x5780] =	vst v63  }
0x15: {  	_ =	swait.ge [sflag:s11], $0x2800  }
0x16: {  	[sflag:s11] =	ssyncset.done $0x0  }
0x17: {  	[sflag:s11] =	ssyncadd.s32 $0xFFFFD800  }
0x18: {  	[tilespmem:s12], [sflag:$0x2] =	stream.linear.gather [hbm4b:s4+s3], $0x800, $0x38;
	[tilespmem:$0x5780] =	vst v63  }
0x19: {  	_ =	swait.ge [sflag:s11], $0x800  }
0x1a: {  	[sflag:s11] =	ssyncset.done $0x0  }
0x1b: {  	[sflag:s11] =	ssyncadd.s32 $0xFFFFF800  }
0x1c: {  	s16 =	simm.s32 $0x0;
	[bflag:$0x0] =	sbarrier.arrive $0xFFFF  }
0x1d: {  	[spmem:s2] =	stream.indirect.scatter.add.f32 [tilespmem:s12], [sflag:$0x1], $0x10, s16, s13, $0xb8;
	[tilespmem:$0x5780] =	vst v63  }
0x1e: {  	s24 =	simm.s32 $0x80  }
0x1f: {  	[spmem:s2] =	stream.indirect.scatter.add.f32 [tilespmem:s12], [sflag:$0x1], $0x10, s24, s13, $0xb8;
	[tilespmem:$0x5780] =	vst v63  }
0x20: {  	s25 =	simm.s32 $0x100  }
0x21: {  	[spmem:s2] =	stream.indirect.scatter.add.f32 [tilespmem:s12], [sflag:$0x1], $0x10, s25, s13, $0xb8;
	[tilespmem:$0x5780] =	vst v63  }
0x22: {  	s26 =	simm.s32 $0x180  }
0x23: {  	[spmem:s2] =	stream.indirect.scatter.add.f32 [tilespmem:s12], [sflag:$0x1], $0x10, s26, s13, $0xb8;
	[tilespmem:$0x5780] =	vst v63  }
0x24: {  	s28 =	simm.s32 $0x200  }
0x25: {  	[spmem:s2] =	stream.indirect.scatter.add.f32 [tilespmem:s12], [sflag:$0x1], $0x10, s28, s13, $0xb8;
	[tilespmem:$0x5780] =	vst v63  }
0x26: {  	s29 =	simm.s32 $0x280  }
0x27: {  	[spmem:s2] =	stream.indirect.scatter.add.f32 [tilespmem:s12], [sflag:$0x1], $0x10, s29, s13, $0xb8;
	[tilespmem:$0x5780] =	vst v63  }
0x28: {  	s30 =	simm.s32 $0x300  }
0x29: {  	[spmem:s2] =	stream.indirect.scatter.add.f32 [tilespmem:s12], [sflag:$0x1], $0x10, s30, s13, $0xb8;
	[tilespmem:$0x5780] =	vst v63  }
0x2a: {  	s31 =	simm.s32 $0x380  }
0x2b: {  	[spmem:s2] =	stream.indirect.scatter.add.f32 [tilespmem:s12], [sflag:$0x1], $0x10, s31, s13, $0xb8;
	[tilespmem:$0x5780] =	vst v63  }
0x2c: {  	_ =	swait.ge [sflag:s14], $0x800  }
0x2d: {  	[sflag:s14] =	ssyncset.done $0x0  }
0x2e: {  	[sflag:s14] =	ssyncadd.s32 $0xFFFFF800  }
0x2f: {  	_ =	swait.ge [sflag:s14], $0x800  }
0x30: {  	[sflag:s14] =	ssyncset.done $0x0  }
0x31: {  	[sflag:s14] =	ssyncadd.s32 $0xFFFFF800  }
0x32: {  	_ =	swait.ge [sflag:s14], $0x800  }
0x33: {  	[sflag:s14] =	ssyncset.done $0x0  }
0x34: {  	[sflag:s14] =	ssyncadd.s32 $0xFFFFF800  }
0x35: {  	_ =	swait.ge [sflag:s14], $0x800  }
0x36: {  	[sflag:s14] =	ssyncset.done $0x0  }
0x37: {  	[sflag:s14] =	ssyncadd.s32 $0xFFFFF800  }
0x38: {  	_ =	swait.ge [sflag:s14], $0x800  }
0x39: {  	[sflag:s14] =	ssyncset.done $0x0  }
0x3a: {  	[sflag:s14] =	ssyncadd.s32 $0xFFFFF800  }
0x3b: {  	_ =	swait.ge [sflag:s14], $0x800  }
0x3c: {  	[sflag:s14] =	ssyncset.done $0x0  }
0x3d: {  	[sflag:s14] =	ssyncadd.s32 $0xFFFFF800  }
0x3e: {  	_ =	swait.ge [sflag:s14], $0x800  }
0x3f: {  	[sflag:s14] =	ssyncset.done $0x0  }
0x40: {  	[sflag:s14] =	ssyncadd.s32 $0xFFFFF800  }
0x41: {  	_ =	swait.ge [sflag:s14], $0x800  }
0x42: {  	s18 =	simm.s32 $0x2000;
	s16 =	simm.s32 $0x1000;
	[sflag:s14] =	ssyncset.done $0x0  }
.LBB2_2:
0x43: {  	s19 =	sshra.s32 s16, $0x2  }
0x44: {  	[sflag:s14] =	ssyncadd.s32 $0xFFFFF800;
	s16 =	smov.u32 s18;
	s17 =	sadd.s32 $0x1000, s18  }
0x45: {  	[spmem:s2] =	stream.indirect.scatter.add.f32 [tilespmem:s12], [sflag:$0x1], $0x10, s19, s13, $0xb8;
	[tilespmem:$0x5780] =	vst v63  }
0x46: {  	p0 =	sne.s32 s18, $0x9000;
	s18 =	sadd.s32 $0x80, s19  }
0x47: {  	[spmem:s2] =	stream.indirect.scatter.add.f32 [tilespmem:s12], [sflag:$0x1], $0x10, s18, s13, $0xb8;
	[tilespmem:$0x5780] =	vst v63  }
0x48: {  	s18 =	sadd.s32 $0x100, s19  }
0x49: {  	[spmem:s2] =	stream.indirect.scatter.add.f32 [tilespmem:s12], [sflag:$0x1], $0x10, s18, s13, $0xb8;
	[tilespmem:$0x5780] =	vst v63  }
0x4a: {  	s18 =	sadd.s32 $0x180, s19  }
0x4b: {  	[spmem:s2] =	stream.indirect.scatter.add.f32 [tilespmem:s12], [sflag:$0x1], $0x10, s18, s13, $0xb8;
	[tilespmem:$0x5780] =	vst v63  }
0x4c: {  	s18 =	sadd.s32 $0x200, s19  }
0x4d: {  	[spmem:s2] =	stream.indirect.scatter.add.f32 [tilespmem:s12], [sflag:$0x1], $0x10, s18, s13, $0xb8;
	[tilespmem:$0x5780] =	vst v63  }
0x4e: {  	s18 =	sadd.s32 $0x280, s19  }
0x4f: {  	[spmem:s2] =	stream.indirect.scatter.add.f32 [tilespmem:s12], [sflag:$0x1], $0x10, s18, s13, $0xb8;
	[tilespmem:$0x5780] =	vst v63  }
0x50: {  	s18 =	sadd.s32 $0x300, s19  }
0x51: {  	[spmem:s2] =	stream.indirect.scatter.add.f32 [tilespmem:s12], [sflag:$0x1], $0x10, s18, s13, $0xb8;
	[tilespmem:$0x5780] =	vst v63  }
0x52: {  	s18 =	sadd.s32 $0x380, s19  }
0x53: {  	[spmem:s2] =	stream.indirect.scatter.add.f32 [tilespmem:s12], [sflag:$0x1], $0x10, s18, s13, $0xb8;
	[tilespmem:$0x5780] =	vst v63  }
0x54: {  	_ =	swait.ge [sflag:s14], $0x800  }
0x55: {  	[sflag:s14] =	ssyncset.done $0x0  }
0x56: {  	[sflag:s14] =	ssyncadd.s32 $0xFFFFF800  }
0x57: {  	_ =	swait.ge [sflag:s14], $0x800  }
0x58: {  	[sflag:s14] =	ssyncset.done $0x0  }
0x59: {  	[sflag:s14] =	ssyncadd.s32 $0xFFFFF800  }
0x5a: {  	_ =	swait.ge [sflag:s14], $0x800  }
0x5b: {  	[sflag:s14] =	ssyncset.done $0x0  }
0x5c: {  	[sflag:s14] =	ssyncadd.s32 $0xFFFFF800  }
0x5d: {  	_ =	swait.ge [sflag:s14], $0x800  }
0x5e: {  	[sflag:s14] =	ssyncset.done $0x0  }
0x5f: {  	[sflag:s14] =	ssyncadd.s32 $0xFFFFF800  }
0x60: {  	_ =	swait.ge [sflag:s14], $0x800  }
0x61: {  	[sflag:s14] =	ssyncset.done $0x0  }
0x62: {  	[sflag:s14] =	ssyncadd.s32 $0xFFFFF800  }
0x63: {  	_ =	swait.ge [sflag:s14], $0x800  }
0x64: {  	[sflag:s14] =	ssyncset.done $0x0  }
0x65: {  	[sflag:s14] =	ssyncadd.s32 $0xFFFFF800  }
.Ltmp0:
0x66: {  	_ =	swait.ge [sflag:s14], $0x800;
	(pc) =	sbr.rel @p0 .LBB2_2-.Ltmp0, $4  }
0x67: {  	[sflag:s14] =	ssyncset.done $0x0  }
0x68: {  	[sflag:s14] =	ssyncadd.s32 $0xFFFFF800  }
0x69: {  	_ =	swait.ge [sflag:s14], $0x800  }
0x6a: {  	s18 =	smov.u32 s17;
	[sflag:s14] =	ssyncset.done $0x0  }
0x6b: {  	s16 =	sshra.s32 s16, $0x2;
	[sflag:s14] =	ssyncadd.s32 $0xFFFFF800  }
0x6c: {  	[spmem:s2] =	stream.indirect.scatter.add.f32 [tilespmem:s12], [sflag:$0x1], $0x10, s16, s13, $0xb8;
	[tilespmem:$0x5780] =	vst v63  }
0x6d: {  	s17 =	sadd.s32 $0x80, s16  }
0x6e: {  	[spmem:s2] =	stream.indirect.scatter.add.f32 [tilespmem:s12], [sflag:$0x1], $0x10, s17, s13, $0xb8;
	[tilespmem:$0x5780] =	vst v63  }
0x6f: {  	s26 =	sadd.s32 $0x100, s16  }
0x70: {  	[spmem:s2] =	stream.indirect.scatter.add.f32 [tilespmem:s12], [sflag:$0x1], $0x10, s26, s13, $0xb8;
	[tilespmem:$0x5780] =	vst v63  }
0x71: {  	s28 =	sadd.s32 $0x180, s16  }
0x72: {  	[spmem:s2] =	stream.indirect.scatter.add.f32 [tilespmem:s12], [sflag:$0x1], $0x10, s28, s13, $0xb8;
	[tilespmem:$0x5780] =	vst v63  }
0x73: {  	s29 =	sadd.s32 $0x200, s16  }
0x74: {  	[spmem:s2] =	stream.indirect.scatter.add.f32 [tilespmem:s12], [sflag:$0x1], $0x10, s29, s13, $0xb8;
	[tilespmem:$0x5780] =	vst v63  }
0x75: {  	s30 =	sadd.s32 $0x280, s16  }
0x76: {  	[spmem:s2] =	stream.indirect.scatter.add.f32 [tilespmem:s12], [sflag:$0x1], $0x10, s30, s13, $0xb8;
	[tilespmem:$0x5780] =	vst v63  }
0x77: {  	s31 =	sadd.s32 $0x300, s16  }
0x78: {  	[spmem:s2] =	stream.indirect.scatter.add.f32 [tilespmem:s12], [sflag:$0x1], $0x10, s31, s13, $0xb8;
	[tilespmem:$0x5780] =	vst v63  }
0x79: {  	s16 =	sadd.s32 $0x380, s16  }
0x7a: {  	[spmem:s2] =	stream.indirect.scatter.add.f32 [tilespmem:s12], [sflag:$0x1], $0x10, s16, s13, $0xb8;
	[tilespmem:$0x5780] =	vst v63  }
0x7b: {  	_ =	swait.ge [sflag:s14], $0x800  }
0x7c: {  	[sflag:s14] =	ssyncset.done $0x0  }
0x7d: {  	[sflag:s14] =	ssyncadd.s32 $0xFFFFF800  }
0x7e: {  	_ =	swait.ge [sflag:s14], $0x800  }
0x7f: {  	[sflag:s14] =	ssyncset.done $0x0  }
0x80: {  	[sflag:s14] =	ssyncadd.s32 $0xFFFFF800  }
0x81: {  	_ =	swait.ge [sflag:s14], $0x800  }
0x82: {  	[sflag:s14] =	ssyncset.done $0x0  }
0x83: {  	[sflag:s14] =	ssyncadd.s32 $0xFFFFF800  }
0x84: {  	_ =	swait.ge [sflag:s14], $0x800  }
0x85: {  	[sflag:s14] =	ssyncset.done $0x0  }
0x86: {  	[sflag:s14] =	ssyncadd.s32 $0xFFFFF800  }
0x87: {  	_ =	swait.ge [sflag:s14], $0x800  }
0x88: {  	[sflag:s14] =	ssyncset.done $0x0  }
0x89: {  	[sflag:s14] =	ssyncadd.s32 $0xFFFFF800  }
0x8a: {  	_ =	swait.ge [sflag:s14], $0x800  }
0x8b: {  	[sflag:s14] =	ssyncset.done $0x0  }
0x8c: {  	[sflag:s14] =	ssyncadd.s32 $0xFFFFF800  }
0x8d: {  	_ =	swait.ge [sflag:s14], $0x800  }
0x8e: {  	[sflag:s14] =	ssyncset.done $0x0  }
0x8f: {  	[sflag:s14] =	ssyncadd.s32 $0xFFFFF800  }
0x90: {  	_ =	swait.ge [sflag:s14], $0x800  }
0x91: {  	s15 =	sadd.s32 $0x1, s15;
	[sflag:s14] =	ssyncset.done $0x0  }
0x92: {  	p0 =	sne.s32 s15, s9;
	[sflag:s14] =	ssyncadd.s32 $0xFFFFF800  }
.Ltmp1:
0x93: {  	[bflag:$0x0] =	sbarrier.arrive $0xFFFF;
	(pc) =	sbr.rel @p0 .LBB2_1-.Ltmp1, $4  }
0x94: {  	[hbm:s8], [sflag:s6] =	dma.local [spmem:s10], $0x4F0  }
0x95: {  	_ =	swait.ge [sflag:s11], $0x4F0  }
0x96: {  	[sflag:s11] =	ssyncset.done $0x0  }
0x97: {  	[sflag:s11] =	ssyncadd.s32 $0xFFFFFB10  }
0x98: {  	_ =	sfence.sel $0x180000  }
0x99: {  	[bflag:$0x0] =	sbarrier.arrive $0xFFFF  }
0x9a: {  	p0 =	sne.s32 s1, $0x0;
	_ =	strace $0x90000047  }
0x9b: {  	s0 =	sadd.s32 @!p0 $0x100000, s0;
	[bflag:$0x2] =	sbarrier.arrive $0xFFFF  }
0x9c: {  	[sflag:s0] =	ssyncadd.tile.s32 @!p0 $0x1;
	_ =	shalt  }
.Lfunc_end2:
_tile_overlayer_lowered:
.L_overlay_start_2:
0x9d: {  	(tag) =	ssettag $0x2  }
0x9e: {  	s0 =	rddreg [dreg:$0x0];
	s2 =	stileid.u32  }
0x9f: {  	s1 =	rddreg [dreg:$0x1];
	p0 =	sne.s32 s2, $0x0  }
0xa0: {  	s3 =	rddreg [dreg:$0x2];
	[bflag:$0x3] =	sbarrier.arrive $0xFFFF;
	s2 =	simm.s32 @!p0 $0x1C02  }
0xa1: {  	[timem:s3], [sflag:s2] =	dma.local @!p0 [hbm:s0], s1  }
0xa2: {  	s0 =	simm.s32 @!p0 $0x2  }
0xa3: {  	_ =	swait.ge @!p0 [sflag:s0], s1  }
0xa4: {  	s1 =	ssub.s32 @!p0 $0x0, s1;
	[sflag:s0] =	ssyncset.done @!p0 $0x0  }
0xa5: {  	[sflag:s0] =	ssyncadd.s32 @!p0 s1  }
0xa6: {  	[bflag:$0x3] =	sbarrier.arrive $0xFFFF  }
0xa7: {  	_ =	shalt  }

</sc_bundles>
